<compile_context>
chip_gen: v7x
topology: tpu7x:2x2x1
jax: 0.10.2.dev20260603
libtpu: 0.0.44.dev20260713+nightly
codegen_flags: <defaults>
</compile_context>

<pallas_src>
import functools

import jax
import jax.numpy as jnp
from jax import lax
from jax.experimental import pallas as pl
from jax.experimental.pallas import tpu as pltpu
from jax.experimental.pallas import tpu_sc as plsc

B = 64
V = 128000
D = 2048
K = 50

NB = 1024
CH = 6400
NCH = V // CH
VREGS = CH // 16
GRP = 16
NMAX = V // 16 // GRP
CAND = 2048
HB = 32
GH = 16
NEG_INF = float("-inf")
I32_MAX = 2**31 - 1


def _body(logits, emb, out, buf0, buf1, maxima, hist, cand_v, cand_i,
          sel_v, sel_i, wts, rows0, rows1, acc, hbbuf, blist,
          sem0, sem1, gsem0, gsem1, bsem):
    num_cores = 2
    wid = lax.axis_index("s") * num_cores + lax.axis_index("c")
    lane = lax.iota(jnp.int32, 16)
    ones = jnp.ones((16,), jnp.int32)
    zeros_f = jnp.zeros((16,), jnp.float32)
    ninf = jnp.full((16,), NEG_INF, jnp.float32)
    lane0 = lane == 0

    def to_bucket(x):
        bits = lax.bitcast_convert_type(x, jnp.int32)
        m = bits ^ (lax.shift_right_arithmetic(bits, 31)
                    | jnp.int32(-(2**31)))
        return lax.shift_right_logical(m, 22)

    def stream_row(row, process, carry0):
        rbase = row * V
        pltpu.make_async_copy(
            logits.at[pl.ds(rbase, CH)], buf0, sem0).start()

        def do_chunk(c, cur_buf, cur_sem, nxt_buf, nxt_sem, carry):
            @pl.when(c + 1 < NCH)
            def _():
                pltpu.make_async_copy(
                    logits.at[pl.ds(rbase + (c + 1) * CH, CH)],
                    nxt_buf, nxt_sem).start()
            pltpu.make_async_copy(
                logits.at[pl.ds(rbase + c * CH, CH)], cur_buf, cur_sem).wait()
            return process(carry, cur_buf, c)

        def pair(c2, carry):
            carry = do_chunk(2 * c2, buf0, sem0, buf1, sem1, carry)
            carry = do_chunk(2 * c2 + 1, buf1, sem1, buf0, sem0, carry)
            return carry

        return lax.fori_loop(0, NCH // 2, pair, carry0)

    def run_row(r_local, _):
        row = wid * 2 + r_local

        def max_chunk(gmax, buf, c):
            def grp16(g, gm):
                m = buf[pl.ds(g * GRP * 16, 16)]
                for u in range(1, GRP):
                    m = jnp.maximum(m, buf[pl.ds((g * GRP + u) * 16, 16)])
                maxima[pl.ds(c * (VREGS // GRP) * 16 + g * 16, 16)] = m
                return jnp.maximum(gm, m)
            return lax.fori_loop(0, VREGS // GRP, grp16, gmax)
        gmax = stream_row(row, max_chunk, ninf)

        def zero_hist(i, c):
            for u in range(8):
                hist[pl.ds((i * 8 + u) * 16, 16)] = jnp.zeros((16,), jnp.int32)
            return c
        lax.fori_loop(0, NB // 8, zero_hist, 0)

        def hist_vreg(i, c):
            addr = lax.shift_left(to_bucket(maxima[pl.ds(i * 16, 16)]),
                                  4) + lane
            plsc.addupdate_scatter(hist, [addr], ones)
            return c
        lax.fori_loop(0, NMAX, hist_vreg, 0)

        sb = jnp.max(to_bucket(gmax))

        def scan_cond(carry):
            b, cum = carry
            return (cum < K) & (b >= 0)

        def scan_body(carry):
            b, cum = carry
            return (b - 1, cum + jnp.sum(hist[pl.ds(b * 16, 16)]))
        bend, _ = lax.while_loop(scan_cond, scan_body, (sb, jnp.int32(0)))
        tb = bend + 1
        tbits = jnp.where(tb >= NB // 2,
                          lax.shift_left(tb - NB // 2, 22),
                          ~lax.shift_left(tb, 22))
        t_vec = lax.bitcast_convert_type(
            jnp.full((16,), tbits, jnp.int32), jnp.float32)

        def blkscan(i, hc):
            m = maxima[pl.ds(i * 16, 16)]
            hit = jnp.max(plsc.all_reduce_population_count(m >= t_vec))
            blist[hc] = i
            return hc + jnp.minimum(hit, 1)
        nhit = lax.fori_loop(0, NMAX, blkscan, jnp.int32(0))

        rbase = row * V

        def hchunk(cidx, off):
            base_h = cidx * HB

            def fire(q, c):
                @pl.when(base_h + q < nhit)
                def _():
                    bid = blist[base_h + q]
                    pltpu.make_async_copy(
                        logits.at[pl.ds(rbase + bid * 256, 256)],
                        hbbuf.at[q], bsem).start()
                return c
            lax.fori_loop(0, HB, fire, 0)

            def drain(q, c):
                @pl.when(base_h + q < nhit)
                def _():
                    pltpu.make_async_copy(
                        logits.at[pl.ds(rbase, 256)],
                        hbbuf.at[q], bsem).wait()
                return c
            lax.fori_loop(0, HB, drain, 0)

            def proc(q, off):
                def do(off):
                    bid = blist[base_h + q]

                    def one(i, off):
                        x = hbbuf[q, pl.ds(i * 16, 16)]
                        mask = x >= t_vec
                        ivec = jnp.full((16,), bid * 256 + i * 16,
                                        jnp.int32) + lane
                        plsc.store_compressed(cand_v.at[pl.ds(off, 16)], x,
                                              mask=mask)
                        plsc.store_compressed(cand_i.at[pl.ds(off, 16)], ivec,
                                              mask=mask)
                        cnt = jnp.max(plsc.all_reduce_population_count(mask))
                        return jnp.minimum(off + cnt, CAND)
                    return lax.fori_loop(0, 16, one, off)
                return lax.cond(base_h + q < nhit, do, lambda o: o, off)
            return lax.fori_loop(0, HB, proc, off)

        nhc = lax.shift_right_logical(nhit + HB - 1, 5)
        off = lax.fori_loop(0, nhc, hchunk, jnp.int32(0))

        cand_v[pl.ds(off, 16)] = ninf
        nv = lax.shift_right_logical(off + 15, 4)

        for j in range(4):
            sel_v[pl.ds(j * 16, 16)] = ninf
            sel_i[pl.ds(j * 16, 16)] = jnp.full((16,), j * 16, jnp.int32) + lane

        def pick(k, _):
            def vmax(j, best):
                return jnp.maximum(best, cand_v[pl.ds(j * 16, 16)])
            m = jnp.max(lax.fori_loop(0, nv, vmax, ninf))
            m_spl = jnp.full((16,), m, jnp.float32)

            def vsel(j, selv):
                eq = cand_v[pl.ds(j * 16, 16)] == m_spl
                return jnp.minimum(
                    selv, jnp.where(eq, cand_i[pl.ds(j * 16, 16)],
                                    jnp.full((16,), I32_MAX, jnp.int32)))
            sel = jnp.min(lax.fori_loop(
                0, nv, vsel, jnp.full((16,), I32_MAX, jnp.int32)))
            sel_spl = jnp.full((16,), sel, jnp.int32)

            def vclr(j, c):
                v = cand_v[pl.ds(j * 16, 16)]
                iv = cand_i[pl.ds(j * 16, 16)]
                kill = (v == m_spl) & (iv == sel_spl)
                cand_v[pl.ds(j * 16, 16)] = jnp.where(kill, ninf, v)
                return c
            lax.fori_loop(0, nv, vclr, 0)

            kk = jnp.full((16,), k, jnp.int32)
            plsc.store_scatter(sel_v, [kk], m_spl, mask=lane0)
            plsc.store_scatter(sel_i, [kk], sel_spl, mask=lane0)
            return 0
        lax.fori_loop(0, K, pick, 0)

        v0 = sel_v[pl.ds(0, 16)]
        v1 = sel_v[pl.ds(16, 16)]
        v2 = sel_v[pl.ds(32, 16)]
        v3 = sel_v[pl.ds(48, 16)]
        mmax = jnp.max(jnp.maximum(jnp.maximum(v0, v1),
                                   jnp.maximum(v2, v3)))
        m_spl = jnp.full((16,), mmax, jnp.float32)
        e0 = jnp.exp(v0 - m_spl)
        e1 = jnp.exp(v1 - m_spl)
        e2 = jnp.exp(v2 - m_spl)
        e3 = jnp.exp(v3 - m_spl)
        s = jnp.sum(e0 + e1 + e2 + e3)
        s_spl = jnp.full((16,), s, jnp.float32)
        wts[pl.ds(0, 16)] = e0 / s_spl
        wts[pl.ds(16, 16)] = e1 / s_spl
        wts[pl.ds(32, 16)] = e2 / s_spl
        wts[pl.ds(48, 16)] = e3 / s_spl

        def zero_acc(j, c):
            for u in range(8):
                acc[pl.ds((j * 8 + u) * 16, 16)] = zeros_f
            return c
        lax.fori_loop(0, D // 128, zero_acc, 0)

        nbat = 64 // GH
        bufs = (rows0, rows1)
        sems = (gsem0, gsem1)
        descs = [None] * nbat
        descs[0] = pltpu.async_copy(
            emb.at[sel_i.at[pl.ds(0, GH)]], rows0, gsem0)
        for g in range(nbat):
            rows = bufs[g % 2]
            if g + 1 < nbat:
                descs[g + 1] = pltpu.async_copy(
                    emb.at[sel_i.at[pl.ds((g + 1) * GH, GH)]],
                    bufs[(g + 1) % 2], sems[(g + 1) % 2])
            descs[g].wait()

            def mix_row(r, c):
                w_spl = plsc.load_gather(
                    wts, [jnp.full((16,), g * GH + r, jnp.int32)])

                def fma(jo, cc):
                    for u in range(8):
                        j = jo * 8 + u
                        plsc.addupdate(
                            acc.at[pl.ds(j * 16, 16)],
                            w_spl * rows[r, pl.ds(j * 16, 16)])
                    return cc
                return lax.fori_loop(0, D // 128, fma, c)
            lax.fori_loop(0, GH, mix_row, 0)

        pltpu.sync_copy(acc, out.at[pl.ds(row * D, D)])
        return 0

    lax.fori_loop(0, 2, run_row, 0)


@jax.jit
def kernel(logits, emb_weight):
    mesh = plsc.VectorSubcoreMesh(core_axis_name="c", subcore_axis_name="s")
    k = functools.partial(
        pl.kernel,
        out_type=jax.ShapeDtypeStruct((B * D,), jnp.float32),
        mesh=mesh,
        compiler_params=pltpu.CompilerParams(needs_layout_passes=False),
        scratch_types=[
            pltpu.VMEM((CH,), jnp.float32),
            pltpu.VMEM((CH,), jnp.float32),
            pltpu.VMEM((V // 16,), jnp.float32),
            pltpu.VMEM((NB * 16,), jnp.int32),
            pltpu.VMEM((CAND + 16,), jnp.float32),
            pltpu.VMEM((CAND + 16,), jnp.int32),
            pltpu.VMEM((64,), jnp.float32),
            pltpu.VMEM((64,), jnp.int32),
            pltpu.VMEM((64,), jnp.float32),
            pltpu.VMEM((GH, D), jnp.float32),
            pltpu.VMEM((GH, D), jnp.float32),
            pltpu.VMEM((D,), jnp.float32),
            pltpu.VMEM((HB, 256), jnp.float32),
            pltpu.SMEM((512,), jnp.int32),
            pltpu.SemaphoreType.DMA,
            pltpu.SemaphoreType.DMA,
            pltpu.SemaphoreType.DMA,
            pltpu.SemaphoreType.DMA,
            pltpu.SemaphoreType.DMA,
        ],
    )(_body)
    return k(logits.reshape(B * V), emb_weight).reshape(B, D)

# --- scband reference (transcript-rebuilt; emitter-appended) ---
"""Pipeline reference for scband-soft-thinking-mixer-7559142441428 (READ-ONLY COPY).

The authoritative reference and input builder live on the scoring server;
editing this copy changes nothing except your own understanding.
"""

import jax, jax.numpy as jnp
import numpy as np

D_MODEL = 2048
VOCAB = 128000
TOP_K = 50
TEMPERATURE = 1.0
RENORMALIZE = True
BATCH = 64


def setup_inputs(seed: int = 0) -> dict:
    key = jax.random.key(seed)
    k1, k2 = jax.random.split(key)
    logits = jax.random.normal(k1, (BATCH, VOCAB), dtype=jnp.float32)
    emb_weight = jax.random.normal(k2, (VOCAB, D_MODEL), dtype=jnp.float32) * 0.02
    return {"logits": logits, "emb_weight": emb_weight}


def reference(logits, emb_weight):
    # logits: [B, V]  -> treat as [B, 1, V] internally like the torch module
    is_2d = logits.ndim == 2
    if is_2d:
        logits = logits[:, None, :]
    B, T, V = logits.shape
    k = min(TOP_K, V)
    scaled = logits / TEMPERATURE
    probs = jax.nn.softmax(scaled, axis=-1)
    topk_weights, topk_indices = jax.lax.top_k(probs, k)  # [B, T, k]
    if RENORMALIZE:
        topk_weights = topk_weights / jnp.sum(topk_weights, axis=-1, keepdims=True)
    flat_indices = topk_indices.reshape(-1)
    flat_embeddings = jnp.take(emb_weight, flat_indices, axis=0)  # [B*T*k, d]
    d = emb_weight.shape[-1]
    embeddings = flat_embeddings.reshape(B, T, k, d)
    soft_emb = jnp.sum(topk_weights[..., None] * embeddings, axis=-2)  # [B, T, d]
    if is_2d:
        soft_emb = soft_emb[:, 0, :]
    return soft_emb

if __name__ == "__main__":
    import jax
    _d = setup_inputs()
    print(jax.jit(kernel)(*tuple(_d.values())))

</pallas_src>

<mosaic_0001>
#map = affine_map<(d0, d1) -> (0)>
#map1 = affine_map<(d0, d1) -> (0, 0)>
module attributes {stable_mosaic.version = 14 : i64} {
  func.func @_body(%arg0: i32, %arg1: i32, %arg2: memref<8192000xf32, #tpu.memory_space<hbm>>, %arg3: memref<128000x2048xf32, #tpu.memory_space<hbm>>, %arg4: memref<131072xf32, #tpu.memory_space<hbm>>, %arg5: memref<6400xf32, #tpu.memory_space<vmem>>, %arg6: memref<6400xf32, #tpu.memory_space<vmem>>, %arg7: memref<8000xf32, #tpu.memory_space<vmem>>, %arg8: memref<16384xi32, #tpu.memory_space<vmem>>, %arg9: memref<2064xf32, #tpu.memory_space<vmem>>, %arg10: memref<2064xi32, #tpu.memory_space<vmem>>, %arg11: memref<64xf32, #tpu.memory_space<vmem>>, %arg12: memref<64xi32, #tpu.memory_space<vmem>>, %arg13: memref<64xf32, #tpu.memory_space<vmem>>, %arg14: memref<16x2048xf32, #tpu.memory_space<vmem>>, %arg15: memref<16x2048xf32, #tpu.memory_space<vmem>>, %arg16: memref<2048xf32, #tpu.memory_space<vmem>>, %arg17: memref<32x256xf32, #tpu.memory_space<vmem>>, %arg18: memref<512xi32, #tpu.memory_space<smem>>, %arg19: memref<!tpu.dma_semaphore, #tpu.memory_space<semaphore_mem>>, %arg20: memref<!tpu.dma_semaphore, #tpu.memory_space<semaphore_mem>>, %arg21: memref<!tpu.dma_semaphore, #tpu.memory_space<semaphore_mem>>, %arg22: memref<!tpu.dma_semaphore, #tpu.memory_space<semaphore_mem>>, %arg23: memref<!tpu.dma_semaphore, #tpu.memory_space<semaphore_mem>>) attributes {dimension_semantics = [#tpu.dimension_semantics<core_parallel>, #tpu.dimension_semantics<subcore_parallel>], iteration_bounds = array<i64: 2, 16>, scalar_prefetch = 0 : i64, scratch_operands = 19 : i64, tpu.core_type = #tpu.core_type<sc_vector_subcore>, window_params = [{transform_indices = #map}, {transform_indices = #map1}, {transform_indices = #map}]} {
    %mul3A = arith.constant 2 : i32
    %mul3A_0 = arith.muli %arg1, %mul3A : i32
    %add3A = arith.addi %mul3A_0, %arg0 : i32
    %iota3A = tpu.iota {dimensions = array<i32: 0>} : vector<16xi32>
    %broadcast_in_dim3A = arith.constant 1 : i32
    %broadcast_in_dim3A_1 = vector.broadcast %broadcast_in_dim3A : i32 to vector<16xi32>
    %broadcast_in_dim3A_2 = arith.constant 0.000000e+00 : f32
    %broadcast_in_dim3A_3 = vector.broadcast %broadcast_in_dim3A_2 : f32 to vector<16xf32>
    %broadcast_in_dim3A_4 = arith.constant 0xFF800000 : f32
    %broadcast_in_dim3A_5 = vector.broadcast %broadcast_in_dim3A_4 : f32 to vector<16xf32>
    %eq3A = arith.constant 0 : i32
    %eq3A_6 = vector.broadcast %eq3A : i32 to vector<16xi32>
    %eq3A_7 = arith.cmpi eq, %iota3A, %eq3A_6 : vector<16xi32>
    %scan3A = arith.constant 0 : i32
    %scan3A_8 = arith.constant 0 : i32
    %scan3A_9 = arith.constant 2 : i32
    %scan3A_10 = arith.addi %scan3A_8, %scan3A_9 : i32
    %scan3A_11 = arith.constant 1 : i32
    %scan3A_12 = scf.for %scan3A_14 = %scan3A_8 to %scan3A_10 step %scan3A_11 iter_args(%scan3A_15 = %scan3A) -> (i32)  : i32 {
      %mul3A_16 = arith.constant 2 : i32
      %mul3A_17 = arith.muli %add3A, %mul3A_16 : i32
      %add3A_18 = arith.addi %mul3A_17, %scan3A_14 : i32
      %mul3A_19 = arith.constant 128000 : i32
      %mul3A_20 = arith.muli %add3A_18, %mul3A_19 : i32
      %dma_start3A = tpu.memref_slice %arg2[%mul3A_20] : memref<8192000xf32, #tpu.memory_space<hbm>> -> memref<6400xf32, #tpu.memory_space<hbm>>
      %dma_start3A_21 = tpu.memref_slice %arg2[%mul3A_20] : memref<8192000xf32, #tpu.memory_space<hbm>> -> memref<6400xf32, #tpu.memory_space<hbm>>
      tpu.enqueue_dma source(%dma_start3A_21 : memref<6400xf32, #tpu.memory_space<hbm>>) target(%arg5 : memref<6400xf32, #tpu.memory_space<vmem>>) target_semaphore(%arg19 : memref<!tpu.dma_semaphore, #tpu.memory_space<semaphore_mem>>)
      %scan3A_22 = arith.constant 0 : i32
      %scan3A_23 = arith.constant 10 : i32
      %scan3A_24 = arith.addi %scan3A_22, %scan3A_23 : i32
      %scan3A_25 = arith.constant 1 : i32
      %scan3A_26 = scf.for %scan3A_242 = %scan3A_22 to %scan3A_24 step %scan3A_25 iter_args(%scan3A_243 = %broadcast_in_dim3A_5) -> (vector<16xf32>)  : i32 {
        %mul3A_244 = arith.constant 2 : i32
        %mul3A_245 = arith.muli %mul3A_244, %scan3A_242 : i32
        %add3A_246 = arith.constant 1 : i32
        %add3A_247 = arith.addi %mul3A_245, %add3A_246 : i32
        %lt3A = arith.constant 20 : i32
        %lt3A_248 = arith.cmpi slt, %add3A_247, %lt3A : i32
        %convert_element_type3A = arith.extui %lt3A_248 : i1 to i32
        %cond3A = arith.constant 0 : i32
        %cond3A_249 = arith.cmpi ne, %convert_element_type3A, %cond3A : i32
        scf.if %cond3A_249 {
          %add3A_283 = arith.constant 1 : i32
          %add3A_284 = arith.addi %mul3A_245, %add3A_283 : i32
          %mul3A_285 = arith.constant 6400 : i32
          %mul3A_286 = arith.muli %add3A_284, %mul3A_285 : i32
          %add3A_287 = arith.addi %mul3A_20, %mul3A_286 : i32
          %dma_start3A_288 = tpu.memref_slice %arg2[%add3A_287] : memref<8192000xf32, #tpu.memory_space<hbm>> -> memref<6400xf32, #tpu.memory_space<hbm>>
          %dma_start3A_289 = tpu.memref_slice %arg2[%add3A_287] : memref<8192000xf32, #tpu.memory_space<hbm>> -> memref<6400xf32, #tpu.memory_space<hbm>>
          tpu.enqueue_dma source(%dma_start3A_289 : memref<6400xf32, #tpu.memory_space<hbm>>) target(%arg6 : memref<6400xf32, #tpu.memory_space<vmem>>) target_semaphore(%arg20 : memref<!tpu.dma_semaphore, #tpu.memory_space<semaphore_mem>>)
        } else {
        }
        %mul3A_250 = arith.constant 6400 : i32
        %mul3A_251 = arith.muli %mul3A_245, %mul3A_250 : i32
        %add3A_252 = arith.addi %mul3A_20, %mul3A_251 : i32
        %dma_wait3A_253 = tpu.memref_slice %arg2[%add3A_252] : memref<8192000xf32, #tpu.memory_space<hbm>> -> memref<6400xf32, #tpu.memory_space<hbm>>
        %dma_wait3A_254 = tpu.memref_slice %arg2[%add3A_252] : memref<8192000xf32, #tpu.memory_space<hbm>> -> memref<6400xf32, #tpu.memory_space<hbm>>
        tpu.wait_dma2 semaphore(%arg19 : memref<!tpu.dma_semaphore, #tpu.memory_space<semaphore_mem>>) src(%dma_wait3A_254 : memref<6400xf32, #tpu.memory_space<hbm>>) dst(%arg5 : memref<6400xf32, #tpu.memory_space<vmem>>)
        %scan3A_255 = arith.constant 0 : i32
        %scan3A_256 = arith.constant 25 : i32
        %scan3A_257 = arith.addi %scan3A_255, %scan3A_256 : i32
        %scan3A_258 = arith.constant 1 : i32
        %scan3A_259 = scf.for %scan3A_283 = %scan3A_255 to %scan3A_257 step %scan3A_258 iter_args(%scan3A_284 = %scan3A_243) -> (vector<16xf32>)  : i32 {
          %mul3A_285 = arith.constant 16 : i32
          %mul3A_286 = arith.muli %scan3A_283, %mul3A_285 : i32
          %mul3A_287 = arith.constant 16 : i32
          %mul3A_288 = arith.muli %mul3A_286, %mul3A_287 : i32
          %get3A_289 = arith.index_cast %mul3A_288 : i32 to index
          %get3A_290 = tpu.vector_load %arg5[%get3A_289] {strides = array<i32>} : memref<6400xf32, #tpu.memory_space<vmem>>, vector<16xf32>,
          %mul3A_291 = arith.constant 16 : i32
          %mul3A_292 = arith.muli %scan3A_283, %mul3A_291 : i32
          %add3A_293 = arith.constant 1 : i32
          %add3A_294 = arith.addi %mul3A_292, %add3A_293 : i32
          %mul3A_295 = arith.constant 16 : i32
          %mul3A_296 = arith.muli %add3A_294, %mul3A_295 : i32
          %get3A_297 = arith.index_cast %mul3A_296 : i32 to index
          %get3A_298 = tpu.vector_load %arg5[%get3A_297] {strides = array<i32>} : memref<6400xf32, #tpu.memory_space<vmem>>, vector<16xf32>,
          %max3A_299 = arith.maximumf %get3A_290, %get3A_298 : vector<16xf32>
          %mul3A_300 = arith.constant 16 : i32
          %mul3A_301 = arith.muli %scan3A_283, %mul3A_300 : i32
          %add3A_302 = arith.constant 2 : i32
          %add3A_303 = arith.addi %mul3A_301, %add3A_302 : i32
          %mul3A_304 = arith.constant 16 : i32
          %mul3A_305 = arith.muli %add3A_303, %mul3A_304 : i32
          %get3A_306 = arith.index_cast %mul3A_305 : i32 to index
          %get3A_307 = tpu.vector_load %arg5[%get3A_306] {strides = array<i32>} : memref<6400xf32, #tpu.memory_space<vmem>>, vector<16xf32>,
          %max3A_308 = arith.maximumf %max3A_299, %get3A_307 : vector<16xf32>
          %mul3A_309 = arith.constant 16 : i32
          %mul3A_310 = arith.muli %scan3A_283, %mul3A_309 : i32
          %add3A_311 = arith.constant 3 : i32
          %add3A_312 = arith.addi %mul3A_310, %add3A_311 : i32
          %mul3A_313 = arith.constant 16 : i32
          %mul3A_314 = arith.muli %add3A_312, %mul3A_313 : i32
          %get3A_315 = arith.index_cast %mul3A_314 : i32 to index
          %get3A_316 = tpu.vector_load %arg5[%get3A_315] {strides = array<i32>} : memref<6400xf32, #tpu.memory_space<vmem>>, vector<16xf32>,
          %max3A_317 = arith.maximumf %max3A_308, %get3A_316 : vector<16xf32>
          %mul3A_318 = arith.constant 16 : i32
          %mul3A_319 = arith.muli %scan3A_283, %mul3A_318 : i32
          %add3A_320 = arith.constant 4 : i32
          %add3A_321 = arith.addi %mul3A_319, %add3A_320 : i32
          %mul3A_322 = arith.constant 16 : i32
          %mul3A_323 = arith.muli %add3A_321, %mul3A_322 : i32
          %get3A_324 = arith.index_cast %mul3A_323 : i32 to index
          %get3A_325 = tpu.vector_load %arg5[%get3A_324] {strides = array<i32>} : memref<6400xf32, #tpu.memory_space<vmem>>, vector<16xf32>,
          %max3A_326 = arith.maximumf %max3A_317, %get3A_325 : vector<16xf32>
          %mul3A_327 = arith.constant 16 : i32
          %mul3A_328 = arith.muli %scan3A_283, %mul3A_327 : i32
          %add3A_329 = arith.constant 5 : i32
          %add3A_330 = arith.addi %mul3A_328, %add3A_329 : i32
          %mul3A_331 = arith.constant 16 : i32
          %mul3A_332 = arith.muli %add3A_330, %mul3A_331 : i32
          %get3A_333 = arith.index_cast %mul3A_332 : i32 to index
          %get3A_334 = tpu.vector_load %arg5[%get3A_333] {strides = array<i32>} : memref<6400xf32, #tpu.memory_space<vmem>>, vector<16xf32>,
          %max3A_335 = arith.maximumf %max3A_326, %get3A_334 : vector<16xf32>
          %mul3A_336 = arith.constant 16 : i32
          %mul3A_337 = arith.muli %scan3A_283, %mul3A_336 : i32
          %add3A_338 = arith.constant 6 : i32
          %add3A_339 = arith.addi %mul3A_337, %add3A_338 : i32
          %mul3A_340 = arith.constant 16 : i32
          %mul3A_341 = arith.muli %add3A_339, %mul3A_340 : i32
          %get3A_342 = arith.index_cast %mul3A_341 : i32 to index
          %get3A_343 = tpu.vector_load %arg5[%get3A_342] {strides = array<i32>} : memref<6400xf32, #tpu.memory_space<vmem>>, vector<16xf32>,
          %max3A_344 = arith.maximumf %max3A_335, %get3A_343 : vector<16xf32>
          %mul3A_345 = arith.constant 16 : i32
          %mul3A_346 = arith.muli %scan3A_283, %mul3A_345 : i32
          %add3A_347 = arith.constant 7 : i32
          %add3A_348 = arith.addi %mul3A_346, %add3A_347 : i32
          %mul3A_349 = arith.constant 16 : i32
          %mul3A_350 = arith.muli %add3A_348, %mul3A_349 : i32
          %get3A_351 = arith.index_cast %mul3A_350 : i32 to index
          %get3A_352 = tpu.vector_load %arg5[%get3A_351] {strides = array<i32>} : memref<6400xf32, #tpu.memory_space<vmem>>, vector<16xf32>,
          %max3A_353 = arith.maximumf %max3A_344, %get3A_352 : vector<16xf32>
          %mul3A_354 = arith.constant 16 : i32
          %mul3A_355 = arith.muli %scan3A_283, %mul3A_354 : i32
          %add3A_356 = arith.constant 8 : i32
          %add3A_357 = arith.addi %mul3A_355, %add3A_356 : i32
          %mul3A_358 = arith.constant 16 : i32
          %mul3A_359 = arith.muli %add3A_357, %mul3A_358 : i32
          %get3A_360 = arith.index_cast %mul3A_359 : i32 to index
          %get3A_361 = tpu.vector_load %arg5[%get3A_360] {strides = array<i32>} : memref<6400xf32, #tpu.memory_space<vmem>>, vector<16xf32>,
          %max3A_362 = arith.maximumf %max3A_353, %get3A_361 : vector<16xf32>
          %mul3A_363 = arith.constant 16 : i32
          %mul3A_364 = arith.muli %scan3A_283, %mul3A_363 : i32
          %add3A_365 = arith.constant 9 : i32
          %add3A_366 = arith.addi %mul3A_364, %add3A_365 : i32
          %mul3A_367 = arith.constant 16 : i32
          %mul3A_368 = arith.muli %add3A_366, %mul3A_367 : i32
          %get3A_369 = arith.index_cast %mul3A_368 : i32 to index
          %get3A_370 = tpu.vector_load %arg5[%get3A_369] {strides = array<i32>} : memref<6400xf32, #tpu.memory_space<vmem>>, vector<16xf32>,
          %max3A_371 = arith.maximumf %max3A_362, %get3A_370 : vector<16xf32>
          %mul3A_372 = arith.constant 16 : i32
          %mul3A_373 = arith.muli %scan3A_283, %mul3A_372 : i32
          %add3A_374 = arith.constant 10 : i32
          %add3A_375 = arith.addi %mul3A_373, %add3A_374 : i32
          %mul3A_376 = arith.constant 16 : i32
          %mul3A_377 = arith.muli %add3A_375, %mul3A_376 : i32
          %get3A_378 = arith.index_cast %mul3A_377 : i32 to index
          %get3A_379 = tpu.vector_load %arg5[%get3A_378] {strides = array<i32>} : memref<6400xf32, #tpu.memory_space<vmem>>, vector<16xf32>,
          %max3A_380 = arith.maximumf %max3A_371, %get3A_379 : vector<16xf32>
          %mul3A_381 = arith.constant 16 : i32
          %mul3A_382 = arith.muli %scan3A_283, %mul3A_381 : i32
          %add3A_383 = arith.constant 11 : i32
          %add3A_384 = arith.addi %mul3A_382, %add3A_383 : i32
          %mul3A_385 = arith.constant 16 : i32
          %mul3A_386 = arith.muli %add3A_384, %mul3A_385 : i32
          %get3A_387 = arith.index_cast %mul3A_386 : i32 to index
          %get3A_388 = tpu.vector_load %arg5[%get3A_387] {strides = array<i32>} : memref<6400xf32, #tpu.memory_space<vmem>>, vector<16xf32>,
          %max3A_389 = arith.maximumf %max3A_380, %get3A_388 : vector<16xf32>
          %mul3A_390 = arith.constant 16 : i32
          %mul3A_391 = arith.muli %scan3A_283, %mul3A_390 : i32
          %add3A_392 = arith.constant 12 : i32
          %add3A_393 = arith.addi %mul3A_391, %add3A_392 : i32
          %mul3A_394 = arith.constant 16 : i32
          %mul3A_395 = arith.muli %add3A_393, %mul3A_394 : i32
          %get3A_396 = arith.index_cast %mul3A_395 : i32 to index
          %get3A_397 = tpu.vector_load %arg5[%get3A_396] {strides = array<i32>} : memref<6400xf32, #tpu.memory_space<vmem>>, vector<16xf32>,
          %max3A_398 = arith.maximumf %max3A_389, %get3A_397 : vector<16xf32>
          %mul3A_399 = arith.constant 16 : i32
          %mul3A_400 = arith.muli %scan3A_283, %mul3A_399 : i32
          %add3A_401 = arith.constant 13 : i32
          %add3A_402 = arith.addi %mul3A_400, %add3A_401 : i32
          %mul3A_403 = arith.constant 16 : i32
          %mul3A_404 = arith.muli %add3A_402, %mul3A_403 : i32
          %get3A_405 = arith.index_cast %mul3A_404 : i32 to index
          %get3A_406 = tpu.vector_load %arg5[%get3A_405] {strides = array<i32>} : memref<6400xf32, #tpu.memory_space<vmem>>, vector<16xf32>,
          %max3A_407 = arith.maximumf %max3A_398, %get3A_406 : vector<16xf32>
          %mul3A_408 = arith.constant 16 : i32
          %mul3A_409 = arith.muli %scan3A_283, %mul3A_408 : i32
          %add3A_410 = arith.constant 14 : i32
          %add3A_411 = arith.addi %mul3A_409, %add3A_410 : i32
          %mul3A_412 = arith.constant 16 : i32
          %mul3A_413 = arith.muli %add3A_411, %mul3A_412 : i32
          %get3A_414 = arith.index_cast %mul3A_413 : i32 to index
          %get3A_415 = tpu.vector_load %arg5[%get3A_414] {strides = array<i32>} : memref<6400xf32, #tpu.memory_space<vmem>>, vector<16xf32>,
          %max3A_416 = arith.maximumf %max3A_407, %get3A_415 : vector<16xf32>
          %mul3A_417 = arith.constant 16 : i32
          %mul3A_418 = arith.muli %scan3A_283, %mul3A_417 : i32
          %add3A_419 = arith.constant 15 : i32
          %add3A_420 = arith.addi %mul3A_418, %add3A_419 : i32
          %mul3A_421 = arith.constant 16 : i32
          %mul3A_422 = arith.muli %add3A_420, %mul3A_421 : i32
          %get3A_423 = arith.index_cast %mul3A_422 : i32 to index
          %get3A_424 = tpu.vector_load %arg5[%get3A_423] {strides = array<i32>} : memref<6400xf32, #tpu.memory_space<vmem>>, vector<16xf32>,
          %max3A_425 = arith.maximumf %max3A_416, %get3A_424 : vector<16xf32>
          %mul3A_426 = arith.constant 25 : i32
          %mul3A_427 = arith.muli %mul3A_245, %mul3A_426 : i32
          %mul3A_428 = arith.constant 16 : i32
          %mul3A_429 = arith.muli %mul3A_427, %mul3A_428 : i32
          %mul3A_430 = arith.constant 16 : i32
          %mul3A_431 = arith.muli %scan3A_283, %mul3A_430 : i32
          %add3A_432 = arith.addi %mul3A_429, %mul3A_431 : i32
          %swap3A_433 = arith.index_cast %add3A_432 : i32 to index
          %swap3A_434 = tpu.vector_load %arg7[%swap3A_433] {strides = array<i32>} : memref<8000xf32, #tpu.memory_space<vmem>>, vector<16xf32>,
          tpu.vector_store %arg7[%swap3A_433], %max3A_425 {strides = array<i32>} : memref<8000xf32, #tpu.memory_space<vmem>>, vector<16xf32>,
          %max3A_435 = arith.maximumf %scan3A_284, %max3A_425 : vector<16xf32>
          scf.yield %max3A_435 : vector<16xf32>
        }
        %scan3A_260 = arith.constant 25 : i32
        %mul3A_261 = arith.constant 2 : i32
        %mul3A_262 = arith.muli %mul3A_261, %scan3A_242 : i32
        %add3A_263 = arith.constant 1 : i32
        %add3A_264 = arith.addi %mul3A_262, %add3A_263 : i32
        %add3A_265 = arith.constant 1 : i32
        %add3A_266 = arith.addi %add3A_264, %add3A_265 : i32
        %lt3A_267 = arith.constant 20 : i32
        %lt3A_268 = arith.cmpi slt, %add3A_266, %lt3A_267 : i32
        %convert_element_type3A_269 = arith.extui %lt3A_268 : i1 to i32
        %cond3A_270 = arith.constant 0 : i32
        %cond3A_271 = arith.cmpi ne, %convert_element_type3A_269, %cond3A_270 : i32
        scf.if %cond3A_271 {
          %add3A_283 = arith.constant 1 : i32
          %add3A_284 = arith.addi %add3A_264, %add3A_283 : i32
          %mul3A_285 = arith.constant 6400 : i32
          %mul3A_286 = arith.muli %add3A_284, %mul3A_285 : i32
          %add3A_287 = arith.addi %mul3A_20, %mul3A_286 : i32
          %dma_start3A_288 = tpu.memref_slice %arg2[%add3A_287] : memref<8192000xf32, #tpu.memory_space<hbm>> -> memref<6400xf32, #tpu.memory_space<hbm>>
          %dma_start3A_289 = tpu.memref_slice %arg2[%add3A_287] : memref<8192000xf32, #tpu.memory_space<hbm>> -> memref<6400xf32, #tpu.memory_space<hbm>>
          tpu.enqueue_dma source(%dma_start3A_289 : memref<6400xf32, #tpu.memory_space<hbm>>) target(%arg5 : memref<6400xf32, #tpu.memory_space<vmem>>) target_semaphore(%arg19 : memref<!tpu.dma_semaphore, #tpu.memory_space<semaphore_mem>>)
        } else {
        }
        %mul3A_272 = arith.constant 6400 : i32
        %mul3A_273 = arith.muli %add3A_264, %mul3A_272 : i32
        %add3A_274 = arith.addi %mul3A_20, %mul3A_273 : i32
        %dma_wait3A_275 = tpu.memref_slice %arg2[%add3A_274] : memref<8192000xf32, #tpu.memory_space<hbm>> -> memref<6400xf32, #tpu.memory_space<hbm>>
        %dma_wait3A_276 = tpu.memref_slice %arg2[%add3A_274] : memref<8192000xf32, #tpu.memory_space<hbm>> -> memref<6400xf32, #tpu.memory_space<hbm>>
        tpu.wait_dma2 semaphore(%arg20 : memref<!tpu.dma_semaphore, #tpu.memory_space<semaphore_mem>>) src(%dma_wait3A_276 : memref<6400xf32, #tpu.memory_space<hbm>>) dst(%arg6 : memref<6400xf32, #tpu.memory_space<vmem>>)
        %scan3A_277 = arith.constant 0 : i32
        %scan3A_278 = arith.constant 25 : i32
        %scan3A_279 = arith.addi %scan3A_277, %scan3A_278 : i32
        %scan3A_280 = arith.constant 1 : i32
        %scan3A_281 = scf.for %scan3A_283 = %scan3A_277 to %scan3A_279 step %scan3A_280 iter_args(%scan3A_284 = %scan3A_259) -> (vector<16xf32>)  : i32 {
          %mul3A_285 = arith.constant 16 : i32
          %mul3A_286 = arith.muli %scan3A_283, %mul3A_285 : i32
          %mul3A_287 = arith.constant 16 : i32
          %mul3A_288 = arith.muli %mul3A_286, %mul3A_287 : i32
          %get3A_289 = arith.index_cast %mul3A_288 : i32 to index
          %get3A_290 = tpu.vector_load %arg6[%get3A_289] {strides = array<i32>} : memref<6400xf32, #tpu.memory_space<vmem>>, vector<16xf32>,
          %mul3A_291 = arith.constant 16 : i32
          %mul3A_292 = arith.muli %scan3A_283, %mul3A_291 : i32
          %add3A_293 = arith.constant 1 : i32
          %add3A_294 = arith.addi %mul3A_292, %add3A_293 : i32
          %mul3A_295 = arith.constant 16 : i32
          %mul3A_296 = arith.muli %add3A_294, %mul3A_295 : i32
          %get3A_297 = arith.index_cast %mul3A_296 : i32 to index
          %get3A_298 = tpu.vector_load %arg6[%get3A_297] {strides = array<i32>} : memref<6400xf32, #tpu.memory_space<vmem>>, vector<16xf32>,
          %max3A_299 = arith.maximumf %get3A_290, %get3A_298 : vector<16xf32>
          %mul3A_300 = arith.constant 16 : i32
          %mul3A_301 = arith.muli %scan3A_283, %mul3A_300 : i32
          %add3A_302 = arith.constant 2 : i32
          %add3A_303 = arith.addi %mul3A_301, %add3A_302 : i32
          %mul3A_304 = arith.constant 16 : i32
          %mul3A_305 = arith.muli %add3A_303, %mul3A_304 : i32
          %get3A_306 = arith.index_cast %mul3A_305 : i32 to index
          %get3A_307 = tpu.vector_load %arg6[%get3A_306] {strides = array<i32>} : memref<6400xf32, #tpu.memory_space<vmem>>, vector<16xf32>,
          %max3A_308 = arith.maximumf %max3A_299, %get3A_307 : vector<16xf32>
          %mul3A_309 = arith.constant 16 : i32
          %mul3A_310 = arith.muli %scan3A_283, %mul3A_309 : i32
          %add3A_311 = arith.constant 3 : i32
          %add3A_312 = arith.addi %mul3A_310, %add3A_311 : i32
          %mul3A_313 = arith.constant 16 : i32
          %mul3A_314 = arith.muli %add3A_312, %mul3A_313 : i32
          %get3A_315 = arith.index_cast %mul3A_314 : i32 to index
          %get3A_316 = tpu.vector_load %arg6[%get3A_315] {strides = array<i32>} : memref<6400xf32, #tpu.memory_space<vmem>>, vector<16xf32>,
          %max3A_317 = arith.maximumf %max3A_308, %get3A_316 : vector<16xf32>
          %mul3A_318 = arith.constant 16 : i32
          %mul3A_319 = arith.muli %scan3A_283, %mul3A_318 : i32
          %add3A_320 = arith.constant 4 : i32
          %add3A_321 = arith.addi %mul3A_319, %add3A_320 : i32
          %mul3A_322 = arith.constant 16 : i32
          %mul3A_323 = arith.muli %add3A_321, %mul3A_322 : i32
          %get3A_324 = arith.index_cast %mul3A_323 : i32 to index
          %get3A_325 = tpu.vector_load %arg6[%get3A_324] {strides = array<i32>} : memref<6400xf32, #tpu.memory_space<vmem>>, vector<16xf32>,
          %max3A_326 = arith.maximumf %max3A_317, %get3A_325 : vector<16xf32>
          %mul3A_327 = arith.constant 16 : i32
          %mul3A_328 = arith.muli %scan3A_283, %mul3A_327 : i32
          %add3A_329 = arith.constant 5 : i32
          %add3A_330 = arith.addi %mul3A_328, %add3A_329 : i32
          %mul3A_331 = arith.constant 16 : i32
          %mul3A_332 = arith.muli %add3A_330, %mul3A_331 : i32
          %get3A_333 = arith.index_cast %mul3A_332 : i32 to index
          %get3A_334 = tpu.vector_load %arg6[%get3A_333] {strides = array<i32>} : memref<6400xf32, #tpu.memory_space<vmem>>, vector<16xf32>,
          %max3A_335 = arith.maximumf %max3A_326, %get3A_334 : vector<16xf32>
          %mul3A_336 = arith.constant 16 : i32
          %mul3A_337 = arith.muli %scan3A_283, %mul3A_336 : i32
          %add3A_338 = arith.constant 6 : i32
          %add3A_339 = arith.addi %mul3A_337, %add3A_338 : i32
          %mul3A_340 = arith.constant 16 : i32
          %mul3A_341 = arith.muli %add3A_339, %mul3A_340 : i32
          %get3A_342 = arith.index_cast %mul3A_341 : i32 to index
          %get3A_343 = tpu.vector_load %arg6[%get3A_342] {strides = array<i32>} : memref<6400xf32, #tpu.memory_space<vmem>>, vector<16xf32>,
          %max3A_344 = arith.maximumf %max3A_335, %get3A_343 : vector<16xf32>
          %mul3A_345 = arith.constant 16 : i32
          %mul3A_346 = arith.muli %scan3A_283, %mul3A_345 : i32
          %add3A_347 = arith.constant 7 : i32
          %add3A_348 = arith.addi %mul3A_346, %add3A_347 : i32
          %mul3A_349 = arith.constant 16 : i32
          %mul3A_350 = arith.muli %add3A_348, %mul3A_349 : i32
          %get3A_351 = arith.index_cast %mul3A_350 : i32 to index
          %get3A_352 = tpu.vector_load %arg6[%get3A_351] {strides = array<i32>} : memref<6400xf32, #tpu.memory_space<vmem>>, vector<16xf32>,
          %max3A_353 = arith.maximumf %max3A_344, %get3A_352 : vector<16xf32>
          %mul3A_354 = arith.constant 16 : i32
          %mul3A_355 = arith.muli %scan3A_283, %mul3A_354 : i32
          %add3A_356 = arith.constant 8 : i32
          %add3A_357 = arith.addi %mul3A_355, %add3A_356 : i32
          %mul3A_358 = arith.constant 16 : i32
          %mul3A_359 = arith.muli %add3A_357, %mul3A_358 : i32
          %get3A_360 = arith.index_cast %mul3A_359 : i32 to index
          %get3A_361 = tpu.vector_load %arg6[%get3A_360] {strides = array<i32>} : memref<6400xf32, #tpu.memory_space<vmem>>, vector<16xf32>,
          %max3A_362 = arith.maximumf %max3A_353, %get3A_361 : vector<16xf32>
          %mul3A_363 = arith.constant 16 : i32
          %mul3A_364 = arith.muli %scan3A_283, %mul3A_363 : i32
          %add3A_365 = arith.constant 9 : i32
          %add3A_366 = arith.addi %mul3A_364, %add3A_365 : i32
          %mul3A_367 = arith.constant 16 : i32
          %mul3A_368 = arith.muli %add3A_366, %mul3A_367 : i32
          %get3A_369 = arith.index_cast %mul3A_368 : i32 to index
          %get3A_370 = tpu.vector_load %arg6[%get3A_369] {strides = array<i32>} : memref<6400xf32, #tpu.memory_space<vmem>>, vector<16xf32>,
          %max3A_371 = arith.maximumf %max3A_362, %get3A_370 : vector<16xf32>
          %mul3A_372 = arith.constant 16 : i32
          %mul3A_373 = arith.muli %scan3A_283, %mul3A_372 : i32
          %add3A_374 = arith.constant 10 : i32
          %add3A_375 = arith.addi %mul3A_373, %add3A_374 : i32
          %mul3A_376 = arith.constant 16 : i32
          %mul3A_377 = arith.muli %add3A_375, %mul3A_376 : i32
          %get3A_378 = arith.index_cast %mul3A_377 : i32 to index
          %get3A_379 = tpu.vector_load %arg6[%get3A_378] {strides = array<i32>} : memref<6400xf32, #tpu.memory_space<vmem>>, vector<16xf32>,
          %max3A_380 = arith.maximumf %max3A_371, %get3A_379 : vector<16xf32>
          %mul3A_381 = arith.constant 16 : i32
          %mul3A_382 = arith.muli %scan3A_283, %mul3A_381 : i32
          %add3A_383 = arith.constant 11 : i32
          %add3A_384 = arith.addi %mul3A_382, %add3A_383 : i32
          %mul3A_385 = arith.constant 16 : i32
          %mul3A_386 = arith.muli %add3A_384, %mul3A_385 : i32
          %get3A_387 = arith.index_cast %mul3A_386 : i32 to index
          %get3A_388 = tpu.vector_load %arg6[%get3A_387] {strides = array<i32>} : memref<6400xf32, #tpu.memory_space<vmem>>, vector<16xf32>,
          %max3A_389 = arith.maximumf %max3A_380, %get3A_388 : vector<16xf32>
          %mul3A_390 = arith.constant 16 : i32
          %mul3A_391 = arith.muli %scan3A_283, %mul3A_390 : i32
          %add3A_392 = arith.constant 12 : i32
          %add3A_393 = arith.addi %mul3A_391, %add3A_392 : i32
          %mul3A_394 = arith.constant 16 : i32
          %mul3A_395 = arith.muli %add3A_393, %mul3A_394 : i32
          %get3A_396 = arith.index_cast %mul3A_395 : i32 to index
          %get3A_397 = tpu.vector_load %arg6[%get3A_396] {strides = array<i32>} : memref<6400xf32, #tpu.memory_space<vmem>>, vector<16xf32>,
          %max3A_398 = arith.maximumf %max3A_389, %get3A_397 : vector<16xf32>
          %mul3A_399 = arith.constant 16 : i32
          %mul3A_400 = arith.muli %scan3A_283, %mul3A_399 : i32
          %add3A_401 = arith.constant 13 : i32
          %add3A_402 = arith.addi %mul3A_400, %add3A_401 : i32
          %mul3A_403 = arith.constant 16 : i32
          %mul3A_404 = arith.muli %add3A_402, %mul3A_403 : i32
          %get3A_405 = arith.index_cast %mul3A_404 : i32 to index
          %get3A_406 = tpu.vector_load %arg6[%get3A_405] {strides = array<i32>} : memref<6400xf32, #tpu.memory_space<vmem>>, vector<16xf32>,
          %max3A_407 = arith.maximumf %max3A_398, %get3A_406 : vector<16xf32>
          %mul3A_408 = arith.constant 16 : i32
          %mul3A_409 = arith.muli %scan3A_283, %mul3A_408 : i32
          %add3A_410 = arith.constant 14 : i32
          %add3A_411 = arith.addi %mul3A_409, %add3A_410 : i32
          %mul3A_412 = arith.constant 16 : i32
          %mul3A_413 = arith.muli %add3A_411, %mul3A_412 : i32
          %get3A_414 = arith.index_cast %mul3A_413 : i32 to index
          %get3A_415 = tpu.vector_load %arg6[%get3A_414] {strides = array<i32>} : memref<6400xf32, #tpu.memory_space<vmem>>, vector<16xf32>,
          %max3A_416 = arith.maximumf %max3A_407, %get3A_415 : vector<16xf32>
          %mul3A_417 = arith.constant 16 : i32
          %mul3A_418 = arith.muli %scan3A_283, %mul3A_417 : i32
          %add3A_419 = arith.constant 15 : i32
          %add3A_420 = arith.addi %mul3A_418, %add3A_419 : i32
          %mul3A_421 = arith.constant 16 : i32
          %mul3A_422 = arith.muli %add3A_420, %mul3A_421 : i32
          %get3A_423 = arith.index_cast %mul3A_422 : i32 to index
          %get3A_424 = tpu.vector_load %arg6[%get3A_423] {strides = array<i32>} : memref<6400xf32, #tpu.memory_space<vmem>>, vector<16xf32>,
          %max3A_425 = arith.maximumf %max3A_416, %get3A_424 : vector<16xf32>
          %mul3A_426 = arith.constant 25 : i32
          %mul3A_427 = arith.muli %add3A_264, %mul3A_426 : i32
          %mul3A_428 = arith.constant 16 : i32
          %mul3A_429 = arith.muli %mul3A_427, %mul3A_428 : i32
          %mul3A_430 = arith.constant 16 : i32
          %mul3A_431 = arith.muli %scan3A_283, %mul3A_430 : i32
          %add3A_432 = arith.addi %mul3A_429, %mul3A_431 : i32
          %swap3A_433 = arith.index_cast %add3A_432 : i32 to index
          %swap3A_434 = tpu.vector_load %arg7[%swap3A_433] {strides = array<i32>} : memref<8000xf32, #tpu.memory_space<vmem>>, vector<16xf32>,
          tpu.vector_store %arg7[%swap3A_433], %max3A_425 {strides = array<i32>} : memref<8000xf32, #tpu.memory_space<vmem>>, vector<16xf32>,
          %max3A_435 = arith.maximumf %scan3A_284, %max3A_425 : vector<16xf32>
          scf.yield %max3A_435 : vector<16xf32>
        }
        %scan3A_282 = arith.constant 25 : i32
        scf.yield %scan3A_281 : vector<16xf32>
      }
      %scan3A_27 = arith.constant 10 : i32
      %scan3A_28 = arith.constant 0 : i32
      %scan3A_29 = arith.constant 0 : i32
      %scan3A_30 = arith.constant 128 : i32
      %scan3A_31 = arith.addi %scan3A_29, %scan3A_30 : i32
      %scan3A_32 = arith.constant 1 : i32
      scf.for %scan3A_242 = %scan3A_29 to %scan3A_31 step %scan3A_32  : i32 {
        %broadcast_in_dim3A_243 = arith.constant 0 : i32
        %broadcast_in_dim3A_244 = vector.broadcast %broadcast_in_dim3A_243 : i32 to vector<16xi32>
        %mul3A_245 = arith.constant 8 : i32
        %mul3A_246 = arith.muli %scan3A_242, %mul3A_245 : i32
        %add3A_247 = arith.constant 0 : i32
        %add3A_248 = arith.addi %mul3A_246, %add3A_247 : i32
        %mul3A_249 = arith.constant 16 : i32
        %mul3A_250 = arith.muli %add3A_248, %mul3A_249 : i32
        %swap3A_251 = arith.index_cast %mul3A_250 : i32 to index
        %swap3A_252 = tpu.vector_load %arg8[%swap3A_251] {strides = array<i32>} : memref<16384xi32, #tpu.memory_space<vmem>>, vector<16xi32>,
        tpu.vector_store %arg8[%swap3A_251], %broadcast_in_dim3A_244 {strides = array<i32>} : memref<16384xi32, #tpu.memory_space<vmem>>, vector<16xi32>,
        %broadcast_in_dim3A_253 = arith.constant 0 : i32
        %broadcast_in_dim3A_254 = vector.broadcast %broadcast_in_dim3A_253 : i32 to vector<16xi32>
        %mul3A_255 = arith.constant 8 : i32
        %mul3A_256 = arith.muli %scan3A_242, %mul3A_255 : i32
        %add3A_257 = arith.constant 1 : i32
        %add3A_258 = arith.addi %mul3A_256, %add3A_257 : i32
        %mul3A_259 = arith.constant 16 : i32
        %mul3A_260 = arith.muli %add3A_258, %mul3A_259 : i32
        %swap3A_261 = arith.index_cast %mul3A_260 : i32 to index
        %swap3A_262 = tpu.vector_load %arg8[%swap3A_261] {strides = array<i32>} : memref<16384xi32, #tpu.memory_space<vmem>>, vector<16xi32>,
        tpu.vector_store %arg8[%swap3A_261], %broadcast_in_dim3A_254 {strides = array<i32>} : memref<16384xi32, #tpu.memory_space<vmem>>, vector<16xi32>,
        %broadcast_in_dim3A_263 = arith.constant 0 : i32
        %broadcast_in_dim3A_264 = vector.broadcast %broadcast_in_dim3A_263 : i32 to vector<16xi32>
        %mul3A_265 = arith.constant 8 : i32
        %mul3A_266 = arith.muli %scan3A_242, %mul3A_265 : i32
        %add3A_267 = arith.constant 2 : i32
        %add3A_268 = arith.addi %mul3A_266, %add3A_267 : i32
        %mul3A_269 = arith.constant 16 : i32
        %mul3A_270 = arith.muli %add3A_268, %mul3A_269 : i32
        %swap3A_271 = arith.index_cast %mul3A_270 : i32 to index
        %swap3A_272 = tpu.vector_load %arg8[%swap3A_271] {strides = array<i32>} : memref<16384xi32, #tpu.memory_space<vmem>>, vector<16xi32>,
        tpu.vector_store %arg8[%swap3A_271], %broadcast_in_dim3A_264 {strides = array<i32>} : memref<16384xi32, #tpu.memory_space<vmem>>, vector<16xi32>,
        %broadcast_in_dim3A_273 = arith.constant 0 : i32
        %broadcast_in_dim3A_274 = vector.broadcast %broadcast_in_dim3A_273 : i32 to vector<16xi32>
        %mul3A_275 = arith.constant 8 : i32
        %mul3A_276 = arith.muli %scan3A_242, %mul3A_275 : i32
        %add3A_277 = arith.constant 3 : i32
        %add3A_278 = arith.addi %mul3A_276, %add3A_277 : i32
        %mul3A_279 = arith.constant 16 : i32
        %mul3A_280 = arith.muli %add3A_278, %mul3A_279 : i32
        %swap3A_281 = arith.index_cast %mul3A_280 : i32 to index
        %swap3A_282 = tpu.vector_load %arg8[%swap3A_281] {strides = array<i32>} : memref<16384xi32, #tpu.memory_space<vmem>>, vector<16xi32>,
        tpu.vector_store %arg8[%swap3A_281], %broadcast_in_dim3A_274 {strides = array<i32>} : memref<16384xi32, #tpu.memory_space<vmem>>, vector<16xi32>,
        %broadcast_in_dim3A_283 = arith.constant 0 : i32
        %broadcast_in_dim3A_284 = vector.broadcast %broadcast_in_dim3A_283 : i32 to vector<16xi32>
        %mul3A_285 = arith.constant 8 : i32
        %mul3A_286 = arith.muli %scan3A_242, %mul3A_285 : i32
        %add3A_287 = arith.constant 4 : i32
        %add3A_288 = arith.addi %mul3A_286, %add3A_287 : i32
        %mul3A_289 = arith.constant 16 : i32
        %mul3A_290 = arith.muli %add3A_288, %mul3A_289 : i32
        %swap3A_291 = arith.index_cast %mul3A_290 : i32 to index
        %swap3A_292 = tpu.vector_load %arg8[%swap3A_291] {strides = array<i32>} : memref<16384xi32, #tpu.memory_space<vmem>>, vector<16xi32>,
        tpu.vector_store %arg8[%swap3A_291], %broadcast_in_dim3A_284 {strides = array<i32>} : memref<16384xi32, #tpu.memory_space<vmem>>, vector<16xi32>,
        %broadcast_in_dim3A_293 = arith.constant 0 : i32
        %broadcast_in_dim3A_294 = vector.broadcast %broadcast_in_dim3A_293 : i32 to vector<16xi32>
        %mul3A_295 = arith.constant 8 : i32
        %mul3A_296 = arith.muli %scan3A_242, %mul3A_295 : i32
        %add3A_297 = arith.constant 5 : i32
        %add3A_298 = arith.addi %mul3A_296, %add3A_297 : i32
        %mul3A_299 = arith.constant 16 : i32
        %mul3A_300 = arith.muli %add3A_298, %mul3A_299 : i32
        %swap3A_301 = arith.index_cast %mul3A_300 : i32 to index
        %swap3A_302 = tpu.vector_load %arg8[%swap3A_301] {strides = array<i32>} : memref<16384xi32, #tpu.memory_space<vmem>>, vector<16xi32>,
        tpu.vector_store %arg8[%swap3A_301], %broadcast_in_dim3A_294 {strides = array<i32>} : memref<16384xi32, #tpu.memory_space<vmem>>, vector<16xi32>,
        %broadcast_in_dim3A_303 = arith.constant 0 : i32
        %broadcast_in_dim3A_304 = vector.broadcast %broadcast_in_dim3A_303 : i32 to vector<16xi32>
        %mul3A_305 = arith.constant 8 : i32
        %mul3A_306 = arith.muli %scan3A_242, %mul3A_305 : i32
        %add3A_307 = arith.constant 6 : i32
        %add3A_308 = arith.addi %mul3A_306, %add3A_307 : i32
        %mul3A_309 = arith.constant 16 : i32
        %mul3A_310 = arith.muli %add3A_308, %mul3A_309 : i32
        %swap3A_311 = arith.index_cast %mul3A_310 : i32 to index
        %swap3A_312 = tpu.vector_load %arg8[%swap3A_311] {strides = array<i32>} : memref<16384xi32, #tpu.memory_space<vmem>>, vector<16xi32>,
        tpu.vector_store %arg8[%swap3A_311], %broadcast_in_dim3A_304 {strides = array<i32>} : memref<16384xi32, #tpu.memory_space<vmem>>, vector<16xi32>,
        %broadcast_in_dim3A_313 = arith.constant 0 : i32
        %broadcast_in_dim3A_314 = vector.broadcast %broadcast_in_dim3A_313 : i32 to vector<16xi32>
        %mul3A_315 = arith.constant 8 : i32
        %mul3A_316 = arith.muli %scan3A_242, %mul3A_315 : i32
        %add3A_317 = arith.constant 7 : i32
        %add3A_318 = arith.addi %mul3A_316, %add3A_317 : i32
        %mul3A_319 = arith.constant 16 : i32
        %mul3A_320 = arith.muli %add3A_318, %mul3A_319 : i32
        %swap3A_321 = arith.index_cast %mul3A_320 : i32 to index
        %swap3A_322 = tpu.vector_load %arg8[%swap3A_321] {strides = array<i32>} : memref<16384xi32, #tpu.memory_space<vmem>>, vector<16xi32>,
        tpu.vector_store %arg8[%swap3A_321], %broadcast_in_dim3A_314 {strides = array<i32>} : memref<16384xi32, #tpu.memory_space<vmem>>, vector<16xi32>,
      }
      %scan3A_33 = arith.constant 128 : i32
      %scan3A_34 = arith.constant 0 : i32
      %scan3A_35 = arith.constant 0 : i32
      %scan3A_36 = arith.constant 500 : i32
      %scan3A_37 = arith.addi %scan3A_35, %scan3A_36 : i32
      %scan3A_38 = arith.constant 1 : i32
      scf.for %scan3A_242 = %scan3A_35 to %scan3A_37 step %scan3A_38  : i32 {
        %mul3A_243 = arith.constant 16 : i32
        %mul3A_244 = arith.muli %scan3A_242, %mul3A_243 : i32
        %get3A_245 = arith.index_cast %mul3A_244 : i32 to index
        %get3A_246 = tpu.vector_load %arg7[%get3A_245] {strides = array<i32>} : memref<8000xf32, #tpu.memory_space<vmem>>, vector<16xf32>,
        %bitcast_convert_type3A_247 = tpu.bitcast %get3A_246 : vector<16xf32> -> vector<16xi32>
        %shift_right_arithmetic3A_248 = arith.constant 31 : i32
        %shift_right_arithmetic3A_249 = vector.broadcast %shift_right_arithmetic3A_248 : i32 to vector<16xi32>
        %shift_right_arithmetic3A_250 = arith.shrsi %bitcast_convert_type3A_247, %shift_right_arithmetic3A_249 : vector<16xi32>
        %or3A_251 = arith.constant -2147483648 : i32
        %or3A_252 = vector.broadcast %or3A_251 : i32 to vector<16xi32>
        %or3A_253 = arith.ori %shift_right_arithmetic3A_250, %or3A_252 : vector<16xi32>
        %xor3A_254 = arith.xori %bitcast_convert_type3A_247, %or3A_253 : vector<16xi32>
        %shift_right_logical3A_255 = arith.constant 22 : i32
        %shift_right_logical3A_256 = vector.broadcast %shift_right_logical3A_255 : i32 to vector<16xi32>
        %shift_right_logical3A_257 = arith.shrui %xor3A_254, %shift_right_logical3A_256 : vector<16xi32>
        %shift_left3A_258 = arith.constant 4 : i32
        %shift_left3A_259 = vector.broadcast %shift_left3A_258 : i32 to vector<16xi32>
        %shift_left3A_260 = arith.shli %shift_right_logical3A_257, %shift_left3A_259 : vector<16xi32>
        %add3A_261 = arith.addi %shift_left3A_260, %iota3A : vector<16xi32>
        tpu.vector_store_idx %arg8[%add3A_261], %broadcast_in_dim3A_1 {add = true} : memref<16384xi32, #tpu.memory_space<vmem>>[vector<16xi32>], vector<16xi32>,
      }
      %scan3A_39 = arith.constant 500 : i32
      %bitcast_convert_type3A = tpu.bitcast %scan3A_26 : vector<16xf32> -> vector<16xi32>
      %shift_right_arithmetic3A = arith.constant 31 : i32
      %shift_right_arithmetic3A_40 = vector.broadcast %shift_right_arithmetic3A : i32 to vector<16xi32>
      %shift_right_arithmetic3A_41 = arith.shrsi %bitcast_convert_type3A, %shift_right_arithmetic3A_40 : vector<16xi32>
      %or3A = arith.constant -2147483648 : i32
      %or3A_42 = vector.broadcast %or3A : i32 to vector<16xi32>
      %or3A_43 = arith.ori %shift_right_arithmetic3A_41, %or3A_42 : vector<16xi32>
      %xor3A = arith.xori %bitcast_convert_type3A, %or3A_43 : vector<16xi32>
      %shift_right_logical3A = arith.constant 22 : i32
      %shift_right_logical3A_44 = vector.broadcast %shift_right_logical3A : i32 to vector<16xi32>
      %shift_right_logical3A_45 = arith.shrui %xor3A, %shift_right_logical3A_44 : vector<16xi32>
      %reduce_max3A = arith.constant true
      %reduce_max3A_46 = vector.broadcast %reduce_max3A : i1 to vector<16xi1>
      %reduce_max3A_47 = arith.constant -2147483648 : i32
      %reduce_max3A_48 = vector.broadcast %reduce_max3A_47 : i32 to vector<16xi32>
      %reduce_max3A_49 = arith.xori %shift_right_logical3A_45, %reduce_max3A_48 : vector<16xi32>
      %reduce_max3A_50 = tpu.scan <max>, %reduce_max3A_49 masked %reduce_max3A_46 : vector<16xi32>, vector<16xi1> -> vector<16xi32>
      %reduce_max3A_51 = arith.xori %reduce_max3A_50, %reduce_max3A_48 : vector<16xi32>
      %reduce_max3A_52 = vector.extract %reduce_max3A_51[15] : i32 from vector<16xi32>
      %while3A = arith.constant 0 : i32
      %while3A_53:2 = scf.while (%while3A_242 = %reduce_max3A_52, %while3A_243 = %while3A) : (i32, i32) -> (i32, i32) {
        %lt3A = arith.constant 50 : i32
        %lt3A_244 = arith.cmpi slt, %while3A_243, %lt3A : i32
        %ge3A_245 = arith.constant 0 : i32
        %ge3A_246 = arith.cmpi sge, %while3A_242, %ge3A_245 : i32
        %and3A = arith.andi %lt3A_244, %ge3A_246 : i1
        scf.condition(%and3A) %while3A_242, %while3A_243 : i32, i32
      } do {
      ^bb0(%while3A_242: i32, %while3A_243: i32):
        %sub3A_244 = arith.constant 1 : i32
        %sub3A_245 = arith.subi %while3A_242, %sub3A_244 : i32
        %mul3A_246 = arith.constant 16 : i32
        %mul3A_247 = arith.muli %while3A_242, %mul3A_246 : i32
        %get3A_248 = arith.index_cast %mul3A_247 : i32 to index
        %get3A_249 = tpu.vector_load %arg8[%get3A_248] {strides = array<i32>} : memref<16384xi32, #tpu.memory_space<vmem>>, vector<16xi32>,
        %reduce_sum3A_250 = arith.constant true
        %reduce_sum3A_251 = vector.broadcast %reduce_sum3A_250 : i1 to vector<16xi1>
        %reduce_sum3A_252 = tpu.scan <sum>, %get3A_249 masked %reduce_sum3A_251 : vector<16xi32>, vector<16xi1> -> vector<16xi32>
        %reduce_sum3A_253 = vector.extract %reduce_sum3A_252[15] : i32 from vector<16xi32>
        %add3A_254 = arith.addi %while3A_243, %reduce_sum3A_253 : i32
        scf.yield %sub3A_245, %add3A_254 : i32, i32
      }
      %add3A_54 = arith.constant 1 : i32
      %add3A_55 = arith.addi %while3A_53#0, %add3A_54 : i32
      %ge3A = arith.constant 512 : i32
      %ge3A_56 = arith.cmpi sge, %add3A_55, %ge3A : i32
      %sub3A = arith.constant 512 : i32
      %sub3A_57 = arith.subi %add3A_55, %sub3A : i32
      %shift_left3A = arith.constant 22 : i32
      %shift_left3A_58 = arith.shli %sub3A_57, %shift_left3A : i32
      %shift_left3A_59 = arith.constant 22 : i32
      %shift_left3A_60 = arith.shli %add3A_55, %shift_left3A_59 : i32
      %not3A = arith.constant -1 : i32
      %not3A_61 = arith.xori %shift_left3A_60, %not3A : i32
      %select_n3A = arith.select %ge3A_56, %shift_left3A_58, %not3A_61 : i32
      %broadcast_in_dim3A_62 = vector.broadcast %select_n3A : i32 to vector<16xi32>
      %bitcast_convert_type3A_63 = tpu.bitcast %broadcast_in_dim3A_62 : vector<16xi32> -> vector<16xf32>
      %scan3A_64 = arith.constant 0 : i32
      %scan3A_65 = arith.constant 0 : i32
      %scan3A_66 = arith.constant 500 : i32
      %scan3A_67 = arith.addi %scan3A_65, %scan3A_66 : i32
      %scan3A_68 = arith.constant 1 : i32
      %scan3A_69 = scf.for %scan3A_242 = %scan3A_65 to %scan3A_67 step %scan3A_68 iter_args(%scan3A_243 = %scan3A_64) -> (i32)  : i32 {
        %mul3A_244 = arith.constant 16 : i32
        %mul3A_245 = arith.muli %scan3A_242, %mul3A_244 : i32
        %get3A_246 = arith.index_cast %mul3A_245 : i32 to index
        %get3A_247 = tpu.vector_load %arg7[%get3A_246] {strides = array<i32>} : memref<8000xf32, #tpu.memory_space<vmem>>, vector<16xf32>,
        %ge3A_248 = arith.cmpf oge, %get3A_247, %bitcast_convert_type3A_63 : vector<16xf32>
        %all_reduce_population_count3A = tpu.all_reduce %ge3A_248 {dim = 0 : i64, kind = #tpu.reduction_kind<sum>} : vector<16xi1> -> vector<16xi32>
        %reduce_max3A_249 = arith.constant true
        %reduce_max3A_250 = vector.broadcast %reduce_max3A_249 : i1 to vector<16xi1>
        %reduce_max3A_251 = arith.constant -2147483648 : i32
        %reduce_max3A_252 = vector.broadcast %reduce_max3A_251 : i32 to vector<16xi32>
        %reduce_max3A_253 = arith.xori %all_reduce_population_count3A, %reduce_max3A_252 : vector<16xi32>
        %reduce_max3A_254 = tpu.scan <max>, %reduce_max3A_253 masked %reduce_max3A_250 : vector<16xi32>, vector<16xi1> -> vector<16xi32>
        %reduce_max3A_255 = arith.xori %reduce_max3A_254, %reduce_max3A_252 : vector<16xi32>
        %reduce_max3A_256 = vector.extract %reduce_max3A_255[15] : i32 from vector<16xi32>
        %swap3A_257 = arith.index_cast %scan3A_243 : i32 to index
        %swap3A_258 = memref.load %arg18[%swap3A_257] : memref<512xi32, #tpu.memory_space<smem>>
        memref.store %scan3A_242, %arg18[%swap3A_257] : memref<512xi32, #tpu.memory_space<smem>>
        %min3A = arith.constant 1 : i32
        %min3A_259 = arith.minsi %reduce_max3A_256, %min3A : i32
        %add3A_260 = arith.addi %scan3A_243, %min3A_259 : i32
        scf.yield %add3A_260 : i32
      }
      %scan3A_70 = arith.constant 500 : i32
      %mul3A_71 = arith.constant 128000 : i32
      %mul3A_72 = arith.muli %add3A_18, %mul3A_71 : i32
      %add3A_73 = arith.constant 32 : i32
      %add3A_74 = arith.addi %scan3A_69, %add3A_73 : i32
      %sub3A_75 = arith.constant 1 : i32
      %sub3A_76 = arith.subi %add3A_74, %sub3A_75 : i32
      %shift_right_logical3A_77 = arith.constant 5 : i32
      %shift_right_logical3A_78 = arith.shrui %sub3A_76, %shift_right_logical3A_77 : i32
      %while3A_79 = arith.constant 0 : i32
      %while3A_80 = arith.constant 0 : i32
      %while3A_81 = arith.subi %shift_right_logical3A_78, %while3A_79 : i32
      %while3A_82 = arith.addi %while3A_79, %while3A_81 : i32
      %while3A_83 = arith.constant 1 : i32
      %while3A_84 = arith.divsi %while3A_81, %while3A_83 : i32
      %while3A_85 = arith.muli %while3A_84, %while3A_83 : i32
      %while3A_86 = arith.addi %while3A_79, %while3A_85 : i32
      %while3A_87 = arith.constant 1 : i32
      %while3A_88 = scf.for %while3A_242 = %while3A_79 to %while3A_86 step %while3A_87 iter_args(%while3A_243 = %while3A_80) -> (i32)  : i32 {
        %mul3A_244 = arith.constant 32 : i32
        %mul3A_245 = arith.muli %while3A_242, %mul3A_244 : i32
        %scan3A_246 = arith.constant 0 : i32
        %scan3A_247 = arith.constant 0 : i32
        %scan3A_248 = arith.constant 32 : i32
        %scan3A_249 = arith.addi %scan3A_247, %scan3A_248 : i32
        %scan3A_250 = arith.constant 1 : i32
        scf.for %scan3A_264 = %scan3A_247 to %scan3A_249 step %scan3A_250  : i32 {
          %add3A_265 = arith.addi %mul3A_245, %scan3A_264 : i32
          %lt3A = arith.cmpi slt, %add3A_265, %scan3A_69 : i32
          %convert_element_type3A = arith.extui %lt3A : i1 to i32
          %cond3A = arith.constant 0 : i32
          %cond3A_266 = arith.cmpi ne, %convert_element_type3A, %cond3A : i32
          scf.if %cond3A_266 {
            %add3A_267 = arith.addi %mul3A_245, %scan3A_264 : i32
            %get3A_268 = arith.index_cast %add3A_267 : i32 to index
            %get3A_269 = memref.load %arg18[%get3A_268] : memref<512xi32, #tpu.memory_space<smem>>
            %mul3A_270 = arith.constant 256 : i32
            %mul3A_271 = arith.muli %get3A_269, %mul3A_270 : i32
            %add3A_272 = arith.addi %mul3A_72, %mul3A_271 : i32
            %dma_start3A_273 = arith.constant 0 : i32
            %dma_start3A_274 = tpu.memref_slice %arg17[%scan3A_264, %dma_start3A_273] : memref<32x256xf32, #tpu.memory_space<vmem>> -> memref<1x256xf32, #tpu.memory_space<vmem>>
            %dma_start3A_275 = tpu.memref_squeeze %dma_start3A_274 : memref<1x256xf32, #tpu.memory_space<vmem>> -> memref<256xf32, #tpu.memory_space<vmem>>
            %dma_start3A_276 = tpu.memref_slice %arg2[%add3A_272] : memref<8192000xf32, #tpu.memory_space<hbm>> -> memref<256xf32, #tpu.memory_space<hbm>>
            %dma_start3A_277 = arith.constant 0 : i32
            %dma_start3A_278 = tpu.memref_slice %arg17[%scan3A_264, %dma_start3A_277] : memref<32x256xf32, #tpu.memory_space<vmem>> -> memref<1x256xf32, #tpu.memory_space<vmem>>
            %dma_start3A_279 = tpu.memref_squeeze %dma_start3A_278 : memref<1x256xf32, #tpu.memory_space<vmem>> -> memref<256xf32, #tpu.memory_space<vmem>>
            %dma_start3A_280 = tpu.memref_slice %arg2[%add3A_272] : memref<8192000xf32, #tpu.memory_space<hbm>> -> memref<256xf32, #tpu.memory_space<hbm>>
            tpu.enqueue_dma source(%dma_start3A_280 : memref<256xf32, #tpu.memory_space<hbm>>) target(%dma_start3A_279 : memref<256xf32, #tpu.memory_space<vmem>>) target_semaphore(%arg23 : memref<!tpu.dma_semaphore, #tpu.memory_space<semaphore_mem>>)
          } else {
          }
        }
        %scan3A_251 = arith.constant 32 : i32
        %scan3A_252 = arith.constant 0 : i32
        %scan3A_253 = arith.constant 0 : i32
        %scan3A_254 = arith.constant 32 : i32
        %scan3A_255 = arith.addi %scan3A_253, %scan3A_254 : i32
        %scan3A_256 = arith.constant 1 : i32
        scf.for %scan3A_264 = %scan3A_253 to %scan3A_255 step %scan3A_256  : i32 {
          %add3A_265 = arith.addi %mul3A_245, %scan3A_264 : i32
          %lt3A = arith.cmpi slt, %add3A_265, %scan3A_69 : i32
          %convert_element_type3A = arith.extui %lt3A : i1 to i32
          %cond3A = arith.constant 0 : i32
          %cond3A_266 = arith.cmpi ne, %convert_element_type3A, %cond3A : i32
          scf.if %cond3A_266 {
            %dma_wait3A_267 = arith.constant 0 : i32
            %dma_wait3A_268 = tpu.memref_slice %arg17[%scan3A_264, %dma_wait3A_267] : memref<32x256xf32, #tpu.memory_space<vmem>> -> memref<1x256xf32, #tpu.memory_space<vmem>>
            %dma_wait3A_269 = tpu.memref_squeeze %dma_wait3A_268 : memref<1x256xf32, #tpu.memory_space<vmem>> -> memref<256xf32, #tpu.memory_space<vmem>>
            %dma_wait3A_270 = tpu.memref_slice %arg2[%mul3A_72] : memref<8192000xf32, #tpu.memory_space<hbm>> -> memref<256xf32, #tpu.memory_space<hbm>>
            %dma_wait3A_271 = arith.constant 0 : i32
            %dma_wait3A_272 = tpu.memref_slice %arg17[%scan3A_264, %dma_wait3A_271] : memref<32x256xf32, #tpu.memory_space<vmem>> -> memref<1x256xf32, #tpu.memory_space<vmem>>
            %dma_wait3A_273 = tpu.memref_squeeze %dma_wait3A_272 : memref<1x256xf32, #tpu.memory_space<vmem>> -> memref<256xf32, #tpu.memory_space<vmem>>
            %dma_wait3A_274 = tpu.memref_slice %arg2[%mul3A_72] : memref<8192000xf32, #tpu.memory_space<hbm>> -> memref<256xf32, #tpu.memory_space<hbm>>
            tpu.wait_dma2 semaphore(%arg23 : memref<!tpu.dma_semaphore, #tpu.memory_space<semaphore_mem>>) src(%dma_wait3A_274 : memref<256xf32, #tpu.memory_space<hbm>>) dst(%dma_wait3A_273 : memref<256xf32, #tpu.memory_space<vmem>>)
          } else {
          }
        }
        %scan3A_257 = arith.constant 32 : i32
        %scan3A_258 = arith.constant 0 : i32
        %scan3A_259 = arith.constant 32 : i32
        %scan3A_260 = arith.addi %scan3A_258, %scan3A_259 : i32
        %scan3A_261 = arith.constant 1 : i32
        %scan3A_262 = scf.for %scan3A_264 = %scan3A_258 to %scan3A_260 step %scan3A_261 iter_args(%scan3A_265 = %while3A_243) -> (i32)  : i32 {
          %add3A_266 = arith.addi %mul3A_245, %scan3A_264 : i32
          %lt3A = arith.cmpi slt, %add3A_266, %scan3A_69 : i32
          %convert_element_type3A = arith.extui %lt3A : i1 to i32
          %cond3A = arith.constant 0 : i32
          %cond3A_267 = arith.cmpi ne, %convert_element_type3A, %cond3A : i32
          %cond3A_268 = scf.if %cond3A_267 -> (i32) {
            %add3A_269 = arith.addi %mul3A_245, %scan3A_264 : i32
            %get3A_270 = arith.index_cast %add3A_269 : i32 to index
            %get3A_271 = memref.load %arg18[%get3A_270] : memref<512xi32, #tpu.memory_space<smem>>
            %scan3A_272 = arith.constant 0 : i32
            %scan3A_273 = arith.constant 16 : i32
            %scan3A_274 = arith.addi %scan3A_272, %scan3A_273 : i32
            %scan3A_275 = arith.constant 1 : i32
            %scan3A_276 = scf.for %scan3A_278 = %scan3A_272 to %scan3A_274 step %scan3A_275 iter_args(%scan3A_279 = %scan3A_265) -> (i32)  : i32 {
              %mul3A_280 = arith.constant 16 : i32
              %mul3A_281 = arith.muli %scan3A_278, %mul3A_280 : i32
              %get3A_282 = arith.index_cast %scan3A_264 : i32 to index
              %get3A_283 = arith.index_cast %mul3A_281 : i32 to index
              %get3A_284 = tpu.vector_load %arg17[%get3A_282, %get3A_283] {strides = array<i32>} : memref<32x256xf32, #tpu.memory_space<vmem>>, vector<16xf32>,
              %ge3A_285 = arith.cmpf oge, %get3A_284, %bitcast_convert_type3A_63 : vector<16xf32>
              %mul3A_286 = arith.constant 256 : i32
              %mul3A_287 = arith.muli %get3A_271, %mul3A_286 : i32
              %mul3A_288 = arith.constant 16 : i32
              %mul3A_289 = arith.muli %scan3A_278, %mul3A_288 : i32
              %add3A_290 = arith.addi %mul3A_287, %mul3A_289 : i32
              %broadcast_in_dim3A_291 = vector.broadcast %add3A_290 : i32 to vector<16xi32>
              %add3A_292 = arith.addi %broadcast_in_dim3A_291, %iota3A : vector<16xi32>
              %swap3A_293 = arith.index_cast %scan3A_279 : i32 to index
              %swap3A_294 = tpu.vector_load %arg9[%swap3A_293] masked %ge3A_285 {strides = array<i32>} : memref<2064xf32, #tpu.memory_space<vmem>>, vector<16xf32>, vector<16xi1>
              tpu.vector_store %arg9[%swap3A_293], %get3A_284 masked %ge3A_285 {strides = array<i32>} : memref<2064xf32, #tpu.memory_space<vmem>>, vector<16xf32>, vector<16xi1>
              %swap3A_295 = arith.index_cast %scan3A_279 : i32 to index
              %swap3A_296 = tpu.vector_load %arg10[%swap3A_295] masked %ge3A_285 {strides = array<i32>} : memref<2064xi32, #tpu.memory_space<vmem>>, vector<16xi32>, vector<16xi1>
              tpu.vector_store %arg10[%swap3A_295], %add3A_292 masked %ge3A_285 {strides = array<i32>} : memref<2064xi32, #tpu.memory_space<vmem>>, vector<16xi32>, vector<16xi1>
              %all_reduce_population_count3A = tpu.all_reduce %ge3A_285 {dim = 0 : i64, kind = #tpu.reduction_kind<sum>} : vector<16xi1> -> vector<16xi32>
              %reduce_max3A_297 = arith.constant true
              %reduce_max3A_298 = vector.broadcast %reduce_max3A_297 : i1 to vector<16xi1>
              %reduce_max3A_299 = arith.constant -2147483648 : i32
              %reduce_max3A_300 = vector.broadcast %reduce_max3A_299 : i32 to vector<16xi32>
              %reduce_max3A_301 = arith.xori %all_reduce_population_count3A, %reduce_max3A_300 : vector<16xi32>
              %reduce_max3A_302 = tpu.scan <max>, %reduce_max3A_301 masked %reduce_max3A_298 : vector<16xi32>, vector<16xi1> -> vector<16xi32>
              %reduce_max3A_303 = arith.xori %reduce_max3A_302, %reduce_max3A_300 : vector<16xi32>
              %reduce_max3A_304 = vector.extract %reduce_max3A_303[15] : i32 from vector<16xi32>
              %add3A_305 = arith.addi %scan3A_279, %reduce_max3A_304 : i32
              %min3A = arith.constant 2048 : i32
              %min3A_306 = arith.minsi %add3A_305, %min3A : i32
              scf.yield %min3A_306 : i32
            }
            %scan3A_277 = arith.constant 16 : i32
            scf.yield %scan3A_276 : i32
          } else {
            scf.yield %scan3A_265 : i32
          }
          scf.yield %cond3A_268 : i32
        }
        %scan3A_263 = arith.constant 32 : i32
        scf.yield %scan3A_262 : i32
      }
      %while3A_89 = arith.constant 1 : i32
      %while3A_90 = scf.for %while3A_242 = %while3A_86 to %while3A_82 step %while3A_89 iter_args(%while3A_243 = %while3A_88) -> (i32)  : i32 {
        %mul3A_244 = arith.constant 32 : i32
        %mul3A_245 = arith.muli %while3A_242, %mul3A_244 : i32
        %scan3A_246 = arith.constant 0 : i32
        %scan3A_247 = arith.constant 0 : i32
        %scan3A_248 = arith.constant 32 : i32
        %scan3A_249 = arith.addi %scan3A_247, %scan3A_248 : i32
        %scan3A_250 = arith.constant 1 : i32
        scf.for %scan3A_264 = %scan3A_247 to %scan3A_249 step %scan3A_250  : i32 {
          %add3A_265 = arith.addi %mul3A_245, %scan3A_264 : i32
          %lt3A = arith.cmpi slt, %add3A_265, %scan3A_69 : i32
          %convert_element_type3A = arith.extui %lt3A : i1 to i32
          %cond3A = arith.constant 0 : i32
          %cond3A_266 = arith.cmpi ne, %convert_element_type3A, %cond3A : i32
          scf.if %cond3A_266 {
            %add3A_267 = arith.addi %mul3A_245, %scan3A_264 : i32
            %get3A_268 = arith.index_cast %add3A_267 : i32 to index
            %get3A_269 = memref.load %arg18[%get3A_268] : memref<512xi32, #tpu.memory_space<smem>>
            %mul3A_270 = arith.constant 256 : i32
            %mul3A_271 = arith.muli %get3A_269, %mul3A_270 : i32
            %add3A_272 = arith.addi %mul3A_72, %mul3A_271 : i32
            %dma_start3A_273 = arith.constant 0 : i32
            %dma_start3A_274 = tpu.memref_slice %arg17[%scan3A_264, %dma_start3A_273] : memref<32x256xf32, #tpu.memory_space<vmem>> -> memref<1x256xf32, #tpu.memory_space<vmem>>
            %dma_start3A_275 = tpu.memref_squeeze %dma_start3A_274 : memref<1x256xf32, #tpu.memory_space<vmem>> -> memref<256xf32, #tpu.memory_space<vmem>>
            %dma_start3A_276 = tpu.memref_slice %arg2[%add3A_272] : memref<8192000xf32, #tpu.memory_space<hbm>> -> memref<256xf32, #tpu.memory_space<hbm>>
            %dma_start3A_277 = arith.constant 0 : i32
            %dma_start3A_278 = tpu.memref_slice %arg17[%scan3A_264, %dma_start3A_277] : memref<32x256xf32, #tpu.memory_space<vmem>> -> memref<1x256xf32, #tpu.memory_space<vmem>>
            %dma_start3A_279 = tpu.memref_squeeze %dma_start3A_278 : memref<1x256xf32, #tpu.memory_space<vmem>> -> memref<256xf32, #tpu.memory_space<vmem>>
            %dma_start3A_280 = tpu.memref_slice %arg2[%add3A_272] : memref<8192000xf32, #tpu.memory_space<hbm>> -> memref<256xf32, #tpu.memory_space<hbm>>
            tpu.enqueue_dma source(%dma_start3A_280 : memref<256xf32, #tpu.memory_space<hbm>>) target(%dma_start3A_279 : memref<256xf32, #tpu.memory_space<vmem>>) target_semaphore(%arg23 : memref<!tpu.dma_semaphore, #tpu.memory_space<semaphore_mem>>)
          } else {
          }
        }
        %scan3A_251 = arith.constant 32 : i32
        %scan3A_252 = arith.constant 0 : i32
        %scan3A_253 = arith.constant 0 : i32
        %scan3A_254 = arith.constant 32 : i32
        %scan3A_255 = arith.addi %scan3A_253, %scan3A_254 : i32
        %scan3A_256 = arith.constant 1 : i32
        scf.for %scan3A_264 = %scan3A_253 to %scan3A_255 step %scan3A_256  : i32 {
          %add3A_265 = arith.addi %mul3A_245, %scan3A_264 : i32
          %lt3A = arith.cmpi slt, %add3A_265, %scan3A_69 : i32
          %convert_element_type3A = arith.extui %lt3A : i1 to i32
          %cond3A = arith.constant 0 : i32
          %cond3A_266 = arith.cmpi ne, %convert_element_type3A, %cond3A : i32
          scf.if %cond3A_266 {
            %dma_wait3A_267 = arith.constant 0 : i32
            %dma_wait3A_268 = tpu.memref_slice %arg17[%scan3A_264, %dma_wait3A_267] : memref<32x256xf32, #tpu.memory_space<vmem>> -> memref<1x256xf32, #tpu.memory_space<vmem>>
            %dma_wait3A_269 = tpu.memref_squeeze %dma_wait3A_268 : memref<1x256xf32, #tpu.memory_space<vmem>> -> memref<256xf32, #tpu.memory_space<vmem>>
            %dma_wait3A_270 = tpu.memref_slice %arg2[%mul3A_72] : memref<8192000xf32, #tpu.memory_space<hbm>> -> memref<256xf32, #tpu.memory_space<hbm>>
            %dma_wait3A_271 = arith.constant 0 : i32
            %dma_wait3A_272 = tpu.memref_slice %arg17[%scan3A_264, %dma_wait3A_271] : memref<32x256xf32, #tpu.memory_space<vmem>> -> memref<1x256xf32, #tpu.memory_space<vmem>>
            %dma_wait3A_273 = tpu.memref_squeeze %dma_wait3A_272 : memref<1x256xf32, #tpu.memory_space<vmem>> -> memref<256xf32, #tpu.memory_space<vmem>>
            %dma_wait3A_274 = tpu.memref_slice %arg2[%mul3A_72] : memref<8192000xf32, #tpu.memory_space<hbm>> -> memref<256xf32, #tpu.memory_space<hbm>>
            tpu.wait_dma2 semaphore(%arg23 : memref<!tpu.dma_semaphore, #tpu.memory_space<semaphore_mem>>) src(%dma_wait3A_274 : memref<256xf32, #tpu.memory_space<hbm>>) dst(%dma_wait3A_273 : memref<256xf32, #tpu.memory_space<vmem>>)
          } else {
          }
        }
        %scan3A_257 = arith.constant 32 : i32
        %scan3A_258 = arith.constant 0 : i32
        %scan3A_259 = arith.constant 32 : i32
        %scan3A_260 = arith.addi %scan3A_258, %scan3A_259 : i32
        %scan3A_261 = arith.constant 1 : i32
        %scan3A_262 = scf.for %scan3A_264 = %scan3A_258 to %scan3A_260 step %scan3A_261 iter_args(%scan3A_265 = %while3A_243) -> (i32)  : i32 {
          %add3A_266 = arith.addi %mul3A_245, %scan3A_264 : i32
          %lt3A = arith.cmpi slt, %add3A_266, %scan3A_69 : i32
          %convert_element_type3A = arith.extui %lt3A : i1 to i32
          %cond3A = arith.constant 0 : i32
          %cond3A_267 = arith.cmpi ne, %convert_element_type3A, %cond3A : i32
          %cond3A_268 = scf.if %cond3A_267 -> (i32) {
            %add3A_269 = arith.addi %mul3A_245, %scan3A_264 : i32
            %get3A_270 = arith.index_cast %add3A_269 : i32 to index
            %get3A_271 = memref.load %arg18[%get3A_270] : memref<512xi32, #tpu.memory_space<smem>>
            %scan3A_272 = arith.constant 0 : i32
            %scan3A_273 = arith.constant 16 : i32
            %scan3A_274 = arith.addi %scan3A_272, %scan3A_273 : i32
            %scan3A_275 = arith.constant 1 : i32
            %scan3A_276 = scf.for %scan3A_278 = %scan3A_272 to %scan3A_274 step %scan3A_275 iter_args(%scan3A_279 = %scan3A_265) -> (i32)  : i32 {
              %mul3A_280 = arith.constant 16 : i32
              %mul3A_281 = arith.muli %scan3A_278, %mul3A_280 : i32
              %get3A_282 = arith.index_cast %scan3A_264 : i32 to index
              %get3A_283 = arith.index_cast %mul3A_281 : i32 to index
              %get3A_284 = tpu.vector_load %arg17[%get3A_282, %get3A_283] {strides = array<i32>} : memref<32x256xf32, #tpu.memory_space<vmem>>, vector<16xf32>,
              %ge3A_285 = arith.cmpf oge, %get3A_284, %bitcast_convert_type3A_63 : vector<16xf32>
              %mul3A_286 = arith.constant 256 : i32
              %mul3A_287 = arith.muli %get3A_271, %mul3A_286 : i32
              %mul3A_288 = arith.constant 16 : i32
              %mul3A_289 = arith.muli %scan3A_278, %mul3A_288 : i32
              %add3A_290 = arith.addi %mul3A_287, %mul3A_289 : i32
              %broadcast_in_dim3A_291 = vector.broadcast %add3A_290 : i32 to vector<16xi32>
              %add3A_292 = arith.addi %broadcast_in_dim3A_291, %iota3A : vector<16xi32>
              %swap3A_293 = arith.index_cast %scan3A_279 : i32 to index
              %swap3A_294 = tpu.vector_load %arg9[%swap3A_293] masked %ge3A_285 {strides = array<i32>} : memref<2064xf32, #tpu.memory_space<vmem>>, vector<16xf32>, vector<16xi1>
              tpu.vector_store %arg9[%swap3A_293], %get3A_284 masked %ge3A_285 {strides = array<i32>} : memref<2064xf32, #tpu.memory_space<vmem>>, vector<16xf32>, vector<16xi1>
              %swap3A_295 = arith.index_cast %scan3A_279 : i32 to index
              %swap3A_296 = tpu.vector_load %arg10[%swap3A_295] masked %ge3A_285 {strides = array<i32>} : memref<2064xi32, #tpu.memory_space<vmem>>, vector<16xi32>, vector<16xi1>
              tpu.vector_store %arg10[%swap3A_295], %add3A_292 masked %ge3A_285 {strides = array<i32>} : memref<2064xi32, #tpu.memory_space<vmem>>, vector<16xi32>, vector<16xi1>
              %all_reduce_population_count3A = tpu.all_reduce %ge3A_285 {dim = 0 : i64, kind = #tpu.reduction_kind<sum>} : vector<16xi1> -> vector<16xi32>
              %reduce_max3A_297 = arith.constant true
              %reduce_max3A_298 = vector.broadcast %reduce_max3A_297 : i1 to vector<16xi1>
              %reduce_max3A_299 = arith.constant -2147483648 : i32
              %reduce_max3A_300 = vector.broadcast %reduce_max3A_299 : i32 to vector<16xi32>
              %reduce_max3A_301 = arith.xori %all_reduce_population_count3A, %reduce_max3A_300 : vector<16xi32>
              %reduce_max3A_302 = tpu.scan <max>, %reduce_max3A_301 masked %reduce_max3A_298 : vector<16xi32>, vector<16xi1> -> vector<16xi32>
              %reduce_max3A_303 = arith.xori %reduce_max3A_302, %reduce_max3A_300 : vector<16xi32>
              %reduce_max3A_304 = vector.extract %reduce_max3A_303[15] : i32 from vector<16xi32>
              %add3A_305 = arith.addi %scan3A_279, %reduce_max3A_304 : i32
              %min3A = arith.constant 2048 : i32
              %min3A_306 = arith.minsi %add3A_305, %min3A : i32
              scf.yield %min3A_306 : i32
            }
            %scan3A_277 = arith.constant 16 : i32
            scf.yield %scan3A_276 : i32
          } else {
            scf.yield %scan3A_265 : i32
          }
          scf.yield %cond3A_268 : i32
        }
        %scan3A_263 = arith.constant 32 : i32
        scf.yield %scan3A_262 : i32
      }
      %swap3A = arith.index_cast %while3A_90 : i32 to index
      %swap3A_91 = tpu.vector_load %arg9[%swap3A] {strides = array<i32>} : memref<2064xf32, #tpu.memory_space<vmem>>, vector<16xf32>,
      tpu.vector_store %arg9[%swap3A], %broadcast_in_dim3A_5 {strides = array<i32>} : memref<2064xf32, #tpu.memory_space<vmem>>, vector<16xf32>,
      %add3A_92 = arith.constant 15 : i32
      %add3A_93 = arith.addi %while3A_90, %add3A_92 : i32
      %shift_right_logical3A_94 = arith.constant 4 : i32
      %shift_right_logical3A_95 = arith.shrui %add3A_93, %shift_right_logical3A_94 : i32
      %swap3A_96 = arith.constant 0 : index
      %swap3A_97 = tpu.vector_load %arg11[%swap3A_96] {strides = array<i32>} : memref<64xf32, #tpu.memory_space<vmem>>, vector<16xf32>,
      tpu.vector_store %arg11[%swap3A_96], %broadcast_in_dim3A_5 {strides = array<i32>} : memref<64xf32, #tpu.memory_space<vmem>>, vector<16xf32>,
      %broadcast_in_dim3A_98 = arith.constant 0 : i32
      %broadcast_in_dim3A_99 = vector.broadcast %broadcast_in_dim3A_98 : i32 to vector<16xi32>
      %add3A_100 = arith.addi %broadcast_in_dim3A_99, %iota3A : vector<16xi32>
      %swap3A_101 = arith.constant 0 : index
      %swap3A_102 = tpu.vector_load %arg12[%swap3A_101] {strides = array<i32>} : memref<64xi32, #tpu.memory_space<vmem>>, vector<16xi32>,
      tpu.vector_store %arg12[%swap3A_101], %add3A_100 {strides = array<i32>} : memref<64xi32, #tpu.memory_space<vmem>>, vector<16xi32>,
      %swap3A_103 = arith.constant 16 : index
      %swap3A_104 = tpu.vector_load %arg11[%swap3A_103] {strides = array<i32>} : memref<64xf32, #tpu.memory_space<vmem>>, vector<16xf32>,
      tpu.vector_store %arg11[%swap3A_103], %broadcast_in_dim3A_5 {strides = array<i32>} : memref<64xf32, #tpu.memory_space<vmem>>, vector<16xf32>,
      %broadcast_in_dim3A_105 = arith.constant 16 : i32
      %broadcast_in_dim3A_106 = vector.broadcast %broadcast_in_dim3A_105 : i32 to vector<16xi32>
      %add3A_107 = arith.addi %broadcast_in_dim3A_106, %iota3A : vector<16xi32>
      %swap3A_108 = arith.constant 16 : index
      %swap3A_109 = tpu.vector_load %arg12[%swap3A_108] {strides = array<i32>} : memref<64xi32, #tpu.memory_space<vmem>>, vector<16xi32>,
      tpu.vector_store %arg12[%swap3A_108], %add3A_107 {strides = array<i32>} : memref<64xi32, #tpu.memory_space<vmem>>, vector<16xi32>,
      %swap3A_110 = arith.constant 32 : index
      %swap3A_111 = tpu.vector_load %arg11[%swap3A_110] {strides = array<i32>} : memref<64xf32, #tpu.memory_space<vmem>>, vector<16xf32>,
      tpu.vector_store %arg11[%swap3A_110], %broadcast_in_dim3A_5 {strides = array<i32>} : memref<64xf32, #tpu.memory_space<vmem>>, vector<16xf32>,
      %broadcast_in_dim3A_112 = arith.constant 32 : i32
      %broadcast_in_dim3A_113 = vector.broadcast %broadcast_in_dim3A_112 : i32 to vector<16xi32>
      %add3A_114 = arith.addi %broadcast_in_dim3A_113, %iota3A : vector<16xi32>
      %swap3A_115 = arith.constant 32 : index
      %swap3A_116 = tpu.vector_load %arg12[%swap3A_115] {strides = array<i32>} : memref<64xi32, #tpu.memory_space<vmem>>, vector<16xi32>,
      tpu.vector_store %arg12[%swap3A_115], %add3A_114 {strides = array<i32>} : memref<64xi32, #tpu.memory_space<vmem>>, vector<16xi32>,
      %swap3A_117 = arith.constant 48 : index
      %swap3A_118 = tpu.vector_load %arg11[%swap3A_117] {strides = array<i32>} : memref<64xf32, #tpu.memory_space<vmem>>, vector<16xf32>,
      tpu.vector_store %arg11[%swap3A_117], %broadcast_in_dim3A_5 {strides = array<i32>} : memref<64xf32, #tpu.memory_space<vmem>>, vector<16xf32>,
      %broadcast_in_dim3A_119 = arith.constant 48 : i32
      %broadcast_in_dim3A_120 = vector.broadcast %broadcast_in_dim3A_119 : i32 to vector<16xi32>
      %add3A_121 = arith.addi %broadcast_in_dim3A_120, %iota3A : vector<16xi32>
      %swap3A_122 = arith.constant 48 : index
      %swap3A_123 = tpu.vector_load %arg12[%swap3A_122] {strides = array<i32>} : memref<64xi32, #tpu.memory_space<vmem>>, vector<16xi32>,
      tpu.vector_store %arg12[%swap3A_122], %add3A_121 {strides = array<i32>} : memref<64xi32, #tpu.memory_space<vmem>>, vector<16xi32>,
      %scan3A_124 = arith.constant 0 : i32
      %scan3A_125 = arith.constant 0 : i32
      %scan3A_126 = arith.constant 50 : i32
      %scan3A_127 = arith.addi %scan3A_125, %scan3A_126 : i32
      %scan3A_128 = arith.constant 1 : i32
      %scan3A_129 = scf.for %scan3A_242 = %scan3A_125 to %scan3A_127 step %scan3A_128 iter_args(%scan3A_243 = %scan3A_124) -> (i32)  : i32 {
        %while3A_244 = arith.constant 0 : i32
        %while3A_245 = arith.subi %shift_right_logical3A_95, %while3A_244 : i32
        %while3A_246 = arith.addi %while3A_244, %while3A_245 : i32
        %while3A_247 = arith.constant 1 : i32
        %while3A_248 = arith.divsi %while3A_245, %while3A_247 : i32
        %while3A_249 = arith.muli %while3A_248, %while3A_247 : i32
        %while3A_250 = arith.addi %while3A_244, %while3A_249 : i32
        %while3A_251 = arith.constant 1 : i32
        %while3A_252 = scf.for %while3A_293 = %while3A_244 to %while3A_250 step %while3A_251 iter_args(%while3A_294 = %broadcast_in_dim3A_5) -> (vector<16xf32>)  : i32 {
          %mul3A_295 = arith.constant 16 : i32
          %mul3A_296 = arith.muli %while3A_293, %mul3A_295 : i32
          %get3A_297 = arith.index_cast %mul3A_296 : i32 to index
          %get3A_298 = tpu.vector_load %arg9[%get3A_297] {strides = array<i32>} : memref<2064xf32, #tpu.memory_space<vmem>>, vector<16xf32>,
          %max3A_299 = arith.maximumf %while3A_294, %get3A_298 : vector<16xf32>
          scf.yield %max3A_299 : vector<16xf32>
        }
        %while3A_253 = arith.constant 1 : i32
        %while3A_254 = scf.for %while3A_293 = %while3A_250 to %while3A_246 step %while3A_253 iter_args(%while3A_294 = %while3A_252) -> (vector<16xf32>)  : i32 {
          %mul3A_295 = arith.constant 16 : i32
          %mul3A_296 = arith.muli %while3A_293, %mul3A_295 : i32
          %get3A_297 = arith.index_cast %mul3A_296 : i32 to index
          %get3A_298 = tpu.vector_load %arg9[%get3A_297] {strides = array<i32>} : memref<2064xf32, #tpu.memory_space<vmem>>, vector<16xf32>,
          %max3A_299 = arith.maximumf %while3A_294, %get3A_298 : vector<16xf32>
          scf.yield %max3A_299 : vector<16xf32>
        }
        %reduce_max3A_255 = arith.constant true
        %reduce_max3A_256 = vector.broadcast %reduce_max3A_255 : i1 to vector<16xi1>
        %reduce_max3A_257 = tpu.scan <max>, %while3A_254 masked %reduce_max3A_256 : vector<16xf32>, vector<16xi1> -> vector<16xf32>
        %reduce_max3A_258 = vector.extract %reduce_max3A_257[15] : f32 from vector<16xf32>
        %broadcast_in_dim3A_259 = vector.broadcast %reduce_max3A_258 : f32 to vector<16xf32>
        %broadcast_in_dim3A_260 = arith.constant 2147483647 : i32
        %broadcast_in_dim3A_261 = vector.broadcast %broadcast_in_dim3A_260 : i32 to vector<16xi32>
        %while3A_262 = arith.constant 0 : i32
        %while3A_263 = arith.subi %shift_right_logical3A_95, %while3A_262 : i32
        %while3A_264 = arith.addi %while3A_262, %while3A_263 : i32
        %while3A_265 = arith.constant 1 : i32
        %while3A_266 = arith.divsi %while3A_263, %while3A_265 : i32
        %while3A_267 = arith.muli %while3A_266, %while3A_265 : i32
        %while3A_268 = arith.addi %while3A_262, %while3A_267 : i32
        %while3A_269 = arith.constant 1 : i32
        %while3A_270 = scf.for %while3A_293 = %while3A_262 to %while3A_268 step %while3A_269 iter_args(%while3A_294 = %broadcast_in_dim3A_261) -> (vector<16xi32>)  : i32 {
          %mul3A_295 = arith.constant 16 : i32
          %mul3A_296 = arith.muli %while3A_293, %mul3A_295 : i32
          %get3A_297 = arith.index_cast %mul3A_296 : i32 to index
          %get3A_298 = tpu.vector_load %arg9[%get3A_297] {strides = array<i32>} : memref<2064xf32, #tpu.memory_space<vmem>>, vector<16xf32>,
          %eq3A_299 = arith.cmpf oeq, %get3A_298, %broadcast_in_dim3A_259 : vector<16xf32>
          %mul3A_300 = arith.constant 16 : i32
          %mul3A_301 = arith.muli %while3A_293, %mul3A_300 : i32
          %get3A_302 = arith.index_cast %mul3A_301 : i32 to index
          %get3A_303 = tpu.vector_load %arg10[%get3A_302] {strides = array<i32>} : memref<2064xi32, #tpu.memory_space<vmem>>, vector<16xi32>,
          %broadcast_in_dim3A_304 = arith.constant 2147483647 : i32
          %broadcast_in_dim3A_305 = vector.broadcast %broadcast_in_dim3A_304 : i32 to vector<16xi32>
          %select_n3A_306 = arith.select %eq3A_299, %get3A_303, %broadcast_in_dim3A_305 : vector<16xi1>, vector<16xi32>
          %min3A = arith.minsi %while3A_294, %select_n3A_306 : vector<16xi32>
          scf.yield %min3A : vector<16xi32>
        }
        %while3A_271 = arith.constant 1 : i32
        %while3A_272 = scf.for %while3A_293 = %while3A_268 to %while3A_264 step %while3A_271 iter_args(%while3A_294 = %while3A_270) -> (vector<16xi32>)  : i32 {
          %mul3A_295 = arith.constant 16 : i32
          %mul3A_296 = arith.muli %while3A_293, %mul3A_295 : i32
          %get3A_297 = arith.index_cast %mul3A_296 : i32 to index
          %get3A_298 = tpu.vector_load %arg9[%get3A_297] {strides = array<i32>} : memref<2064xf32, #tpu.memory_space<vmem>>, vector<16xf32>,
          %eq3A_299 = arith.cmpf oeq, %get3A_298, %broadcast_in_dim3A_259 : vector<16xf32>
          %mul3A_300 = arith.constant 16 : i32
          %mul3A_301 = arith.muli %while3A_293, %mul3A_300 : i32
          %get3A_302 = arith.index_cast %mul3A_301 : i32 to index
          %get3A_303 = tpu.vector_load %arg10[%get3A_302] {strides = array<i32>} : memref<2064xi32, #tpu.memory_space<vmem>>, vector<16xi32>,
          %broadcast_in_dim3A_304 = arith.constant 2147483647 : i32
          %broadcast_in_dim3A_305 = vector.broadcast %broadcast_in_dim3A_304 : i32 to vector<16xi32>
          %select_n3A_306 = arith.select %eq3A_299, %get3A_303, %broadcast_in_dim3A_305 : vector<16xi1>, vector<16xi32>
          %min3A = arith.minsi %while3A_294, %select_n3A_306 : vector<16xi32>
          scf.yield %min3A : vector<16xi32>
        }
        %reduce_min3A = arith.constant true
        %reduce_min3A_273 = vector.broadcast %reduce_min3A : i1 to vector<16xi1>
        %reduce_min3A_274 = arith.constant -2147483648 : i32
        %reduce_min3A_275 = vector.broadcast %reduce_min3A_274 : i32 to vector<16xi32>
        %reduce_min3A_276 = arith.xori %while3A_272, %reduce_min3A_275 : vector<16xi32>
        %reduce_min3A_277 = tpu.scan <min>, %reduce_min3A_276 masked %reduce_min3A_273 : vector<16xi32>, vector<16xi1> -> vector<16xi32>
        %reduce_min3A_278 = arith.xori %reduce_min3A_277, %reduce_min3A_275 : vector<16xi32>
        %reduce_min3A_279 = vector.extract %reduce_min3A_278[15] : i32 from vector<16xi32>
        %broadcast_in_dim3A_280 = vector.broadcast %reduce_min3A_279 : i32 to vector<16xi32>
        %while3A_281 = arith.constant 0 : i32
        %while3A_282 = arith.constant 0 : i32
        %while3A_283 = arith.subi %shift_right_logical3A_95, %while3A_282 : i32
        %while3A_284 = arith.addi %while3A_282, %while3A_283 : i32
        %while3A_285 = arith.constant 1 : i32
        %while3A_286 = arith.divsi %while3A_283, %while3A_285 : i32
        %while3A_287 = arith.muli %while3A_286, %while3A_285 : i32
        %while3A_288 = arith.addi %while3A_282, %while3A_287 : i32
        %while3A_289 = arith.constant 1 : i32
        scf.for %while3A_293 = %while3A_282 to %while3A_288 step %while3A_289  : i32 {
          %mul3A_294 = arith.constant 16 : i32
          %mul3A_295 = arith.muli %while3A_293, %mul3A_294 : i32
          %get3A_296 = arith.index_cast %mul3A_295 : i32 to index
          %get3A_297 = tpu.vector_load %arg9[%get3A_296] {strides = array<i32>} : memref<2064xf32, #tpu.memory_space<vmem>>, vector<16xf32>,
          %mul3A_298 = arith.constant 16 : i32
          %mul3A_299 = arith.muli %while3A_293, %mul3A_298 : i32
          %get3A_300 = arith.index_cast %mul3A_299 : i32 to index
          %get3A_301 = tpu.vector_load %arg10[%get3A_300] {strides = array<i32>} : memref<2064xi32, #tpu.memory_space<vmem>>, vector<16xi32>,
          %eq3A_302 = arith.cmpf oeq, %get3A_297, %broadcast_in_dim3A_259 : vector<16xf32>
          %eq3A_303 = arith.cmpi eq, %get3A_301, %broadcast_in_dim3A_280 : vector<16xi32>
          %and3A = arith.andi %eq3A_302, %eq3A_303 : vector<16xi1>
          %select_n3A_304 = arith.select %and3A, %broadcast_in_dim3A_5, %get3A_297 : vector<16xi1>, vector<16xf32>
          %mul3A_305 = arith.constant 16 : i32
          %mul3A_306 = arith.muli %while3A_293, %mul3A_305 : i32
          %swap3A_307 = arith.index_cast %mul3A_306 : i32 to index
          %swap3A_308 = tpu.vector_load %arg9[%swap3A_307] {strides = array<i32>} : memref<2064xf32, #tpu.memory_space<vmem>>, vector<16xf32>,
          tpu.vector_store %arg9[%swap3A_307], %select_n3A_304 {strides = array<i32>} : memref<2064xf32, #tpu.memory_space<vmem>>, vector<16xf32>,
        }
        %while3A_290 = arith.constant 1 : i32
        scf.for %while3A_293 = %while3A_288 to %while3A_284 step %while3A_290  : i32 {
          %mul3A_294 = arith.constant 16 : i32
          %mul3A_295 = arith.muli %while3A_293, %mul3A_294 : i32
          %get3A_296 = arith.index_cast %mul3A_295 : i32 to index
          %get3A_297 = tpu.vector_load %arg9[%get3A_296] {strides = array<i32>} : memref<2064xf32, #tpu.memory_space<vmem>>, vector<16xf32>,
          %mul3A_298 = arith.constant 16 : i32
          %mul3A_299 = arith.muli %while3A_293, %mul3A_298 : i32
          %get3A_300 = arith.index_cast %mul3A_299 : i32 to index
          %get3A_301 = tpu.vector_load %arg10[%get3A_300] {strides = array<i32>} : memref<2064xi32, #tpu.memory_space<vmem>>, vector<16xi32>,
          %eq3A_302 = arith.cmpf oeq, %get3A_297, %broadcast_in_dim3A_259 : vector<16xf32>
          %eq3A_303 = arith.cmpi eq, %get3A_301, %broadcast_in_dim3A_280 : vector<16xi32>
          %and3A = arith.andi %eq3A_302, %eq3A_303 : vector<16xi1>
          %select_n3A_304 = arith.select %and3A, %broadcast_in_dim3A_5, %get3A_297 : vector<16xi1>, vector<16xf32>
          %mul3A_305 = arith.constant 16 : i32
          %mul3A_306 = arith.muli %while3A_293, %mul3A_305 : i32
          %swap3A_307 = arith.index_cast %mul3A_306 : i32 to index
          %swap3A_308 = tpu.vector_load %arg9[%swap3A_307] {strides = array<i32>} : memref<2064xf32, #tpu.memory_space<vmem>>, vector<16xf32>,
          tpu.vector_store %arg9[%swap3A_307], %select_n3A_304 {strides = array<i32>} : memref<2064xf32, #tpu.memory_space<vmem>>, vector<16xf32>,
        }
        %broadcast_in_dim3A_291 = vector.broadcast %scan3A_242 : i32 to vector<16xi32>
        tpu.vector_store_idx %arg11[%broadcast_in_dim3A_291], %broadcast_in_dim3A_259 masked %eq3A_7 : memref<64xf32, #tpu.memory_space<vmem>>[vector<16xi32>], vector<16xf32>, vector<16xi1>
        tpu.vector_store_idx %arg12[%broadcast_in_dim3A_291], %broadcast_in_dim3A_280 masked %eq3A_7 : memref<64xi32, #tpu.memory_space<vmem>>[vector<16xi32>], vector<16xi32>, vector<16xi1>
        %scan3A_292 = arith.constant 0 : i32
        scf.yield %scan3A_292 : i32
      }
      %scan3A_130 = arith.constant 50 : i32
      %get3A = arith.constant 0 : index
      %get3A_131 = tpu.vector_load %arg11[%get3A] {strides = array<i32>} : memref<64xf32, #tpu.memory_space<vmem>>, vector<16xf32>,
      %get3A_132 = arith.constant 16 : index
      %get3A_133 = tpu.vector_load %arg11[%get3A_132] {strides = array<i32>} : memref<64xf32, #tpu.memory_space<vmem>>, vector<16xf32>,
      %get3A_134 = arith.constant 32 : index
      %get3A_135 = tpu.vector_load %arg11[%get3A_134] {strides = array<i32>} : memref<64xf32, #tpu.memory_space<vmem>>, vector<16xf32>,
      %get3A_136 = arith.constant 48 : index
      %get3A_137 = tpu.vector_load %arg11[%get3A_136] {strides = array<i32>} : memref<64xf32, #tpu.memory_space<vmem>>, vector<16xf32>,
      %max3A = arith.maximumf %get3A_131, %get3A_133 : vector<16xf32>
      %max3A_138 = arith.maximumf %get3A_135, %get3A_137 : vector<16xf32>
      %max3A_139 = arith.maximumf %max3A, %max3A_138 : vector<16xf32>
      %reduce_max3A_140 = arith.constant true
      %reduce_max3A_141 = vector.broadcast %reduce_max3A_140 : i1 to vector<16xi1>
      %reduce_max3A_142 = tpu.scan <max>, %max3A_139 masked %reduce_max3A_141 : vector<16xf32>, vector<16xi1> -> vector<16xf32>
      %reduce_max3A_143 = vector.extract %reduce_max3A_142[15] : f32 from vector<16xf32>
      %broadcast_in_dim3A_144 = vector.broadcast %reduce_max3A_143 : f32 to vector<16xf32>
      %sub3A_145 = arith.subf %get3A_131, %broadcast_in_dim3A_144 : vector<16xf32>
      %exp3A = math.exp %sub3A_145 : vector<16xf32>
      %sub3A_146 = arith.subf %get3A_133, %broadcast_in_dim3A_144 : vector<16xf32>
      %exp3A_147 = math.exp %sub3A_146 : vector<16xf32>
      %sub3A_148 = arith.subf %get3A_135, %broadcast_in_dim3A_144 : vector<16xf32>
      %exp3A_149 = math.exp %sub3A_148 : vector<16xf32>
      %sub3A_150 = arith.subf %get3A_137, %broadcast_in_dim3A_144 : vector<16xf32>
      %exp3A_151 = math.exp %sub3A_150 : vector<16xf32>
      %add3A_152 = arith.addf %exp3A, %exp3A_147 : vector<16xf32>
      %add3A_153 = arith.addf %add3A_152, %exp3A_149 : vector<16xf32>
      %add3A_154 = arith.addf %add3A_153, %exp3A_151 : vector<16xf32>
      %reduce_sum3A = arith.constant true
      %reduce_sum3A_155 = vector.broadcast %reduce_sum3A : i1 to vector<16xi1>
      %reduce_sum3A_156 = tpu.scan <sum>, %add3A_154 masked %reduce_sum3A_155 : vector<16xf32>, vector<16xi1> -> vector<16xf32>
      %reduce_sum3A_157 = vector.extract %reduce_sum3A_156[15] : f32 from vector<16xf32>
      %broadcast_in_dim3A_158 = vector.broadcast %reduce_sum3A_157 : f32 to vector<16xf32>
      %div3A = arith.divf %exp3A, %broadcast_in_dim3A_158 : vector<16xf32>
      %swap3A_159 = arith.constant 0 : index
      %swap3A_160 = tpu.vector_load %arg13[%swap3A_159] {strides = array<i32>} : memref<64xf32, #tpu.memory_space<vmem>>, vector<16xf32>,
      tpu.vector_store %arg13[%swap3A_159], %div3A {strides = array<i32>} : memref<64xf32, #tpu.memory_space<vmem>>, vector<16xf32>,
      %div3A_161 = arith.divf %exp3A_147, %broadcast_in_dim3A_158 : vector<16xf32>
      %swap3A_162 = arith.constant 16 : index
      %swap3A_163 = tpu.vector_load %arg13[%swap3A_162] {strides = array<i32>} : memref<64xf32, #tpu.memory_space<vmem>>, vector<16xf32>,
      tpu.vector_store %arg13[%swap3A_162], %div3A_161 {strides = array<i32>} : memref<64xf32, #tpu.memory_space<vmem>>, vector<16xf32>,
      %div3A_164 = arith.divf %exp3A_149, %broadcast_in_dim3A_158 : vector<16xf32>
      %swap3A_165 = arith.constant 32 : index
      %swap3A_166 = tpu.vector_load %arg13[%swap3A_165] {strides = array<i32>} : memref<64xf32, #tpu.memory_space<vmem>>, vector<16xf32>,
      tpu.vector_store %arg13[%swap3A_165], %div3A_164 {strides = array<i32>} : memref<64xf32, #tpu.memory_space<vmem>>, vector<16xf32>,
      %div3A_167 = arith.divf %exp3A_151, %broadcast_in_dim3A_158 : vector<16xf32>
      %swap3A_168 = arith.constant 48 : index
      %swap3A_169 = tpu.vector_load %arg13[%swap3A_168] {strides = array<i32>} : memref<64xf32, #tpu.memory_space<vmem>>, vector<16xf32>,
      tpu.vector_store %arg13[%swap3A_168], %div3A_167 {strides = array<i32>} : memref<64xf32, #tpu.memory_space<vmem>>, vector<16xf32>,
      %scan3A_170 = arith.constant 0 : i32
      %scan3A_171 = arith.constant 0 : i32
      %scan3A_172 = arith.constant 16 : i32
      %scan3A_173 = arith.addi %scan3A_171, %scan3A_172 : i32
      %scan3A_174 = arith.constant 1 : i32
      scf.for %scan3A_242 = %scan3A_171 to %scan3A_173 step %scan3A_174  : i32 {
        %mul3A_243 = arith.constant 8 : i32
        %mul3A_244 = arith.muli %scan3A_242, %mul3A_243 : i32
        %add3A_245 = arith.constant 0 : i32
        %add3A_246 = arith.addi %mul3A_244, %add3A_245 : i32
        %mul3A_247 = arith.constant 16 : i32
        %mul3A_248 = arith.muli %add3A_246, %mul3A_247 : i32
        %swap3A_249 = arith.index_cast %mul3A_248 : i32 to index
        %swap3A_250 = tpu.vector_load %arg16[%swap3A_249] {strides = array<i32>} : memref<2048xf32, #tpu.memory_space<vmem>>, vector<16xf32>,
        tpu.vector_store %arg16[%swap3A_249], %broadcast_in_dim3A_3 {strides = array<i32>} : memref<2048xf32, #tpu.memory_space<vmem>>, vector<16xf32>,
        %mul3A_251 = arith.constant 8 : i32
        %mul3A_252 = arith.muli %scan3A_242, %mul3A_251 : i32
        %add3A_253 = arith.constant 1 : i32
        %add3A_254 = arith.addi %mul3A_252, %add3A_253 : i32
        %mul3A_255 = arith.constant 16 : i32
        %mul3A_256 = arith.muli %add3A_254, %mul3A_255 : i32
        %swap3A_257 = arith.index_cast %mul3A_256 : i32 to index
        %swap3A_258 = tpu.vector_load %arg16[%swap3A_257] {strides = array<i32>} : memref<2048xf32, #tpu.memory_space<vmem>>, vector<16xf32>,
        tpu.vector_store %arg16[%swap3A_257], %broadcast_in_dim3A_3 {strides = array<i32>} : memref<2048xf32, #tpu.memory_space<vmem>>, vector<16xf32>,
        %mul3A_259 = arith.constant 8 : i32
        %mul3A_260 = arith.muli %scan3A_242, %mul3A_259 : i32
        %add3A_261 = arith.constant 2 : i32
        %add3A_262 = arith.addi %mul3A_260, %add3A_261 : i32
        %mul3A_263 = arith.constant 16 : i32
        %mul3A_264 = arith.muli %add3A_262, %mul3A_263 : i32
        %swap3A_265 = arith.index_cast %mul3A_264 : i32 to index
        %swap3A_266 = tpu.vector_load %arg16[%swap3A_265] {strides = array<i32>} : memref<2048xf32, #tpu.memory_space<vmem>>, vector<16xf32>,
        tpu.vector_store %arg16[%swap3A_265], %broadcast_in_dim3A_3 {strides = array<i32>} : memref<2048xf32, #tpu.memory_space<vmem>>, vector<16xf32>,
        %mul3A_267 = arith.constant 8 : i32
        %mul3A_268 = arith.muli %scan3A_242, %mul3A_267 : i32
        %add3A_269 = arith.constant 3 : i32
        %add3A_270 = arith.addi %mul3A_268, %add3A_269 : i32
        %mul3A_271 = arith.constant 16 : i32
        %mul3A_272 = arith.muli %add3A_270, %mul3A_271 : i32
        %swap3A_273 = arith.index_cast %mul3A_272 : i32 to index
        %swap3A_274 = tpu.vector_load %arg16[%swap3A_273] {strides = array<i32>} : memref<2048xf32, #tpu.memory_space<vmem>>, vector<16xf32>,
        tpu.vector_store %arg16[%swap3A_273], %broadcast_in_dim3A_3 {strides = array<i32>} : memref<2048xf32, #tpu.memory_space<vmem>>, vector<16xf32>,
        %mul3A_275 = arith.constant 8 : i32
        %mul3A_276 = arith.muli %scan3A_242, %mul3A_275 : i32
        %add3A_277 = arith.constant 4 : i32
        %add3A_278 = arith.addi %mul3A_276, %add3A_277 : i32
        %mul3A_279 = arith.constant 16 : i32
        %mul3A_280 = arith.muli %add3A_278, %mul3A_279 : i32
        %swap3A_281 = arith.index_cast %mul3A_280 : i32 to index
        %swap3A_282 = tpu.vector_load %arg16[%swap3A_281] {strides = array<i32>} : memref<2048xf32, #tpu.memory_space<vmem>>, vector<16xf32>,
        tpu.vector_store %arg16[%swap3A_281], %broadcast_in_dim3A_3 {strides = array<i32>} : memref<2048xf32, #tpu.memory_space<vmem>>, vector<16xf32>,
        %mul3A_283 = arith.constant 8 : i32
        %mul3A_284 = arith.muli %scan3A_242, %mul3A_283 : i32
        %add3A_285 = arith.constant 5 : i32
        %add3A_286 = arith.addi %mul3A_284, %add3A_285 : i32
        %mul3A_287 = arith.constant 16 : i32
        %mul3A_288 = arith.muli %add3A_286, %mul3A_287 : i32
        %swap3A_289 = arith.index_cast %mul3A_288 : i32 to index
        %swap3A_290 = tpu.vector_load %arg16[%swap3A_289] {strides = array<i32>} : memref<2048xf32, #tpu.memory_space<vmem>>, vector<16xf32>,
        tpu.vector_store %arg16[%swap3A_289], %broadcast_in_dim3A_3 {strides = array<i32>} : memref<2048xf32, #tpu.memory_space<vmem>>, vector<16xf32>,
        %mul3A_291 = arith.constant 8 : i32
        %mul3A_292 = arith.muli %scan3A_242, %mul3A_291 : i32
        %add3A_293 = arith.constant 6 : i32
        %add3A_294 = arith.addi %mul3A_292, %add3A_293 : i32
        %mul3A_295 = arith.constant 16 : i32
        %mul3A_296 = arith.muli %add3A_294, %mul3A_295 : i32
        %swap3A_297 = arith.index_cast %mul3A_296 : i32 to index
        %swap3A_298 = tpu.vector_load %arg16[%swap3A_297] {strides = array<i32>} : memref<2048xf32, #tpu.memory_space<vmem>>, vector<16xf32>,
        tpu.vector_store %arg16[%swap3A_297], %broadcast_in_dim3A_3 {strides = array<i32>} : memref<2048xf32, #tpu.memory_space<vmem>>, vector<16xf32>,
        %mul3A_299 = arith.constant 8 : i32
        %mul3A_300 = arith.muli %scan3A_242, %mul3A_299 : i32
        %add3A_301 = arith.constant 7 : i32
        %add3A_302 = arith.addi %mul3A_300, %add3A_301 : i32
        %mul3A_303 = arith.constant 16 : i32
        %mul3A_304 = arith.muli %add3A_302, %mul3A_303 : i32
        %swap3A_305 = arith.index_cast %mul3A_304 : i32 to index
        %swap3A_306 = tpu.vector_load %arg16[%swap3A_305] {strides = array<i32>} : memref<2048xf32, #tpu.memory_space<vmem>>, vector<16xf32>,
        tpu.vector_store %arg16[%swap3A_305], %broadcast_in_dim3A_3 {strides = array<i32>} : memref<2048xf32, #tpu.memory_space<vmem>>, vector<16xf32>,
      }
      %scan3A_175 = arith.constant 16 : i32
      %dma_start3A_176 = arith.constant 0 : i32
      %dma_start3A_177 = tpu.memref_slice %arg12[%dma_start3A_176] : memref<64xi32, #tpu.memory_space<vmem>> -> memref<16xi32, #tpu.memory_space<vmem>>
      %dma_start3A_178 = arith.constant 0 : i32
      %dma_start3A_179 = arith.constant 0 : i32
      %dma_start3A_180 = tpu.memref_slice %arg3[%dma_start3A_178, %dma_start3A_179] : memref<128000x2048xf32, #tpu.memory_space<hbm>> -> memref<128000x2048xf32, #tpu.memory_space<hbm>>
      tpu.enqueue_indirect_dma source(%dma_start3A_180 : memref<128000x2048xf32, #tpu.memory_space<hbm>>) target(%arg14 : memref<16x2048xf32, #tpu.memory_space<vmem>>) offsets(%dma_start3A_177 : memref<16xi32, #tpu.memory_space<vmem>>) semaphore(%arg21 : memref<!tpu.dma_semaphore, #tpu.memory_space<semaphore_mem>>)
      %dma_start3A_181 = arith.constant 16 : i32
      %dma_start3A_182 = tpu.memref_slice %arg12[%dma_start3A_181] : memref<64xi32, #tpu.memory_space<vmem>> -> memref<16xi32, #tpu.memory_space<vmem>>
      %dma_start3A_183 = arith.constant 0 : i32
      %dma_start3A_184 = arith.constant 0 : i32
      %dma_start3A_185 = tpu.memref_slice %arg3[%dma_start3A_183, %dma_start3A_184] : memref<128000x2048xf32, #tpu.memory_space<hbm>> -> memref<128000x2048xf32, #tpu.memory_space<hbm>>
      tpu.enqueue_indirect_dma source(%dma_start3A_185 : memref<128000x2048xf32, #tpu.memory_space<hbm>>) target(%arg15 : memref<16x2048xf32, #tpu.memory_space<vmem>>) offsets(%dma_start3A_182 : memref<16xi32, #tpu.memory_space<vmem>>) semaphore(%arg22 : memref<!tpu.dma_semaphore, #tpu.memory_space<semaphore_mem>>)
      %dma_wait3A = arith.constant 0 : i32
      %dma_wait3A_186 = tpu.memref_slice %arg12[%dma_wait3A] : memref<64xi32, #tpu.memory_space<vmem>> -> memref<16xi32, #tpu.memory_space<vmem>>
      %dma_wait3A_187 = arith.constant 0 : i32
      %dma_wait3A_188 = arith.constant 0 : i32
      %dma_wait3A_189 = tpu.memref_slice %arg3[%dma_wait3A_187, %dma_wait3A_188] : memref<128000x2048xf32, #tpu.memory_space<hbm>> -> memref<128000x2048xf32, #tpu.memory_space<hbm>>
      tpu.wait_indirect_dma semaphore(%arg21 : memref<!tpu.dma_semaphore, #tpu.memory_space<semaphore_mem>>) src(%dma_wait3A_189 : memref<128000x2048xf32, #tpu.memory_space<hbm>>) dst(%arg14 : memref<16x2048xf32, #tpu.memory_space<vmem>>)
      %scan3A_190 = arith.constant 0 : i32
      %scan3A_191 = arith.constant 0 : i32
      %scan3A_192 = arith.constant 16 : i32
      %scan3A_193 = arith.addi %scan3A_191, %scan3A_192 : i32
      %scan3A_194 = arith.constant 1 : i32
      scf.for %scan3A_242 = %scan3A_191 to %scan3A_193 step %scan3A_194  : i32 {
        %add3A_243 = arith.constant 0 : i32
        %add3A_244 = arith.addi %add3A_243, %scan3A_242 : i32
        %broadcast_in_dim3A_245 = vector.broadcast %add3A_244 : i32 to vector<16xi32>
        %gather3A = tpu.vector_load_idx %arg13[%broadcast_in_dim3A_245] : memref<64xf32, #tpu.memory_space<vmem>>[vector<16xi32>], vector<16xf32>,
        %scan3A_246 = arith.constant 0 : i32
        %scan3A_247 = arith.constant 16 : i32
        %scan3A_248 = arith.addi %scan3A_246, %scan3A_247 : i32
        %scan3A_249 = arith.constant 1 : i32
        scf.for %scan3A_251 = %scan3A_246 to %scan3A_248 step %scan3A_249  : i32 {
          %mul3A_252 = arith.constant 8 : i32
          %mul3A_253 = arith.muli %scan3A_251, %mul3A_252 : i32
          %add3A_254 = arith.constant 0 : i32
          %add3A_255 = arith.addi %mul3A_253, %add3A_254 : i32
          %mul3A_256 = arith.constant 16 : i32
          %mul3A_257 = arith.muli %add3A_255, %mul3A_256 : i32
          %mul3A_258 = arith.constant 16 : i32
          %mul3A_259 = arith.muli %add3A_255, %mul3A_258 : i32
          %get3A_260 = arith.index_cast %scan3A_242 : i32 to index
          %get3A_261 = arith.index_cast %mul3A_259 : i32 to index
          %get3A_262 = tpu.vector_load %arg14[%get3A_260, %get3A_261] {strides = array<i32>} : memref<16x2048xf32, #tpu.memory_space<vmem>>, vector<16xf32>,
          %mul3A_263 = arith.mulf %gather3A, %get3A_262 : vector<16xf32>
          %swap3A_264 = arith.index_cast %mul3A_257 : i32 to index
          %swap3A_265 = tpu.vector_load %arg16[%swap3A_264] {strides = array<i32>} : memref<2048xf32, #tpu.memory_space<vmem>>, vector<16xf32>,
          tpu.vector_store %arg16[%swap3A_264], %mul3A_263 {add = true, strides = array<i32>} : memref<2048xf32, #tpu.memory_space<vmem>>, vector<16xf32>,
          %mul3A_266 = arith.constant 8 : i32
          %mul3A_267 = arith.muli %scan3A_251, %mul3A_266 : i32
          %add3A_268 = arith.constant 1 : i32
          %add3A_269 = arith.addi %mul3A_267, %add3A_268 : i32
          %mul3A_270 = arith.constant 16 : i32
          %mul3A_271 = arith.muli %add3A_269, %mul3A_270 : i32
          %mul3A_272 = arith.constant 16 : i32
          %mul3A_273 = arith.muli %add3A_269, %mul3A_272 : i32
          %get3A_274 = arith.index_cast %scan3A_242 : i32 to index
          %get3A_275 = arith.index_cast %mul3A_273 : i32 to index
          %get3A_276 = tpu.vector_load %arg14[%get3A_274, %get3A_275] {strides = array<i32>} : memref<16x2048xf32, #tpu.memory_space<vmem>>, vector<16xf32>,
          %mul3A_277 = arith.mulf %gather3A, %get3A_276 : vector<16xf32>
          %swap3A_278 = arith.index_cast %mul3A_271 : i32 to index
          %swap3A_279 = tpu.vector_load %arg16[%swap3A_278] {strides = array<i32>} : memref<2048xf32, #tpu.memory_space<vmem>>, vector<16xf32>,
          tpu.vector_store %arg16[%swap3A_278], %mul3A_277 {add = true, strides = array<i32>} : memref<2048xf32, #tpu.memory_space<vmem>>, vector<16xf32>,
          %mul3A_280 = arith.constant 8 : i32
          %mul3A_281 = arith.muli %scan3A_251, %mul3A_280 : i32
          %add3A_282 = arith.constant 2 : i32
          %add3A_283 = arith.addi %mul3A_281, %add3A_282 : i32
          %mul3A_284 = arith.constant 16 : i32
          %mul3A_285 = arith.muli %add3A_283, %mul3A_284 : i32
          %mul3A_286 = arith.constant 16 : i32
          %mul3A_287 = arith.muli %add3A_283, %mul3A_286 : i32
          %get3A_288 = arith.index_cast %scan3A_242 : i32 to index
          %get3A_289 = arith.index_cast %mul3A_287 : i32 to index
          %get3A_290 = tpu.vector_load %arg14[%get3A_288, %get3A_289] {strides = array<i32>} : memref<16x2048xf32, #tpu.memory_space<vmem>>, vector<16xf32>,
          %mul3A_291 = arith.mulf %gather3A, %get3A_290 : vector<16xf32>
          %swap3A_292 = arith.index_cast %mul3A_285 : i32 to index
          %swap3A_293 = tpu.vector_load %arg16[%swap3A_292] {strides = array<i32>} : memref<2048xf32, #tpu.memory_space<vmem>>, vector<16xf32>,
          tpu.vector_store %arg16[%swap3A_292], %mul3A_291 {add = true, strides = array<i32>} : memref<2048xf32, #tpu.memory_space<vmem>>, vector<16xf32>,
          %mul3A_294 = arith.constant 8 : i32
          %mul3A_295 = arith.muli %scan3A_251, %mul3A_294 : i32
          %add3A_296 = arith.constant 3 : i32
          %add3A_297 = arith.addi %mul3A_295, %add3A_296 : i32
          %mul3A_298 = arith.constant 16 : i32
          %mul3A_299 = arith.muli %add3A_297, %mul3A_298 : i32
          %mul3A_300 = arith.constant 16 : i32
          %mul3A_301 = arith.muli %add3A_297, %mul3A_300 : i32
          %get3A_302 = arith.index_cast %scan3A_242 : i32 to index
          %get3A_303 = arith.index_cast %mul3A_301 : i32 to index
          %get3A_304 = tpu.vector_load %arg14[%get3A_302, %get3A_303] {strides = array<i32>} : memref<16x2048xf32, #tpu.memory_space<vmem>>, vector<16xf32>,
          %mul3A_305 = arith.mulf %gather3A, %get3A_304 : vector<16xf32>
          %swap3A_306 = arith.index_cast %mul3A_299 : i32 to index
          %swap3A_307 = tpu.vector_load %arg16[%swap3A_306] {strides = array<i32>} : memref<2048xf32, #tpu.memory_space<vmem>>, vector<16xf32>,
          tpu.vector_store %arg16[%swap3A_306], %mul3A_305 {add = true, strides = array<i32>} : memref<2048xf32, #tpu.memory_space<vmem>>, vector<16xf32>,
          %mul3A_308 = arith.constant 8 : i32
          %mul3A_309 = arith.muli %scan3A_251, %mul3A_308 : i32
          %add3A_310 = arith.constant 4 : i32
          %add3A_311 = arith.addi %mul3A_309, %add3A_310 : i32
          %mul3A_312 = arith.constant 16 : i32
          %mul3A_313 = arith.muli %add3A_311, %mul3A_312 : i32
          %mul3A_314 = arith.constant 16 : i32
          %mul3A_315 = arith.muli %add3A_311, %mul3A_314 : i32
          %get3A_316 = arith.index_cast %scan3A_242 : i32 to index
          %get3A_317 = arith.index_cast %mul3A_315 : i32 to index
          %get3A_318 = tpu.vector_load %arg14[%get3A_316, %get3A_317] {strides = array<i32>} : memref<16x2048xf32, #tpu.memory_space<vmem>>, vector<16xf32>,
          %mul3A_319 = arith.mulf %gather3A, %get3A_318 : vector<16xf32>
          %swap3A_320 = arith.index_cast %mul3A_313 : i32 to index
          %swap3A_321 = tpu.vector_load %arg16[%swap3A_320] {strides = array<i32>} : memref<2048xf32, #tpu.memory_space<vmem>>, vector<16xf32>,
          tpu.vector_store %arg16[%swap3A_320], %mul3A_319 {add = true, strides = array<i32>} : memref<2048xf32, #tpu.memory_space<vmem>>, vector<16xf32>,
          %mul3A_322 = arith.constant 8 : i32
          %mul3A_323 = arith.muli %scan3A_251, %mul3A_322 : i32
          %add3A_324 = arith.constant 5 : i32
          %add3A_325 = arith.addi %mul3A_323, %add3A_324 : i32
          %mul3A_326 = arith.constant 16 : i32
          %mul3A_327 = arith.muli %add3A_325, %mul3A_326 : i32
          %mul3A_328 = arith.constant 16 : i32
          %mul3A_329 = arith.muli %add3A_325, %mul3A_328 : i32
          %get3A_330 = arith.index_cast %scan3A_242 : i32 to index
          %get3A_331 = arith.index_cast %mul3A_329 : i32 to index
          %get3A_332 = tpu.vector_load %arg14[%get3A_330, %get3A_331] {strides = array<i32>} : memref<16x2048xf32, #tpu.memory_space<vmem>>, vector<16xf32>,
          %mul3A_333 = arith.mulf %gather3A, %get3A_332 : vector<16xf32>
          %swap3A_334 = arith.index_cast %mul3A_327 : i32 to index
          %swap3A_335 = tpu.vector_load %arg16[%swap3A_334] {strides = array<i32>} : memref<2048xf32, #tpu.memory_space<vmem>>, vector<16xf32>,
          tpu.vector_store %arg16[%swap3A_334], %mul3A_333 {add = true, strides = array<i32>} : memref<2048xf32, #tpu.memory_space<vmem>>, vector<16xf32>,
          %mul3A_336 = arith.constant 8 : i32
          %mul3A_337 = arith.muli %scan3A_251, %mul3A_336 : i32
          %add3A_338 = arith.constant 6 : i32
          %add3A_339 = arith.addi %mul3A_337, %add3A_338 : i32
          %mul3A_340 = arith.constant 16 : i32
          %mul3A_341 = arith.muli %add3A_339, %mul3A_340 : i32
          %mul3A_342 = arith.constant 16 : i32
          %mul3A_343 = arith.muli %add3A_339, %mul3A_342 : i32
          %get3A_344 = arith.index_cast %scan3A_242 : i32 to index
          %get3A_345 = arith.index_cast %mul3A_343 : i32 to index
          %get3A_346 = tpu.vector_load %arg14[%get3A_344, %get3A_345] {strides = array<i32>} : memref<16x2048xf32, #tpu.memory_space<vmem>>, vector<16xf32>,
          %mul3A_347 = arith.mulf %gather3A, %get3A_346 : vector<16xf32>
          %swap3A_348 = arith.index_cast %mul3A_341 : i32 to index
          %swap3A_349 = tpu.vector_load %arg16[%swap3A_348] {strides = array<i32>} : memref<2048xf32, #tpu.memory_space<vmem>>, vector<16xf32>,
          tpu.vector_store %arg16[%swap3A_348], %mul3A_347 {add = true, strides = array<i32>} : memref<2048xf32, #tpu.memory_space<vmem>>, vector<16xf32>,
          %mul3A_350 = arith.constant 8 : i32
          %mul3A_351 = arith.muli %scan3A_251, %mul3A_350 : i32
          %add3A_352 = arith.constant 7 : i32
          %add3A_353 = arith.addi %mul3A_351, %add3A_352 : i32
          %mul3A_354 = arith.constant 16 : i32
          %mul3A_355 = arith.muli %add3A_353, %mul3A_354 : i32
          %mul3A_356 = arith.constant 16 : i32
          %mul3A_357 = arith.muli %add3A_353, %mul3A_356 : i32
          %get3A_358 = arith.index_cast %scan3A_242 : i32 to index
          %get3A_359 = arith.index_cast %mul3A_357 : i32 to index
          %get3A_360 = tpu.vector_load %arg14[%get3A_358, %get3A_359] {strides = array<i32>} : memref<16x2048xf32, #tpu.memory_space<vmem>>, vector<16xf32>,
          %mul3A_361 = arith.mulf %gather3A, %get3A_360 : vector<16xf32>
          %swap3A_362 = arith.index_cast %mul3A_355 : i32 to index
          %swap3A_363 = tpu.vector_load %arg16[%swap3A_362] {strides = array<i32>} : memref<2048xf32, #tpu.memory_space<vmem>>, vector<16xf32>,
          tpu.vector_store %arg16[%swap3A_362], %mul3A_361 {add = true, strides = array<i32>} : memref<2048xf32, #tpu.memory_space<vmem>>, vector<16xf32>,
        }
        %scan3A_250 = arith.constant 16 : i32
      }
      %scan3A_195 = arith.constant 16 : i32
      %dma_start3A_196 = arith.constant 32 : i32
      %dma_start3A_197 = tpu.memref_slice %arg12[%dma_start3A_196] : memref<64xi32, #tpu.memory_space<vmem>> -> memref<16xi32, #tpu.memory_space<vmem>>
      %dma_start3A_198 = arith.constant 0 : i32
      %dma_start3A_199 = arith.constant 0 : i32
      %dma_start3A_200 = tpu.memref_slice %arg3[%dma_start3A_198, %dma_start3A_199] : memref<128000x2048xf32, #tpu.memory_space<hbm>> -> memref<128000x2048xf32, #tpu.memory_space<hbm>>
      tpu.enqueue_indirect_dma source(%dma_start3A_200 : memref<128000x2048xf32, #tpu.memory_space<hbm>>) target(%arg14 : memref<16x2048xf32, #tpu.memory_space<vmem>>) offsets(%dma_start3A_197 : memref<16xi32, #tpu.memory_space<vmem>>) semaphore(%arg21 : memref<!tpu.dma_semaphore, #tpu.memory_space<semaphore_mem>>)
      %dma_wait3A_201 = arith.constant 16 : i32
      %dma_wait3A_202 = tpu.memref_slice %arg12[%dma_wait3A_201] : memref<64xi32, #tpu.memory_space<vmem>> -> memref<16xi32, #tpu.memory_space<vmem>>
      %dma_wait3A_203 = arith.constant 0 : i32
      %dma_wait3A_204 = arith.constant 0 : i32
      %dma_wait3A_205 = tpu.memref_slice %arg3[%dma_wait3A_203, %dma_wait3A_204] : memref<128000x2048xf32, #tpu.memory_space<hbm>> -> memref<128000x2048xf32, #tpu.memory_space<hbm>>
      tpu.wait_indirect_dma semaphore(%arg22 : memref<!tpu.dma_semaphore, #tpu.memory_space<semaphore_mem>>) src(%dma_wait3A_205 : memref<128000x2048xf32, #tpu.memory_space<hbm>>) dst(%arg15 : memref<16x2048xf32, #tpu.memory_space<vmem>>)
      %scan3A_206 = arith.constant 0 : i32
      %scan3A_207 = arith.constant 0 : i32
      %scan3A_208 = arith.constant 16 : i32
      %scan3A_209 = arith.addi %scan3A_207, %scan3A_208 : i32
      %scan3A_210 = arith.constant 1 : i32
      scf.for %scan3A_242 = %scan3A_207 to %scan3A_209 step %scan3A_210  : i32 {
        %add3A_243 = arith.constant 16 : i32
        %add3A_244 = arith.addi %add3A_243, %scan3A_242 : i32
        %broadcast_in_dim3A_245 = vector.broadcast %add3A_244 : i32 to vector<16xi32>
        %gather3A = tpu.vector_load_idx %arg13[%broadcast_in_dim3A_245] : memref<64xf32, #tpu.memory_space<vmem>>[vector<16xi32>], vector<16xf32>,
        %scan3A_246 = arith.constant 0 : i32
        %scan3A_247 = arith.constant 16 : i32
        %scan3A_248 = arith.addi %scan3A_246, %scan3A_247 : i32
        %scan3A_249 = arith.constant 1 : i32
        scf.for %scan3A_251 = %scan3A_246 to %scan3A_248 step %scan3A_249  : i32 {
          %mul3A_252 = arith.constant 8 : i32
          %mul3A_253 = arith.muli %scan3A_251, %mul3A_252 : i32
          %add3A_254 = arith.constant 0 : i32
          %add3A_255 = arith.addi %mul3A_253, %add3A_254 : i32
          %mul3A_256 = arith.constant 16 : i32
          %mul3A_257 = arith.muli %add3A_255, %mul3A_256 : i32
          %mul3A_258 = arith.constant 16 : i32
          %mul3A_259 = arith.muli %add3A_255, %mul3A_258 : i32
          %get3A_260 = arith.index_cast %scan3A_242 : i32 to index
          %get3A_261 = arith.index_cast %mul3A_259 : i32 to index
          %get3A_262 = tpu.vector_load %arg15[%get3A_260, %get3A_261] {strides = array<i32>} : memref<16x2048xf32, #tpu.memory_space<vmem>>, vector<16xf32>,
          %mul3A_263 = arith.mulf %gather3A, %get3A_262 : vector<16xf32>
          %swap3A_264 = arith.index_cast %mul3A_257 : i32 to index
          %swap3A_265 = tpu.vector_load %arg16[%swap3A_264] {strides = array<i32>} : memref<2048xf32, #tpu.memory_space<vmem>>, vector<16xf32>,
          tpu.vector_store %arg16[%swap3A_264], %mul3A_263 {add = true, strides = array<i32>} : memref<2048xf32, #tpu.memory_space<vmem>>, vector<16xf32>,
          %mul3A_266 = arith.constant 8 : i32
          %mul3A_267 = arith.muli %scan3A_251, %mul3A_266 : i32
          %add3A_268 = arith.constant 1 : i32
          %add3A_269 = arith.addi %mul3A_267, %add3A_268 : i32
          %mul3A_270 = arith.constant 16 : i32
          %mul3A_271 = arith.muli %add3A_269, %mul3A_270 : i32
          %mul3A_272 = arith.constant 16 : i32
          %mul3A_273 = arith.muli %add3A_269, %mul3A_272 : i32
          %get3A_274 = arith.index_cast %scan3A_242 : i32 to index
          %get3A_275 = arith.index_cast %mul3A_273 : i32 to index
          %get3A_276 = tpu.vector_load %arg15[%get3A_274, %get3A_275] {strides = array<i32>} : memref<16x2048xf32, #tpu.memory_space<vmem>>, vector<16xf32>,
          %mul3A_277 = arith.mulf %gather3A, %get3A_276 : vector<16xf32>
          %swap3A_278 = arith.index_cast %mul3A_271 : i32 to index
          %swap3A_279 = tpu.vector_load %arg16[%swap3A_278] {strides = array<i32>} : memref<2048xf32, #tpu.memory_space<vmem>>, vector<16xf32>,
          tpu.vector_store %arg16[%swap3A_278], %mul3A_277 {add = true, strides = array<i32>} : memref<2048xf32, #tpu.memory_space<vmem>>, vector<16xf32>,
          %mul3A_280 = arith.constant 8 : i32
          %mul3A_281 = arith.muli %scan3A_251, %mul3A_280 : i32
          %add3A_282 = arith.constant 2 : i32
          %add3A_283 = arith.addi %mul3A_281, %add3A_282 : i32
          %mul3A_284 = arith.constant 16 : i32
          %mul3A_285 = arith.muli %add3A_283, %mul3A_284 : i32
          %mul3A_286 = arith.constant 16 : i32
          %mul3A_287 = arith.muli %add3A_283, %mul3A_286 : i32
          %get3A_288 = arith.index_cast %scan3A_242 : i32 to index
          %get3A_289 = arith.index_cast %mul3A_287 : i32 to index
          %get3A_290 = tpu.vector_load %arg15[%get3A_288, %get3A_289] {strides = array<i32>} : memref<16x2048xf32, #tpu.memory_space<vmem>>, vector<16xf32>,
          %mul3A_291 = arith.mulf %gather3A, %get3A_290 : vector<16xf32>
          %swap3A_292 = arith.index_cast %mul3A_285 : i32 to index
          %swap3A_293 = tpu.vector_load %arg16[%swap3A_292] {strides = array<i32>} : memref<2048xf32, #tpu.memory_space<vmem>>, vector<16xf32>,
          tpu.vector_store %arg16[%swap3A_292], %mul3A_291 {add = true, strides = array<i32>} : memref<2048xf32, #tpu.memory_space<vmem>>, vector<16xf32>,
          %mul3A_294 = arith.constant 8 : i32
          %mul3A_295 = arith.muli %scan3A_251, %mul3A_294 : i32
          %add3A_296 = arith.constant 3 : i32
          %add3A_297 = arith.addi %mul3A_295, %add3A_296 : i32
          %mul3A_298 = arith.constant 16 : i32
          %mul3A_299 = arith.muli %add3A_297, %mul3A_298 : i32
          %mul3A_300 = arith.constant 16 : i32
          %mul3A_301 = arith.muli %add3A_297, %mul3A_300 : i32
          %get3A_302 = arith.index_cast %scan3A_242 : i32 to index
          %get3A_303 = arith.index_cast %mul3A_301 : i32 to index
          %get3A_304 = tpu.vector_load %arg15[%get3A_302, %get3A_303] {strides = array<i32>} : memref<16x2048xf32, #tpu.memory_space<vmem>>, vector<16xf32>,
          %mul3A_305 = arith.mulf %gather3A, %get3A_304 : vector<16xf32>
          %swap3A_306 = arith.index_cast %mul3A_299 : i32 to index
          %swap3A_307 = tpu.vector_load %arg16[%swap3A_306] {strides = array<i32>} : memref<2048xf32, #tpu.memory_space<vmem>>, vector<16xf32>,
          tpu.vector_store %arg16[%swap3A_306], %mul3A_305 {add = true, strides = array<i32>} : memref<2048xf32, #tpu.memory_space<vmem>>, vector<16xf32>,
          %mul3A_308 = arith.constant 8 : i32
          %mul3A_309 = arith.muli %scan3A_251, %mul3A_308 : i32
          %add3A_310 = arith.constant 4 : i32
          %add3A_311 = arith.addi %mul3A_309, %add3A_310 : i32
          %mul3A_312 = arith.constant 16 : i32
          %mul3A_313 = arith.muli %add3A_311, %mul3A_312 : i32
          %mul3A_314 = arith.constant 16 : i32
          %mul3A_315 = arith.muli %add3A_311, %mul3A_314 : i32
          %get3A_316 = arith.index_cast %scan3A_242 : i32 to index
          %get3A_317 = arith.index_cast %mul3A_315 : i32 to index
          %get3A_318 = tpu.vector_load %arg15[%get3A_316, %get3A_317] {strides = array<i32>} : memref<16x2048xf32, #tpu.memory_space<vmem>>, vector<16xf32>,
          %mul3A_319 = arith.mulf %gather3A, %get3A_318 : vector<16xf32>
          %swap3A_320 = arith.index_cast %mul3A_313 : i32 to index
          %swap3A_321 = tpu.vector_load %arg16[%swap3A_320] {strides = array<i32>} : memref<2048xf32, #tpu.memory_space<vmem>>, vector<16xf32>,
          tpu.vector_store %arg16[%swap3A_320], %mul3A_319 {add = true, strides = array<i32>} : memref<2048xf32, #tpu.memory_space<vmem>>, vector<16xf32>,
          %mul3A_322 = arith.constant 8 : i32
          %mul3A_323 = arith.muli %scan3A_251, %mul3A_322 : i32
          %add3A_324 = arith.constant 5 : i32
          %add3A_325 = arith.addi %mul3A_323, %add3A_324 : i32
          %mul3A_326 = arith.constant 16 : i32
          %mul3A_327 = arith.muli %add3A_325, %mul3A_326 : i32
          %mul3A_328 = arith.constant 16 : i32
          %mul3A_329 = arith.muli %add3A_325, %mul3A_328 : i32
          %get3A_330 = arith.index_cast %scan3A_242 : i32 to index
          %get3A_331 = arith.index_cast %mul3A_329 : i32 to index
          %get3A_332 = tpu.vector_load %arg15[%get3A_330, %get3A_331] {strides = array<i32>} : memref<16x2048xf32, #tpu.memory_space<vmem>>, vector<16xf32>,
          %mul3A_333 = arith.mulf %gather3A, %get3A_332 : vector<16xf32>
          %swap3A_334 = arith.index_cast %mul3A_327 : i32 to index
          %swap3A_335 = tpu.vector_load %arg16[%swap3A_334] {strides = array<i32>} : memref<2048xf32, #tpu.memory_space<vmem>>, vector<16xf32>,
          tpu.vector_store %arg16[%swap3A_334], %mul3A_333 {add = true, strides = array<i32>} : memref<2048xf32, #tpu.memory_space<vmem>>, vector<16xf32>,
          %mul3A_336 = arith.constant 8 : i32
          %mul3A_337 = arith.muli %scan3A_251, %mul3A_336 : i32
          %add3A_338 = arith.constant 6 : i32
          %add3A_339 = arith.addi %mul3A_337, %add3A_338 : i32
          %mul3A_340 = arith.constant 16 : i32
          %mul3A_341 = arith.muli %add3A_339, %mul3A_340 : i32
          %mul3A_342 = arith.constant 16 : i32
          %mul3A_343 = arith.muli %add3A_339, %mul3A_342 : i32
          %get3A_344 = arith.index_cast %scan3A_242 : i32 to index
          %get3A_345 = arith.index_cast %mul3A_343 : i32 to index
          %get3A_346 = tpu.vector_load %arg15[%get3A_344, %get3A_345] {strides = array<i32>} : memref<16x2048xf32, #tpu.memory_space<vmem>>, vector<16xf32>,
          %mul3A_347 = arith.mulf %gather3A, %get3A_346 : vector<16xf32>
          %swap3A_348 = arith.index_cast %mul3A_341 : i32 to index
          %swap3A_349 = tpu.vector_load %arg16[%swap3A_348] {strides = array<i32>} : memref<2048xf32, #tpu.memory_space<vmem>>, vector<16xf32>,
          tpu.vector_store %arg16[%swap3A_348], %mul3A_347 {add = true, strides = array<i32>} : memref<2048xf32, #tpu.memory_space<vmem>>, vector<16xf32>,
          %mul3A_350 = arith.constant 8 : i32
          %mul3A_351 = arith.muli %scan3A_251, %mul3A_350 : i32
          %add3A_352 = arith.constant 7 : i32
          %add3A_353 = arith.addi %mul3A_351, %add3A_352 : i32
          %mul3A_354 = arith.constant 16 : i32
          %mul3A_355 = arith.muli %add3A_353, %mul3A_354 : i32
          %mul3A_356 = arith.constant 16 : i32
          %mul3A_357 = arith.muli %add3A_353, %mul3A_356 : i32
          %get3A_358 = arith.index_cast %scan3A_242 : i32 to index
          %get3A_359 = arith.index_cast %mul3A_357 : i32 to index
          %get3A_360 = tpu.vector_load %arg15[%get3A_358, %get3A_359] {strides = array<i32>} : memref<16x2048xf32, #tpu.memory_space<vmem>>, vector<16xf32>,
          %mul3A_361 = arith.mulf %gather3A, %get3A_360 : vector<16xf32>
          %swap3A_362 = arith.index_cast %mul3A_355 : i32 to index
          %swap3A_363 = tpu.vector_load %arg16[%swap3A_362] {strides = array<i32>} : memref<2048xf32, #tpu.memory_space<vmem>>, vector<16xf32>,
          tpu.vector_store %arg16[%swap3A_362], %mul3A_361 {add = true, strides = array<i32>} : memref<2048xf32, #tpu.memory_space<vmem>>, vector<16xf32>,
        }
        %scan3A_250 = arith.constant 16 : i32
      }
      %scan3A_211 = arith.constant 16 : i32
      %dma_start3A_212 = arith.constant 48 : i32
      %dma_start3A_213 = tpu.memref_slice %arg12[%dma_start3A_212] : memref<64xi32, #tpu.memory_space<vmem>> -> memref<16xi32, #tpu.memory_space<vmem>>
      %dma_start3A_214 = arith.constant 0 : i32
      %dma_start3A_215 = arith.constant 0 : i32
      %dma_start3A_216 = tpu.memref_slice %arg3[%dma_start3A_214, %dma_start3A_215] : memref<128000x2048xf32, #tpu.memory_space<hbm>> -> memref<128000x2048xf32, #tpu.memory_space<hbm>>
      tpu.enqueue_indirect_dma source(%dma_start3A_216 : memref<128000x2048xf32, #tpu.memory_space<hbm>>) target(%arg15 : memref<16x2048xf32, #tpu.memory_space<vmem>>) offsets(%dma_start3A_213 : memref<16xi32, #tpu.memory_space<vmem>>) semaphore(%arg22 : memref<!tpu.dma_semaphore, #tpu.memory_space<semaphore_mem>>)
      %dma_wait3A_217 = arith.constant 32 : i32
      %dma_wait3A_218 = tpu.memref_slice %arg12[%dma_wait3A_217] : memref<64xi32, #tpu.memory_space<vmem>> -> memref<16xi32, #tpu.memory_space<vmem>>
      %dma_wait3A_219 = arith.constant 0 : i32
      %dma_wait3A_220 = arith.constant 0 : i32
      %dma_wait3A_221 = tpu.memref_slice %arg3[%dma_wait3A_219, %dma_wait3A_220] : memref<128000x2048xf32, #tpu.memory_space<hbm>> -> memref<128000x2048xf32, #tpu.memory_space<hbm>>
      tpu.wait_indirect_dma semaphore(%arg21 : memref<!tpu.dma_semaphore, #tpu.memory_space<semaphore_mem>>) src(%dma_wait3A_221 : memref<128000x2048xf32, #tpu.memory_space<hbm>>) dst(%arg14 : memref<16x2048xf32, #tpu.memory_space<vmem>>)
      %scan3A_222 = arith.constant 0 : i32
      %scan3A_223 = arith.constant 0 : i32
      %scan3A_224 = arith.constant 16 : i32
      %scan3A_225 = arith.addi %scan3A_223, %scan3A_224 : i32
      %scan3A_226 = arith.constant 1 : i32
      scf.for %scan3A_242 = %scan3A_223 to %scan3A_225 step %scan3A_226  : i32 {
        %add3A_243 = arith.constant 32 : i32
        %add3A_244 = arith.addi %add3A_243, %scan3A_242 : i32
        %broadcast_in_dim3A_245 = vector.broadcast %add3A_244 : i32 to vector<16xi32>
        %gather3A = tpu.vector_load_idx %arg13[%broadcast_in_dim3A_245] : memref<64xf32, #tpu.memory_space<vmem>>[vector<16xi32>], vector<16xf32>,
        %scan3A_246 = arith.constant 0 : i32
        %scan3A_247 = arith.constant 16 : i32
        %scan3A_248 = arith.addi %scan3A_246, %scan3A_247 : i32
        %scan3A_249 = arith.constant 1 : i32
        scf.for %scan3A_251 = %scan3A_246 to %scan3A_248 step %scan3A_249  : i32 {
          %mul3A_252 = arith.constant 8 : i32
          %mul3A_253 = arith.muli %scan3A_251, %mul3A_252 : i32
          %add3A_254 = arith.constant 0 : i32
          %add3A_255 = arith.addi %mul3A_253, %add3A_254 : i32
          %mul3A_256 = arith.constant 16 : i32
          %mul3A_257 = arith.muli %add3A_255, %mul3A_256 : i32
          %mul3A_258 = arith.constant 16 : i32
          %mul3A_259 = arith.muli %add3A_255, %mul3A_258 : i32
          %get3A_260 = arith.index_cast %scan3A_242 : i32 to index
          %get3A_261 = arith.index_cast %mul3A_259 : i32 to index
          %get3A_262 = tpu.vector_load %arg14[%get3A_260, %get3A_261] {strides = array<i32>} : memref<16x2048xf32, #tpu.memory_space<vmem>>, vector<16xf32>,
          %mul3A_263 = arith.mulf %gather3A, %get3A_262 : vector<16xf32>
          %swap3A_264 = arith.index_cast %mul3A_257 : i32 to index
          %swap3A_265 = tpu.vector_load %arg16[%swap3A_264] {strides = array<i32>} : memref<2048xf32, #tpu.memory_space<vmem>>, vector<16xf32>,
          tpu.vector_store %arg16[%swap3A_264], %mul3A_263 {add = true, strides = array<i32>} : memref<2048xf32, #tpu.memory_space<vmem>>, vector<16xf32>,
          %mul3A_266 = arith.constant 8 : i32
          %mul3A_267 = arith.muli %scan3A_251, %mul3A_266 : i32
          %add3A_268 = arith.constant 1 : i32
          %add3A_269 = arith.addi %mul3A_267, %add3A_268 : i32
          %mul3A_270 = arith.constant 16 : i32
          %mul3A_271 = arith.muli %add3A_269, %mul3A_270 : i32
          %mul3A_272 = arith.constant 16 : i32
          %mul3A_273 = arith.muli %add3A_269, %mul3A_272 : i32
          %get3A_274 = arith.index_cast %scan3A_242 : i32 to index
          %get3A_275 = arith.index_cast %mul3A_273 : i32 to index
          %get3A_276 = tpu.vector_load %arg14[%get3A_274, %get3A_275] {strides = array<i32>} : memref<16x2048xf32, #tpu.memory_space<vmem>>, vector<16xf32>,
          %mul3A_277 = arith.mulf %gather3A, %get3A_276 : vector<16xf32>
          %swap3A_278 = arith.index_cast %mul3A_271 : i32 to index
          %swap3A_279 = tpu.vector_load %arg16[%swap3A_278] {strides = array<i32>} : memref<2048xf32, #tpu.memory_space<vmem>>, vector<16xf32>,
          tpu.vector_store %arg16[%swap3A_278], %mul3A_277 {add = true, strides = array<i32>} : memref<2048xf32, #tpu.memory_space<vmem>>, vector<16xf32>,
          %mul3A_280 = arith.constant 8 : i32
          %mul3A_281 = arith.muli %scan3A_251, %mul3A_280 : i32
          %add3A_282 = arith.constant 2 : i32
          %add3A_283 = arith.addi %mul3A_281, %add3A_282 : i32
          %mul3A_284 = arith.constant 16 : i32
          %mul3A_285 = arith.muli %add3A_283, %mul3A_284 : i32
          %mul3A_286 = arith.constant 16 : i32
          %mul3A_287 = arith.muli %add3A_283, %mul3A_286 : i32
          %get3A_288 = arith.index_cast %scan3A_242 : i32 to index
          %get3A_289 = arith.index_cast %mul3A_287 : i32 to index
          %get3A_290 = tpu.vector_load %arg14[%get3A_288, %get3A_289] {strides = array<i32>} : memref<16x2048xf32, #tpu.memory_space<vmem>>, vector<16xf32>,
          %mul3A_291 = arith.mulf %gather3A, %get3A_290 : vector<16xf32>
          %swap3A_292 = arith.index_cast %mul3A_285 : i32 to index
          %swap3A_293 = tpu.vector_load %arg16[%swap3A_292] {strides = array<i32>} : memref<2048xf32, #tpu.memory_space<vmem>>, vector<16xf32>,
          tpu.vector_store %arg16[%swap3A_292], %mul3A_291 {add = true, strides = array<i32>} : memref<2048xf32, #tpu.memory_space<vmem>>, vector<16xf32>,
          %mul3A_294 = arith.constant 8 : i32
          %mul3A_295 = arith.muli %scan3A_251, %mul3A_294 : i32
          %add3A_296 = arith.constant 3 : i32
          %add3A_297 = arith.addi %mul3A_295, %add3A_296 : i32
          %mul3A_298 = arith.constant 16 : i32
          %mul3A_299 = arith.muli %add3A_297, %mul3A_298 : i32
          %mul3A_300 = arith.constant 16 : i32
          %mul3A_301 = arith.muli %add3A_297, %mul3A_300 : i32
          %get3A_302 = arith.index_cast %scan3A_242 : i32 to index
          %get3A_303 = arith.index_cast %mul3A_301 : i32 to index
          %get3A_304 = tpu.vector_load %arg14[%get3A_302, %get3A_303] {strides = array<i32>} : memref<16x2048xf32, #tpu.memory_space<vmem>>, vector<16xf32>,
          %mul3A_305 = arith.mulf %gather3A, %get3A_304 : vector<16xf32>
          %swap3A_306 = arith.index_cast %mul3A_299 : i32 to index
          %swap3A_307 = tpu.vector_load %arg16[%swap3A_306] {strides = array<i32>} : memref<2048xf32, #tpu.memory_space<vmem>>, vector<16xf32>,
          tpu.vector_store %arg16[%swap3A_306], %mul3A_305 {add = true, strides = array<i32>} : memref<2048xf32, #tpu.memory_space<vmem>>, vector<16xf32>,
          %mul3A_308 = arith.constant 8 : i32
          %mul3A_309 = arith.muli %scan3A_251, %mul3A_308 : i32
          %add3A_310 = arith.constant 4 : i32
          %add3A_311 = arith.addi %mul3A_309, %add3A_310 : i32
          %mul3A_312 = arith.constant 16 : i32
          %mul3A_313 = arith.muli %add3A_311, %mul3A_312 : i32
          %mul3A_314 = arith.constant 16 : i32
          %mul3A_315 = arith.muli %add3A_311, %mul3A_314 : i32
          %get3A_316 = arith.index_cast %scan3A_242 : i32 to index
          %get3A_317 = arith.index_cast %mul3A_315 : i32 to index
          %get3A_318 = tpu.vector_load %arg14[%get3A_316, %get3A_317] {strides = array<i32>} : memref<16x2048xf32, #tpu.memory_space<vmem>>, vector<16xf32>,
          %mul3A_319 = arith.mulf %gather3A, %get3A_318 : vector<16xf32>
          %swap3A_320 = arith.index_cast %mul3A_313 : i32 to index
          %swap3A_321 = tpu.vector_load %arg16[%swap3A_320] {strides = array<i32>} : memref<2048xf32, #tpu.memory_space<vmem>>, vector<16xf32>,
          tpu.vector_store %arg16[%swap3A_320], %mul3A_319 {add = true, strides = array<i32>} : memref<2048xf32, #tpu.memory_space<vmem>>, vector<16xf32>,
          %mul3A_322 = arith.constant 8 : i32
          %mul3A_323 = arith.muli %scan3A_251, %mul3A_322 : i32
          %add3A_324 = arith.constant 5 : i32
          %add3A_325 = arith.addi %mul3A_323, %add3A_324 : i32
          %mul3A_326 = arith.constant 16 : i32
          %mul3A_327 = arith.muli %add3A_325, %mul3A_326 : i32
          %mul3A_328 = arith.constant 16 : i32
          %mul3A_329 = arith.muli %add3A_325, %mul3A_328 : i32
          %get3A_330 = arith.index_cast %scan3A_242 : i32 to index
          %get3A_331 = arith.index_cast %mul3A_329 : i32 to index
          %get3A_332 = tpu.vector_load %arg14[%get3A_330, %get3A_331] {strides = array<i32>} : memref<16x2048xf32, #tpu.memory_space<vmem>>, vector<16xf32>,
          %mul3A_333 = arith.mulf %gather3A, %get3A_332 : vector<16xf32>
          %swap3A_334 = arith.index_cast %mul3A_327 : i32 to index
          %swap3A_335 = tpu.vector_load %arg16[%swap3A_334] {strides = array<i32>} : memref<2048xf32, #tpu.memory_space<vmem>>, vector<16xf32>,
          tpu.vector_store %arg16[%swap3A_334], %mul3A_333 {add = true, strides = array<i32>} : memref<2048xf32, #tpu.memory_space<vmem>>, vector<16xf32>,
          %mul3A_336 = arith.constant 8 : i32
          %mul3A_337 = arith.muli %scan3A_251, %mul3A_336 : i32
          %add3A_338 = arith.constant 6 : i32
          %add3A_339 = arith.addi %mul3A_337, %add3A_338 : i32
          %mul3A_340 = arith.constant 16 : i32
          %mul3A_341 = arith.muli %add3A_339, %mul3A_340 : i32
          %mul3A_342 = arith.constant 16 : i32
          %mul3A_343 = arith.muli %add3A_339, %mul3A_342 : i32
          %get3A_344 = arith.index_cast %scan3A_242 : i32 to index
          %get3A_345 = arith.index_cast %mul3A_343 : i32 to index
          %get3A_346 = tpu.vector_load %arg14[%get3A_344, %get3A_345] {strides = array<i32>} : memref<16x2048xf32, #tpu.memory_space<vmem>>, vector<16xf32>,
          %mul3A_347 = arith.mulf %gather3A, %get3A_346 : vector<16xf32>
          %swap3A_348 = arith.index_cast %mul3A_341 : i32 to index
          %swap3A_349 = tpu.vector_load %arg16[%swap3A_348] {strides = array<i32>} : memref<2048xf32, #tpu.memory_space<vmem>>, vector<16xf32>,
          tpu.vector_store %arg16[%swap3A_348], %mul3A_347 {add = true, strides = array<i32>} : memref<2048xf32, #tpu.memory_space<vmem>>, vector<16xf32>,
          %mul3A_350 = arith.constant 8 : i32
          %mul3A_351 = arith.muli %scan3A_251, %mul3A_350 : i32
          %add3A_352 = arith.constant 7 : i32
          %add3A_353 = arith.addi %mul3A_351, %add3A_352 : i32
          %mul3A_354 = arith.constant 16 : i32
          %mul3A_355 = arith.muli %add3A_353, %mul3A_354 : i32
          %mul3A_356 = arith.constant 16 : i32
          %mul3A_357 = arith.muli %add3A_353, %mul3A_356 : i32
          %get3A_358 = arith.index_cast %scan3A_242 : i32 to index
          %get3A_359 = arith.index_cast %mul3A_357 : i32 to index
          %get3A_360 = tpu.vector_load %arg14[%get3A_358, %get3A_359] {strides = array<i32>} : memref<16x2048xf32, #tpu.memory_space<vmem>>, vector<16xf32>,
          %mul3A_361 = arith.mulf %gather3A, %get3A_360 : vector<16xf32>
          %swap3A_362 = arith.index_cast %mul3A_355 : i32 to index
          %swap3A_363 = tpu.vector_load %arg16[%swap3A_362] {strides = array<i32>} : memref<2048xf32, #tpu.memory_space<vmem>>, vector<16xf32>,
          tpu.vector_store %arg16[%swap3A_362], %mul3A_361 {add = true, strides = array<i32>} : memref<2048xf32, #tpu.memory_space<vmem>>, vector<16xf32>,
        }
        %scan3A_250 = arith.constant 16 : i32
      }
      %scan3A_227 = arith.constant 16 : i32
      %dma_wait3A_228 = arith.constant 48 : i32
      %dma_wait3A_229 = tpu.memref_slice %arg12[%dma_wait3A_228] : memref<64xi32, #tpu.memory_space<vmem>> -> memref<16xi32, #tpu.memory_space<vmem>>
      %dma_wait3A_230 = arith.constant 0 : i32
      %dma_wait3A_231 = arith.constant 0 : i32
      %dma_wait3A_232 = tpu.memref_slice %arg3[%dma_wait3A_230, %dma_wait3A_231] : memref<128000x2048xf32, #tpu.memory_space<hbm>> -> memref<128000x2048xf32, #tpu.memory_space<hbm>>
      tpu.wait_indirect_dma semaphore(%arg22 : memref<!tpu.dma_semaphore, #tpu.memory_space<semaphore_mem>>) src(%dma_wait3A_232 : memref<128000x2048xf32, #tpu.memory_space<hbm>>) dst(%arg15 : memref<16x2048xf32, #tpu.memory_space<vmem>>)
      %scan3A_233 = arith.constant 0 : i32
      %scan3A_234 = arith.constant 0 : i32
      %scan3A_235 = arith.constant 16 : i32
      %scan3A_236 = arith.addi %scan3A_234, %scan3A_235 : i32
      %scan3A_237 = arith.constant 1 : i32
      scf.for %scan3A_242 = %scan3A_234 to %scan3A_236 step %scan3A_237  : i32 {
        %add3A_243 = arith.constant 48 : i32
        %add3A_244 = arith.addi %add3A_243, %scan3A_242 : i32
        %broadcast_in_dim3A_245 = vector.broadcast %add3A_244 : i32 to vector<16xi32>
        %gather3A = tpu.vector_load_idx %arg13[%broadcast_in_dim3A_245] : memref<64xf32, #tpu.memory_space<vmem>>[vector<16xi32>], vector<16xf32>,
        %scan3A_246 = arith.constant 0 : i32
        %scan3A_247 = arith.constant 16 : i32
        %scan3A_248 = arith.addi %scan3A_246, %scan3A_247 : i32
        %scan3A_249 = arith.constant 1 : i32
        scf.for %scan3A_251 = %scan3A_246 to %scan3A_248 step %scan3A_249  : i32 {
          %mul3A_252 = arith.constant 8 : i32
          %mul3A_253 = arith.muli %scan3A_251, %mul3A_252 : i32
          %add3A_254 = arith.constant 0 : i32
          %add3A_255 = arith.addi %mul3A_253, %add3A_254 : i32
          %mul3A_256 = arith.constant 16 : i32
          %mul3A_257 = arith.muli %add3A_255, %mul3A_256 : i32
          %mul3A_258 = arith.constant 16 : i32
          %mul3A_259 = arith.muli %add3A_255, %mul3A_258 : i32
          %get3A_260 = arith.index_cast %scan3A_242 : i32 to index
          %get3A_261 = arith.index_cast %mul3A_259 : i32 to index
          %get3A_262 = tpu.vector_load %arg15[%get3A_260, %get3A_261] {strides = array<i32>} : memref<16x2048xf32, #tpu.memory_space<vmem>>, vector<16xf32>,
          %mul3A_263 = arith.mulf %gather3A, %get3A_262 : vector<16xf32>
          %swap3A_264 = arith.index_cast %mul3A_257 : i32 to index
          %swap3A_265 = tpu.vector_load %arg16[%swap3A_264] {strides = array<i32>} : memref<2048xf32, #tpu.memory_space<vmem>>, vector<16xf32>,
          tpu.vector_store %arg16[%swap3A_264], %mul3A_263 {add = true, strides = array<i32>} : memref<2048xf32, #tpu.memory_space<vmem>>, vector<16xf32>,
          %mul3A_266 = arith.constant 8 : i32
          %mul3A_267 = arith.muli %scan3A_251, %mul3A_266 : i32
          %add3A_268 = arith.constant 1 : i32
          %add3A_269 = arith.addi %mul3A_267, %add3A_268 : i32
          %mul3A_270 = arith.constant 16 : i32
          %mul3A_271 = arith.muli %add3A_269, %mul3A_270 : i32
          %mul3A_272 = arith.constant 16 : i32
          %mul3A_273 = arith.muli %add3A_269, %mul3A_272 : i32
          %get3A_274 = arith.index_cast %scan3A_242 : i32 to index
          %get3A_275 = arith.index_cast %mul3A_273 : i32 to index
          %get3A_276 = tpu.vector_load %arg15[%get3A_274, %get3A_275] {strides = array<i32>} : memref<16x2048xf32, #tpu.memory_space<vmem>>, vector<16xf32>,
          %mul3A_277 = arith.mulf %gather3A, %get3A_276 : vector<16xf32>
          %swap3A_278 = arith.index_cast %mul3A_271 : i32 to index
          %swap3A_279 = tpu.vector_load %arg16[%swap3A_278] {strides = array<i32>} : memref<2048xf32, #tpu.memory_space<vmem>>, vector<16xf32>,
          tpu.vector_store %arg16[%swap3A_278], %mul3A_277 {add = true, strides = array<i32>} : memref<2048xf32, #tpu.memory_space<vmem>>, vector<16xf32>,
          %mul3A_280 = arith.constant 8 : i32
          %mul3A_281 = arith.muli %scan3A_251, %mul3A_280 : i32
          %add3A_282 = arith.constant 2 : i32
          %add3A_283 = arith.addi %mul3A_281, %add3A_282 : i32
          %mul3A_284 = arith.constant 16 : i32
          %mul3A_285 = arith.muli %add3A_283, %mul3A_284 : i32
          %mul3A_286 = arith.constant 16 : i32
          %mul3A_287 = arith.muli %add3A_283, %mul3A_286 : i32
          %get3A_288 = arith.index_cast %scan3A_242 : i32 to index
          %get3A_289 = arith.index_cast %mul3A_287 : i32 to index
          %get3A_290 = tpu.vector_load %arg15[%get3A_288, %get3A_289] {strides = array<i32>} : memref<16x2048xf32, #tpu.memory_space<vmem>>, vector<16xf32>,
          %mul3A_291 = arith.mulf %gather3A, %get3A_290 : vector<16xf32>
          %swap3A_292 = arith.index_cast %mul3A_285 : i32 to index
          %swap3A_293 = tpu.vector_load %arg16[%swap3A_292] {strides = array<i32>} : memref<2048xf32, #tpu.memory_space<vmem>>, vector<16xf32>,
          tpu.vector_store %arg16[%swap3A_292], %mul3A_291 {add = true, strides = array<i32>} : memref<2048xf32, #tpu.memory_space<vmem>>, vector<16xf32>,
          %mul3A_294 = arith.constant 8 : i32
          %mul3A_295 = arith.muli %scan3A_251, %mul3A_294 : i32
          %add3A_296 = arith.constant 3 : i32
          %add3A_297 = arith.addi %mul3A_295, %add3A_296 : i32
          %mul3A_298 = arith.constant 16 : i32
          %mul3A_299 = arith.muli %add3A_297, %mul3A_298 : i32
          %mul3A_300 = arith.constant 16 : i32
          %mul3A_301 = arith.muli %add3A_297, %mul3A_300 : i32
          %get3A_302 = arith.index_cast %scan3A_242 : i32 to index
          %get3A_303 = arith.index_cast %mul3A_301 : i32 to index
          %get3A_304 = tpu.vector_load %arg15[%get3A_302, %get3A_303] {strides = array<i32>} : memref<16x2048xf32, #tpu.memory_space<vmem>>, vector<16xf32>,
          %mul3A_305 = arith.mulf %gather3A, %get3A_304 : vector<16xf32>
          %swap3A_306 = arith.index_cast %mul3A_299 : i32 to index
          %swap3A_307 = tpu.vector_load %arg16[%swap3A_306] {strides = array<i32>} : memref<2048xf32, #tpu.memory_space<vmem>>, vector<16xf32>,
          tpu.vector_store %arg16[%swap3A_306], %mul3A_305 {add = true, strides = array<i32>} : memref<2048xf32, #tpu.memory_space<vmem>>, vector<16xf32>,
          %mul3A_308 = arith.constant 8 : i32
          %mul3A_309 = arith.muli %scan3A_251, %mul3A_308 : i32
          %add3A_310 = arith.constant 4 : i32
          %add3A_311 = arith.addi %mul3A_309, %add3A_310 : i32
          %mul3A_312 = arith.constant 16 : i32
          %mul3A_313 = arith.muli %add3A_311, %mul3A_312 : i32
          %mul3A_314 = arith.constant 16 : i32
          %mul3A_315 = arith.muli %add3A_311, %mul3A_314 : i32
          %get3A_316 = arith.index_cast %scan3A_242 : i32 to index
          %get3A_317 = arith.index_cast %mul3A_315 : i32 to index
          %get3A_318 = tpu.vector_load %arg15[%get3A_316, %get3A_317] {strides = array<i32>} : memref<16x2048xf32, #tpu.memory_space<vmem>>, vector<16xf32>,
          %mul3A_319 = arith.mulf %gather3A, %get3A_318 : vector<16xf32>
          %swap3A_320 = arith.index_cast %mul3A_313 : i32 to index
          %swap3A_321 = tpu.vector_load %arg16[%swap3A_320] {strides = array<i32>} : memref<2048xf32, #tpu.memory_space<vmem>>, vector<16xf32>,
          tpu.vector_store %arg16[%swap3A_320], %mul3A_319 {add = true, strides = array<i32>} : memref<2048xf32, #tpu.memory_space<vmem>>, vector<16xf32>,
          %mul3A_322 = arith.constant 8 : i32
          %mul3A_323 = arith.muli %scan3A_251, %mul3A_322 : i32
          %add3A_324 = arith.constant 5 : i32
          %add3A_325 = arith.addi %mul3A_323, %add3A_324 : i32
          %mul3A_326 = arith.constant 16 : i32
          %mul3A_327 = arith.muli %add3A_325, %mul3A_326 : i32
          %mul3A_328 = arith.constant 16 : i32
          %mul3A_329 = arith.muli %add3A_325, %mul3A_328 : i32
          %get3A_330 = arith.index_cast %scan3A_242 : i32 to index
          %get3A_331 = arith.index_cast %mul3A_329 : i32 to index
          %get3A_332 = tpu.vector_load %arg15[%get3A_330, %get3A_331] {strides = array<i32>} : memref<16x2048xf32, #tpu.memory_space<vmem>>, vector<16xf32>,
          %mul3A_333 = arith.mulf %gather3A, %get3A_332 : vector<16xf32>
          %swap3A_334 = arith.index_cast %mul3A_327 : i32 to index
          %swap3A_335 = tpu.vector_load %arg16[%swap3A_334] {strides = array<i32>} : memref<2048xf32, #tpu.memory_space<vmem>>, vector<16xf32>,
          tpu.vector_store %arg16[%swap3A_334], %mul3A_333 {add = true, strides = array<i32>} : memref<2048xf32, #tpu.memory_space<vmem>>, vector<16xf32>,
          %mul3A_336 = arith.constant 8 : i32
          %mul3A_337 = arith.muli %scan3A_251, %mul3A_336 : i32
          %add3A_338 = arith.constant 6 : i32
          %add3A_339 = arith.addi %mul3A_337, %add3A_338 : i32
          %mul3A_340 = arith.constant 16 : i32
          %mul3A_341 = arith.muli %add3A_339, %mul3A_340 : i32
          %mul3A_342 = arith.constant 16 : i32
          %mul3A_343 = arith.muli %add3A_339, %mul3A_342 : i32
          %get3A_344 = arith.index_cast %scan3A_242 : i32 to index
          %get3A_345 = arith.index_cast %mul3A_343 : i32 to index
          %get3A_346 = tpu.vector_load %arg15[%get3A_344, %get3A_345] {strides = array<i32>} : memref<16x2048xf32, #tpu.memory_space<vmem>>, vector<16xf32>,
          %mul3A_347 = arith.mulf %gather3A, %get3A_346 : vector<16xf32>
          %swap3A_348 = arith.index_cast %mul3A_341 : i32 to index
          %swap3A_349 = tpu.vector_load %arg16[%swap3A_348] {strides = array<i32>} : memref<2048xf32, #tpu.memory_space<vmem>>, vector<16xf32>,
          tpu.vector_store %arg16[%swap3A_348], %mul3A_347 {add = true, strides = array<i32>} : memref<2048xf32, #tpu.memory_space<vmem>>, vector<16xf32>,
          %mul3A_350 = arith.constant 8 : i32
          %mul3A_351 = arith.muli %scan3A_251, %mul3A_350 : i32
          %add3A_352 = arith.constant 7 : i32
          %add3A_353 = arith.addi %mul3A_351, %add3A_352 : i32
          %mul3A_354 = arith.constant 16 : i32
          %mul3A_355 = arith.muli %add3A_353, %mul3A_354 : i32
          %mul3A_356 = arith.constant 16 : i32
          %mul3A_357 = arith.muli %add3A_353, %mul3A_356 : i32
          %get3A_358 = arith.index_cast %scan3A_242 : i32 to index
          %get3A_359 = arith.index_cast %mul3A_357 : i32 to index
          %get3A_360 = tpu.vector_load %arg15[%get3A_358, %get3A_359] {strides = array<i32>} : memref<16x2048xf32, #tpu.memory_space<vmem>>, vector<16xf32>,
          %mul3A_361 = arith.mulf %gather3A, %get3A_360 : vector<16xf32>
          %swap3A_362 = arith.index_cast %mul3A_355 : i32 to index
          %swap3A_363 = tpu.vector_load %arg16[%swap3A_362] {strides = array<i32>} : memref<2048xf32, #tpu.memory_space<vmem>>, vector<16xf32>,
          tpu.vector_store %arg16[%swap3A_362], %mul3A_361 {add = true, strides = array<i32>} : memref<2048xf32, #tpu.memory_space<vmem>>, vector<16xf32>,
        }
        %scan3A_250 = arith.constant 16 : i32
      }
      %scan3A_238 = arith.constant 16 : i32
      %mul3A_239 = arith.constant 2048 : i32
      %mul3A_240 = arith.muli %add3A_18, %mul3A_239 : i32
      "tpu.region"() ({
        %run_scoped3A = tpu.sem_alloc : memref<!tpu.dma_semaphore, #tpu.memory_space<semaphore_mem>>
        %dma_start3A_242 = tpu.memref_slice %arg4[%mul3A_240] : memref<131072xf32, #tpu.memory_space<hbm>> -> memref<2048xf32, #tpu.memory_space<hbm>>
        %dma_start3A_243 = tpu.memref_slice %arg4[%mul3A_240] : memref<131072xf32, #tpu.memory_space<hbm>> -> memref<2048xf32, #tpu.memory_space<hbm>>
        tpu.enqueue_dma source(%arg16 : memref<2048xf32, #tpu.memory_space<vmem>>) target(%dma_start3A_243 : memref<2048xf32, #tpu.memory_space<hbm>>) target_semaphore(%run_scoped3A : memref<!tpu.dma_semaphore, #tpu.memory_space<semaphore_mem>>)
        %dma_wait3A_244 = tpu.memref_slice %arg4[%mul3A_240] : memref<131072xf32, #tpu.memory_space<hbm>> -> memref<2048xf32, #tpu.memory_space<hbm>>
        %dma_wait3A_245 = tpu.memref_slice %arg4[%mul3A_240] : memref<131072xf32, #tpu.memory_space<hbm>> -> memref<2048xf32, #tpu.memory_space<hbm>>
        tpu.wait_dma2 semaphore(%run_scoped3A : memref<!tpu.dma_semaphore, #tpu.memory_space<semaphore_mem>>) src(%arg16 : memref<2048xf32, #tpu.memory_space<vmem>>) dst(%dma_wait3A_245 : memref<2048xf32, #tpu.memory_space<hbm>>)
        tpu.yield
      }) : () -> ()
      %scan3A_241 = arith.constant 0 : i32
      scf.yield %scan3A_241 : i32
    }
    %scan3A_13 = arith.constant 2 : i32
    return
  }
}

</mosaic_0001>

<sc_bundles>
// kernel: kernel.3.cloned.1.call-start
scs
__scs_entry_jumppad:
0x0: {  	(pc) =	sbr.rel $0x88, $3  }
0x1: {  	(tag) =	ssettag $0x0;
	lr =	simm.s32 $0x1  }
0x2: {  	[smem:$0x3F9F] =	sst lr;
	_ =	strace $0xD0000000  }
0x3: {  	_ = 	snop  }
0x4: {  	_ = 	snop  }
0x5: {  	_ = 	snop  }
0x6: {  	_ = 	snop  }
0x7: {  	_ = 	snop  }
__scs_overlays_trampoline_lowered:
0x8: {  	[smem:$0x3FAE] =	sst s0  }
0x9: {  	[smem:$0x3FAF] =	sst s1  }
0xa: {  	[smem:$0x3FB0] =	sst s2  }
0xb: {  	[smem:$0x3FB1] =	sst s3  }
0xc: {  	[smem:$0x3FB2] =	sst s4  }
0xd: {  	[smem:$0x3FB3] =	sst s5  }
0xe: {  	[smem:$0x3FB4] =	sst s6  }
0xf: {  	[smem:$0x3FB5] =	sst s7  }
0x10: {  	[smem:$0x3FB6] =	sst s8  }
0x11: {  	[smem:$0x3FB7] =	sst s9;
	s0 =	simm.s32 @!p0 $0x0  }
0x12: {  	s1 =	sld [smem:$0x3F9D];
	s0 =	simm.s32 @p0 $0x1  }
0x13: {  	[smem:$0x3FB8] =	sst s0;
	s0 =	simm.s32 @!p1 $0x0  }
0x14: {  	s2 =	sld [smem:$0x3F9C];
	s0 =	simm.s32 @p1 $0x1  }
0x15: {  	[smem:$0x3FB9] =	sst s0;
	s0 =	simm.s32 @!p2 $0x0  }
0x16: {  	s3 =	sld [smem:$0x3FDB];
	s0 =	simm.s32 @p2 $0x1  }
0x17: {  	s4 =	simm.s32 $0x1BF5;
	[smem:$0x3FBB] =	sst s0  }
0x18: {  	s0 =	sld [smem:$0x3F9E];
	_ =	swait.ge [sflag:s4], $0x0  }
0x19: {  	s7 =	sld [smem:$0x3F9F]  }
0x1a: {  	s8 =	sadd.s32 $0xFFFFE003, lr  }
0x1b: {  	s9 =	sadd.s32 $0xFFFFFEF7, lr;
	s5 =	simm.s32 $0xFFFFFFFF;
	p2 =	slt.u32 s8, $0xFFFFF086  }
0x1c: {  	p1 =	slt.u32 s9, $0xF7A;
	s5 =	simm.s32 @!p2 $0x0  }
0x1d: {  	s5 =	simm.s32 @p1 $0x1;
	p0 =	seq.s32 s7, s2  }
0x1e: {  	s7 =	smul.u32 @!p0 $0xF7A, s2;
	p2 =	seq.s32 @!p0 s5, $0x0  }
0x1f: {  	s9 =	smul.u32 $0xF7A, s1;
	s8 =	simm.s32 @!p0 $0x1BF5;
	p2 =	por !p2, p0  }
0x20: {  	[sflag:s8] =	ssyncset.s32 @!p0 $0xFFFFF086;
	s6 =	sadd.s32 @!p0 s3, s7;
	s7 =	simm.s32 @!p0 $0x108  }
0x21: {  	s3 =	sadd.s32 s3, s9;
	s6 =	sadd.s32 @!p0 $0x88, s6;
	s7 =	simm.s32 @p2 $0x1082  }
0x22: {  	[simem:s7], [sflag:s8] =	dma.local @!p0 [hbm:s6], $0xF7A  }
0x23: {  	s9 =	sor.u32 $0xD0000000, s2;
	s6 =	simm.s32 $0x108;
	_ =	swait.ge @!p0 [sflag:s8], $0x0  }
0x24: {  	s3 =	sadd.s32 $0x88, s3;
	s6 =	simm.s32 @!p1 $0x1082;
	[sflag:s4] =	ssyncset.s32 $0xFFFFF086  }
0x25: {  	[simem:s6], [sflag:s4] =	dma.local [hbm:s3], $0xF7A  }
0x26: {  	[smem:$0x3F9F] =	sst s1;
	(tag) =	ssettag s2;
	_ =	strace s9  }
0x27: {  	s1 =	sld [smem:$0x3FAF]  }
0x28: {  	s2 =	sld [smem:$0x3FB0]  }
0x29: {  	s4 =	sld [smem:$0x3FB2]  }
0x2a: {  	p0 =	seq.s32 s5, $0x0;
	s5 =	sld [smem:$0x3FB3]  }
0x2b: {  	s6 =	sld [smem:$0x3FB4]  }
0x2c: {  	s7 =	sld [smem:$0x3FB5]  }
0x2d: {  	s3 =	simm.s32 $0x108;
	s8 =	sld [smem:$0x3FB6]  }
0x2e: {  	s3 =	simm.s32 @!p0 $0x1082;
	s9 =	sld [smem:$0x3FB7]  }
0x2f: {  	lr =	sadd.s32 s0, s3;
	s0 =	sld [smem:$0x3FAE]  }
0x30: {  	s3 =	sld [smem:$0x3FB1]  }
0x31: {  	[smem:$0x3FBA] =	sst s10  }
0x32: {  	s10 =	sld [smem:$0x3FB8];
	_ =	sdelay $0x3  }
0x33: {  	p0 =	seq.s32 s10, $0x1;
	s10 =	sld [smem:$0x3FBA];
	_ =	sdelay $0x3  }
0x34: {  	[smem:$0x3FBA] =	sst s10  }
0x35: {  	s10 =	sld [smem:$0x3FB9];
	_ =	sdelay $0x3  }
0x36: {  	p1 =	seq.s32 s10, $0x1;
	s10 =	sld [smem:$0x3FBA];
	_ =	sdelay $0x3  }
0x37: {  	[smem:$0x3FBA] =	sst s10  }
0x38: {  	s10 =	sld [smem:$0x3FBB]  }
0x39: {  	_ = 	snop;
	(pc) =	sbr.ind lr, $3  }
0x3a: {  	_ = 	snop  }
0x3b: {  	_ = 	snop  }
0x3c: {  	p2 =	seq.s32 s10, $0x1;
	s10 =	sld [smem:$0x3FBA]  }
0x3d: {  	_ =	shalt  }
0x3e: {  	_ =	shalt  }
0x3f: {  	_ =	shalt  }
0x40: {  	_ =	shalt  }
0x41: {  	_ =	shalt  }
0x42: {  	_ =	shalt  }
0x43: {  	_ =	shalt  }
0x44: {  	_ =	shalt  }
0x45: {  	_ =	shalt  }
0x46: {  	_ =	shalt  }
0x47: {  	_ =	shalt  }
0x48: {  	_ =	shalt  }
0x49: {  	_ =	shalt  }
0x4a: {  	_ =	shalt  }
0x4b: {  	_ =	shalt  }
0x4c: {  	_ =	shalt  }
0x4d: {  	_ =	shalt  }
0x4e: {  	_ =	shalt  }
0x4f: {  	_ =	shalt  }
0x50: {  	_ =	shalt  }
0x51: {  	_ =	shalt  }
0x52: {  	_ =	shalt  }
0x53: {  	_ =	shalt  }
0x54: {  	_ =	shalt  }
0x55: {  	_ =	shalt  }
0x56: {  	_ =	shalt  }
0x57: {  	_ =	shalt  }
0x58: {  	_ =	shalt  }
0x59: {  	_ =	shalt  }
0x5a: {  	_ =	shalt  }
0x5b: {  	_ =	shalt  }
0x5c: {  	_ =	shalt  }
0x5d: {  	_ =	shalt  }
0x5e: {  	_ =	shalt  }
0x5f: {  	_ =	shalt  }
0x60: {  	_ =	shalt  }
0x61: {  	_ =	shalt  }
0x62: {  	_ =	shalt  }
0x63: {  	_ =	shalt  }
0x64: {  	_ =	shalt  }
0x65: {  	_ =	shalt  }
0x66: {  	_ =	shalt  }
0x67: {  	_ =	shalt  }
0x68: {  	_ =	shalt  }
0x69: {  	_ =	shalt  }
0x6a: {  	_ =	shalt  }
0x6b: {  	_ =	shalt  }
0x6c: {  	_ =	shalt  }
0x6d: {  	_ =	shalt  }
0x6e: {  	_ =	shalt  }
0x6f: {  	_ =	shalt  }
0x70: {  	_ =	shalt  }
0x71: {  	_ =	shalt  }
0x72: {  	_ =	shalt  }
0x73: {  	_ =	shalt  }
0x74: {  	_ =	shalt  }
0x75: {  	_ =	shalt  }
0x76: {  	_ =	shalt  }
0x77: {  	_ =	shalt  }
0x78: {  	_ =	shalt  }
0x79: {  	_ =	shalt  }
0x7a: {  	_ =	shalt  }
0x7b: {  	_ =	shalt  }
0x7c: {  	_ =	shalt  }
0x7d: {  	_ =	shalt  }
0x7e: {  	_ =	shalt  }
0x7f: {  	_ =	shalt  }
0x80: {  	_ =	shalt  }
0x81: {  	_ =	shalt  }
0x82: {  	_ =	shalt  }
0x83: {  	_ =	shalt  }
0x84: {  	_ =	shalt  }
0x85: {  	_ =	shalt  }
0x86: {  	_ =	shalt  }
0x87: {  	_ =	shalt  }
.Lfunc_end0:
.L_simem_size_0:
called_computation_lowered:
.L_overlay_start_0:
0x88: {  	s2 =	sld [smem:$0x3FD9]  }
0x89: {  	s3 =	sld [smem:$0x3FFE];
	_ =	sdelay $0x1  }
0x8a: {  	s1 =	srdreg.scid  }
0x8b: {  	s0 =	sand.u32 $0x1, s1  }
0x8c: {  	s17 =	sshll.u32 s0, $0xA;
	s2 =	sadd.s32 s3, s2  }
0x8d: {  	s2 =	sadd.s32 s2, s17  }
0x8e: {  	[smem:$0x3FC6] =	sst s2  }
0x8f: {  	_ = 	snop  }
0x90: {  	s2 =	sld [smem:$0x3FC8];
	(tm) =	ssettm $0x1  }
0x91: {  	s18 =	sld [smem:$0x3FFB];
	_ =	sdelay $0x3  }
0x92: {  	_ =	strace s18  }
0x93: {  	s3 =	sld [smem:$0x3FFC];
	_ =	sdelay $0x3  }
0x94: {  	_ =	strace s3  }
0x95: {  	s3 =	sld [smem:$0x3FFD];
	_ =	sdelay $0x3  }
0x96: {  	_ =	strace s3  }
0x97: {  	_ =	strace $0x8FFFFFFF  }
0x98: {  	s19 =	sld [smem:$0x3FDB];
	_ =	sdelay $0x1  }
0x99: {  	s4 =	simm.s32 $_scs_section_size  }
0x9a: {  	s5 =	simm.s32 $_size__tile_overlayer_lowered;
	s6 =	simm.s32 $_tile_overlayer_lowered  }
0x9b: {  	s22 =	simm.s32 $0x1BFF;
	s21 =	sshll.u32 s6, $0x1;
	s3 =	sadd.s32 s4, s19  }
0x9c: {  	s7 =	simm.s32 $0x0;
	s20 =	sshll.u32 s5, $0x1;
	s5 =	sadd.s32 s21, s3  }
0x9d: {  	[timem:s7], [sflag:s22] =	dma.local [hbm:s5], s20  }
0x9e: {  	_ =	swait.ge [sflag:s22], s20  }
0x9f: {  	s4 =	ssub.s32 $0x0, s20;
	[sflag:s22] =	ssyncset.done $0x0  }
0xa0: {  	[sflag:s22] =	ssyncadd.s32 s4;
	_ =	sdelay $0x1  }
0xa1: {  	s23 =	simm.s32 $0x1B8B  }
0xa2: {  	_ =	swait.ge [sflag:s23], $0x1  }
0xa3: {  	[sflag:s23] =	ssyncset.done $0x0  }
0xa4: {  	s25 =	simm.s32 $0x1B8E;
	s24 =	sld [smem:$0x3FFE];
	[sflag:s23] =	ssyncadd.s32 $0xFFFFFFFF  }
0xa5: {  	s26 =	simm.s32 $execute0_lowered;
	[smem:$0x3FD2] =	sst s25  }
0xa6: {  	s5 =	sshll.u32 s26, $0x1;
	_ =	strace $0x80000046;
	[dreg:$0x1] =	wrdreg $0xFFFFFFFF  }
0xa7: {  	s28 =	simm.s32 $_size_execute0_lowered;
	s3 =	sadd.s32 s3, s5;
	[dreg:$0x0] =	wrdreg $0x0  }
0xa8: {  	s5 =	sshll.u32 s28, $0x1;
	[dreg:$0x2] =	wrdreg s3  }
0xa9: {  	[dreg:$0x3] =	wrdreg s5  }
0xaa: {  	[dreg:$0x4] =	wrdreg $0xC0  }
0xab: {  	_ =	task [dreg:s7], $0x5FFFF  }
0xac: {  	[dreg:$0x1] =	wrdreg $0xFFFFFFFF  }
0xad: {  	[dreg:$0x0] =	wrdreg $0x60  }
0xae: {  	[dreg:$0x2] =	wrdreg s24  }
0xaf: {  	[dreg:$0x3] =	wrdreg s2  }
0xb0: {  	[dreg:$0x4] =	wrdreg $0x9  }
0xb1: {  	_ =	task.clear_ibuf [dreg:s7], $0x5FFFF;
	_ =	strace $0x90000046  }
0xb2: {  	s29 =	simm.s32 $0x9;
	_ =	strace $0x80000048  }
0xb3: {  	_ =	swait.ge [sflag:s29], $0x1  }
0xb4: {  	[sflag:s29] =	ssyncadd.s32 $0xFFFFFFFF  }
0xb5: {  	_ =	strace $0x90000048  }
0xb6: {  	_ =	sfence  }
0xb7: {  	s30 =	sld [smem:$0x0];
	_ =	sdelay $0x2  }
0xb8: {  	s31 =	sshll.u32 s1, $0xD;
	s1 =	sshrl.u32 s1, $0x2  }
0xb9: {  	s3 =	sand.u32 $0x4000, s31;
	s1 =	sadd.s32 s1, s30  }
0xba: {  	s0 =	sor.u32 s3, s0;
	s1 =	sshll.u32 s1, $0x11  }
0xbb: {  	s0 =	sor.u32 s1, s0  }
0xbc: {  	s0 =	sadd.s32 $0x8F2B, s0  }
0xbd: {  	[sflag:s0] =	ssyncadd.remote.s32 $0x1  }
0xbe: {  	_ =	sfence.sel $0xFFFF  }
0xbf: {  	[dreg:$0x0] =	wrdreg $0xFFFFFFFF;
	(pc) =	sbr.abs _section_cstart, $3  }
0xc0: {  	[dreg:$0x1] =	wrdreg $0xFFFFFFFF  }
0xc1: {  	_ =	task.clear_ibuf [dreg:s7], $0x2FFFF;
	_ =	strace $0x9FFFFFFF  }
0xc2: {  	(tm) =	ssettm $0x7FFFFFFF  }
0xc3: {  	_ =	shalt  }
tec
execute0_lowered:
.L_overlay_start_1:
0x0: {  	(tag) =	ssettag $0x1  }
0x1: {  	s0 =	rddreg [dreg:$0x0];
	s1 =	simm.s32 $0x0  }
0x2: {  	[smem:$0x7FF] =	sst s1  }
0x3: {  	s6 =	rddreg [dreg:$0x1];
	v0 =	vimm.f32 $-Inf;
	_ =	strace $0x80000047  }
0x4: {  	v1 =	vimm.s32 $0xFFFFFFFF;
	(xrf0) =	vmax.scan.msk.f32 $0xffff, v0  }
0x5: {  	(xrf0) =	vmin.scan.msk.u32 $0xffff, v1;
	_ =	sdelay $0x4  }
0x6: {  	v2, _, _ =	vpop (xrf0)  }
0x7: {  	v1, _, _ =	vpop (xrf0)  }
0x8: {  	(v2sf) =	vpush v1, $0xF;
	_ =	sdelay $0x5  }
0x9: {  	s26 =	srdreg.scid  }
0xa: {  	s5 =	stileid.u32;
	s15 =	simm.s32 $0x1900;
	s16 =	simm.s32 $0x1  }
0xb: {  	s17 =	simm.s32 $0x2;
	s18 =	simm.s32 $0x5180;
	s19 =	simm.s32 $0xA280  }
0xc: {  	s20 =	simm.s32 $0xA300;
	s22 =	simm.s32 $0xA380;
	s1 =	sand.u32 $0x1, s26  }
0xd: {  	s4 =	sadd.s32 $0x400, s0;
	s5 =	sshll.u32 s5, $0x2;
	s0 =	sadd.s32 $0xFA400, s0  }
0xe: {  	s7 =	sadd.s32 $0x100, s6;
	s29 =	sadd.s32 $0x200, s6;
	s30 =	sadd.s32 $0x300, s6  }
0xf: {  	s10 =	sadd.s32 $0x400, s6;
	s11 =	sadd.s32 $0x500, s6;
	s2 =	ssub.s32 $0x2, s1  }
0x10: {  	v3 =	vimm.s32 $0x0;
	v4 =	vlaneseq.u32;
	s12 =	sadd.s32 $0x600, s6;
	[dreg:$0x3] =	wrdreg s0;
	s3 =	sshrl.u32 s2, $0x1  }
0x11: {  	v5 =	vimm.s32 $0x1;
	v9 =	vimm.f32 $0.0e+00;
	vm0 =	vmmov $0xffff;
	s1 =	sshll.u32 s1, $0x1;
	[dreg:$0x5] =	wrdreg s29;
	s28 =	ssub.s32 s2, s3  }
0x12: {  	v6 =	vor.u32 $0x10, v4;
	v7 =	vor.u32 $0x20, v4;
	v8 =	vor.u32 $0x30, v4;
	[dreg:$0x6] =	wrdreg s30;
	s0 =	smax.u32 s28, $0x1;
	s31 =	spop (v2sf)  }
0x13: {  	v10 =	vand.u32 $0x7, v4;
	v11 =	vshrl.u32 v4, $0x3;
	v12 =	vor.u32 $0x8, v4;
	s1 =	sor.u32 s1, s5;
	[dreg:$0x7] =	wrdreg s0;
	s0 =	sxor.u32 $0x80000000, s31  }
0x14: {  	s13 =	sadd.s32 $0x700, s6;
	v11 =	vmul.u32 $0x8, v11;
	[dreg:$0x4] =	wrdreg s1;
	s1 =	simm.s32 $0x0;
	v2 =	vbroadcast v2, $0xF;
	v1 =	vmov s0  }
.LBB2_1:
0x15: {  	[dreg:$0x8] =	wrdreg s1;
	p1 =	por $0x1, $0x1;
	s0 =	simm.s32 $0x0  }
.LBB2_2:
0x16: {  	s1 =	rddreg [dreg:$0x4]  }
0x17: {  	s0 =	sor.u32 s1, s0  }
0x18: {  	s26 =	smul.u32 $0x1F400, s0;
	_ =	sdelay $0x1  }
0x19: {  	s28 =	simm.s32 $0x0;
	[dreg:$0x9] =	wrdreg s0;
	s0 =	sshrl.u32 s26, $0x3  }
0x1a: {  	p0 =	por p1, p1;
	s30 =	simm.s32 $0x3200;
	s0 =	sadd.s32 s4, s0  }
0x1b: {  	[tilespmem:s28], [sflag:$0x1] =	stream.linear.gather [hbm4b:s0+s28], $0x1900, $0x38;
	[tilespmem:$0x1CC00] =	vst v63  }
0x1c: {  	v13 =	vimm.f32 $-Inf;
	s31 =	simm.s32 $0x3390;
	s29 =	sadd.s32 $0x3200, s26;
	s0 =	simm.s32 $0x0  }
.LBB2_3:
0x1d: {  	s1 =	sshllo.u32 s0, $0x1  }
0x1e: {  	s1 =	smul.u32 $0x1900, s1;
	_ =	sdelay $0x1  }
0x1f: {  	s1 =	sadd.s32 s26, s1  }
0x20: {  	s1 =	sshrl.u32 s1, $0x3  }
0x21: {  	s1 =	sadd.s32 s4, s1  }
0x22: {  	[tilespmem:s15], [sflag:$0x2] =	stream.linear.gather [hbm4b:s1+s28], $0x1900, $0x38;
	[tilespmem:$0x1CC00] =	vst v63  }
0x23: {  	_ =	swait.ge [sflag:s16], $0x1900  }
0x24: {  	[sflag:s16] =	ssyncset.done $0x0  }
0x25: {  	s3 =	simm.s32 $0x80;
	[sflag:s16] =	ssyncadd.s32 $0xFFFFE700  }
0x26: {  	v15 =	vld [tilespmem:s3+$0xFFFFFF90]  }
0x27: {  	v14 =	vmov s30;
	s5 =	simm.s32 $0x40;
	s2 =	simm.s32 $0x0;
	v16 =	vld [tilespmem:s3+$0xFFFFFF80]  }
.LBB2_4:
0x28: {  	p1 =	sne.s32 s5, $0x600;
	v17 =	vld [tilespmem:s3+$0xFFFFFFA0]  }
0x29: {  	v18 =	vld [tilespmem:s3+$0xFFFFFFB0]  }
0x2a: {  	v19 =	vld [tilespmem:s3+$0xFFFFFFC0]  }
0x2b: {  	v20 =	vld [tilespmem:s3+$0xFFFFFFD0]  }
0x2c: {  	v15 =	vmax.f32 v16, v15;
	v16 =	vld [tilespmem:s3+$0xFFFFFFE0]  }
0x2d: {  	v15 =	vmax.f32 v15, v17;
	v17 =	vld [tilespmem:s3+$0xFFFFFFF0]  }
0x2e: {  	v15 =	vmax.f32 v15, v18;
	v18 =	vld [tilespmem:s3+$0x0]  }
0x2f: {  	v15 =	vmax.f32 v15, v19;
	v19 =	vld [tilespmem:s3+$0x10]  }
0x30: {  	v15 =	vmax.f32 v15, v20;
	v20 =	vld [tilespmem:s3+$0x20]  }
0x31: {  	v15 =	vmax.f32 v15, v16;
	v16 =	vld [tilespmem:s3+$0x30]  }
0x32: {  	v15 =	vmax.f32 v15, v17;
	v17 =	vld [tilespmem:s3+$0x40]  }
0x33: {  	v15 =	vmax.f32 v15, v18;
	v18 =	vld [tilespmem:s3+$0x50]  }
0x34: {  	v15 =	vmax.f32 v15, v19;
	v19 =	vld [tilespmem:s3+$0x60]  }
0x35: {  	v15 =	vmax.f32 v15, v20;
	v20 =	vld [tilespmem:s3+$0x70]  }
0x36: {  	v15 =	vmax.f32 v15, v16  }
0x37: {  	v15 =	vmax.f32 v15, v17  }
0x38: {  	v15 =	vmax.f32 v15, v18  }
.Ltmp0:
0x39: {  	v15 =	vmax.f32 v15, v19;
	(pc) =	sbr.rel @p1 .LBB2_4-.Ltmp0, $4  }
0x3a: {  	s1 =	sshra.s32 s2, $0x2;
	s2 =	smov.u32 s5;
	v15 =	vmax.f32 v15, v20  }
0x3b: {  	s3 =	sadd.s32 $0x100, s3;
	[tilespmem:v14+s1+$0x0 ss:$0x1] =	vst.idx.msk $0xffff, v15;
	v13 =	vmax.f32 v13, v15  }
0x3c: {  	v15 =	vld [tilespmem:s3+$0xFFFFFF90]  }
0x3d: {  	s5 =	sadd.s32 $0x40, s5;
	v16 =	vld [tilespmem:s3+$0xFFFFFF80]  }
0x3e: {  	v17 =	vld [tilespmem:s3+$0xFFFFFFA0]  }
0x3f: {  	v18 =	vld [tilespmem:s3+$0xFFFFFFB0]  }
0x40: {  	v19 =	vld [tilespmem:s3+$0xFFFFFFC0]  }
0x41: {  	v20 =	vld [tilespmem:s3+$0xFFFFFFD0]  }
0x42: {  	v15 =	vmax.f32 v16, v15;
	v16 =	vld [tilespmem:s3+$0xFFFFFFE0]  }
0x43: {  	v15 =	vmax.f32 v15, v17;
	v17 =	vld [tilespmem:s3+$0xFFFFFFF0]  }
0x44: {  	v15 =	vmax.f32 v15, v18;
	v18 =	vld [tilespmem:s3+$0x0]  }
0x45: {  	v15 =	vmax.f32 v15, v19;
	v19 =	vld [tilespmem:s3+$0x10]  }
0x46: {  	v62 =	vld [tilespmem:s3+$0x20];
	v15 =	vmax.f32 v15, v20  }
0x47: {  	v15 =	vmax.f32 v15, v16;
	v16 =	vld [tilespmem:s3+$0x30]  }
0x48: {  	v15 =	vmax.f32 v15, v17;
	v17 =	vld [tilespmem:s3+$0x40]  }
0x49: {  	v15 =	vmax.f32 v15, v18;
	v18 =	vld [tilespmem:s3+$0x50]  }
0x4a: {  	v15 =	vmax.f32 v15, v19;
	v19 =	vld [tilespmem:s3+$0x60]  }
0x4b: {  	v63 =	vld [tilespmem:s3+$0x70];
	v15 =	vmax.f32 v15, v62  }
0x4c: {  	p1 =	seq.s32 s0, $0x9;
	v15 =	vmax.f32 v15, v16  }
0x4d: {  	s1 =	smul.u32 @!p1 $0x3200, s0;
	v15 =	vmax.f32 v15, v17  }
0x4e: {  	v15 =	vmax.f32 v15, v18  }
0x4f: {  	s1 =	sadd.s32 @!p1 s1, s29;
	v15 =	vmax.f32 v15, v19  }
0x50: {  	s2 =	sshra.s32 s2, $0x2;
	s1 =	sshrl.u32 @!p1 s1, $0x3;
	v16 =	vmax.f32 v15, v63  }
0x51: {  	s1 =	sadd.s32 @!p1 s4, s1;
	[tilespmem:v14+s2+$0x0 ss:$0x1] =	vst.idx.msk $0xffff, v16;
	s2 =	simm.s32 @!p1 $0x0  }
0x52: {  	[tilespmem:s2], [sflag:$0x1] =	stream.linear.gather @!p1 [hbm4b:s1+s2], $0x1900, $0x38;
	[tilespmem:$0x1CC00] =	vst v63  }
0x53: {  	_ =	swait.ge [sflag:s17], $0x1900  }
0x54: {  	[sflag:s17] =	ssyncset.done $0x0  }
0x55: {  	s3 =	simm.s32 $0x1980;
	[sflag:s17] =	ssyncadd.s32 $0xFFFFE700  }
0x56: {  	v15 =	vld [tilespmem:s3+$0xFFFFFF90]  }
0x57: {  	s5 =	simm.s32 $0x40;
	v13 =	vmax.f32 v13, v16;
	v14 =	vmov s31;
	s2 =	simm.s32 $0x0;
	v16 =	vld [tilespmem:s3+$0xFFFFFF80]  }
.LBB2_6:
0x58: {  	p1 =	sne.s32 s5, $0x600;
	v17 =	vld [tilespmem:s3+$0xFFFFFFA0]  }
0x59: {  	v18 =	vld [tilespmem:s3+$0xFFFFFFB0]  }
0x5a: {  	v19 =	vld [tilespmem:s3+$0xFFFFFFC0]  }
0x5b: {  	v20 =	vld [tilespmem:s3+$0xFFFFFFD0]  }
0x5c: {  	v15 =	vmax.f32 v16, v15;
	v16 =	vld [tilespmem:s3+$0xFFFFFFE0]  }
0x5d: {  	v15 =	vmax.f32 v15, v17;
	v17 =	vld [tilespmem:s3+$0xFFFFFFF0]  }
0x5e: {  	v15 =	vmax.f32 v15, v18;
	v18 =	vld [tilespmem:s3+$0x0]  }
0x5f: {  	v15 =	vmax.f32 v15, v19;
	v19 =	vld [tilespmem:s3+$0x10]  }
0x60: {  	v15 =	vmax.f32 v15, v20;
	v20 =	vld [tilespmem:s3+$0x20]  }
0x61: {  	v15 =	vmax.f32 v15, v16;
	v16 =	vld [tilespmem:s3+$0x30]  }
0x62: {  	v15 =	vmax.f32 v15, v17;
	v17 =	vld [tilespmem:s3+$0x40]  }
0x63: {  	v15 =	vmax.f32 v15, v18;
	v18 =	vld [tilespmem:s3+$0x50]  }
0x64: {  	v15 =	vmax.f32 v15, v19;
	v19 =	vld [tilespmem:s3+$0x60]  }
0x65: {  	v15 =	vmax.f32 v15, v20;
	v20 =	vld [tilespmem:s3+$0x70]  }
0x66: {  	v15 =	vmax.f32 v15, v16  }
0x67: {  	v15 =	vmax.f32 v15, v17  }
0x68: {  	v15 =	vmax.f32 v15, v18  }
.Ltmp1:
0x69: {  	v15 =	vmax.f32 v15, v19;
	(pc) =	sbr.rel @p1 .LBB2_6-.Ltmp1, $4  }
0x6a: {  	s1 =	sshra.s32 s2, $0x2;
	s2 =	smov.u32 s5;
	v15 =	vmax.f32 v15, v20  }
0x6b: {  	s3 =	sadd.s32 $0x100, s3;
	[tilespmem:v14+s1+$0x0 ss:$0x1] =	vst.idx.msk $0xffff, v15;
	v13 =	vmax.f32 v13, v15  }
0x6c: {  	v15 =	vld [tilespmem:s3+$0xFFFFFF90]  }
0x6d: {  	s5 =	sadd.s32 $0x40, s5;
	v16 =	vld [tilespmem:s3+$0xFFFFFF80]  }
0x6e: {  	v17 =	vld [tilespmem:s3+$0xFFFFFFA0]  }
0x6f: {  	v18 =	vld [tilespmem:s3+$0xFFFFFFB0]  }
0x70: {  	v19 =	vld [tilespmem:s3+$0xFFFFFFC0]  }
0x71: {  	v20 =	vld [tilespmem:s3+$0xFFFFFFD0]  }
0x72: {  	v54 =	vld [tilespmem:s3+$0xFFFFFFE0];
	v15 =	vmax.f32 v16, v15  }
0x73: {  	v55 =	vld [tilespmem:s3+$0xFFFFFFF0];
	v15 =	vmax.f32 v15, v17  }
0x74: {  	v56 =	vld [tilespmem:s3+$0x0];
	v15 =	vmax.f32 v15, v18  }
0x75: {  	v57 =	vld [tilespmem:s3+$0x10];
	v15 =	vmax.f32 v15, v19  }
0x76: {  	v58 =	vld [tilespmem:s3+$0x20];
	v15 =	vmax.f32 v15, v20  }
0x77: {  	v59 =	vld [tilespmem:s3+$0x30];
	v15 =	vmax.f32 v15, v54  }
0x78: {  	v60 =	vld [tilespmem:s3+$0x40];
	v15 =	vmax.f32 v15, v55  }
0x79: {  	v61 =	vld [tilespmem:s3+$0x50];
	v15 =	vmax.f32 v15, v56  }
0x7a: {  	v62 =	vld [tilespmem:s3+$0x60];
	v15 =	vmax.f32 v15, v57  }
0x7b: {  	v63 =	vld [tilespmem:s3+$0x70];
	s0 =	sadd.s32 $0x1, s0;
	v15 =	vmax.f32 v15, v58  }
0x7c: {  	p1 =	sne.s32 s0, $0xA;
	v15 =	vmax.f32 v15, v59  }
.Ltmp2:
0x7d: {  	v15 =	vmax.f32 v15, v60;
	(pc) =	sbr.rel @p1 .LBB2_3-.Ltmp2, $4  }
0x7e: {  	v15 =	vmax.f32 v15, v61  }
0x7f: {  	v15 =	vmax.f32 v15, v62  }
0x80: {  	s1 =	sshra.s32 s2, $0x2;
	v15 =	vmax.f32 v15, v63  }
0x81: {  	s30 =	sadd.s32 $0x320, s30;
	s31 =	sadd.s32 $0x320, s31;
	[tilespmem:v14+s1+$0x0 ss:$0x1] =	vst.idx.msk $0xffff, v15;
	v13 =	vmax.f32 v13, v15;
	s1 =	simm.s32 $0x0  }
0x82: {  	s0 =	sshra.s32 s1, $0x2;
	s1 =	sadd.s32 $0x200, s1  }
.LBB2_9:
0x83: {  	p1 =	sne.s32 s1, $0xFE00;
	[tilespmem:s0+$0x51F0] =	vst v3  }
0x84: {  	[tilespmem:s0+$0x5180] =	vst v3  }
0x85: {  	[tilespmem:s0+$0x5190] =	vst v3  }
.Ltmp3:
0x86: {  	[tilespmem:s0+$0x51A0] =	vst v3;
	(pc) =	sbr.rel @p1 .LBB2_9-.Ltmp3, $4  }
0x87: {  	[tilespmem:s0+$0x51B0] =	vst v3  }
0x88: {  	[tilespmem:s0+$0x51C0] =	vst v3  }
0x89: {  	[tilespmem:s0+$0x51D0] =	vst v3  }
0x8a: {  	[tilespmem:s0+$0x51E0] =	vst v3;
	s0 =	sshra.s32 s1, $0x2;
	s1 =	sadd.s32 $0x200, s1  }
0x8b: {  	[tilespmem:s0+$0x51F0] =	vst v3  }
0x8c: {  	[tilespmem:s0+$0x5180] =	vst v3  }
0x8d: {  	[tilespmem:s0+$0x5190] =	vst v3  }
0x8e: {  	[tilespmem:s0+$0x51A0] =	vst v3  }
0x8f: {  	[tilespmem:s0+$0x51B0] =	vst v3  }
0x90: {  	[tilespmem:s0+$0x51C0] =	vst v3  }
0x91: {  	[tilespmem:s0+$0x51D0] =	vst v3  }
0x92: {  	[tilespmem:s0+$0x51E0] =	vst v3;
	s1 =	simm.s32 $0x0;
	s0 =	simm.s32 $0x40  }
.LBB2_11:
0x93: {  	p1 =	sne.s32 s0, $0x7CC0;
	v14 =	vld [tilespmem:s1+$0x3200];
	_ =	sdelay $0x4  }
0x94: {  	v15 =	vshra.s32 v14, $0x1F  }
0x95: {  	v15 =	vor.u32 $0x80000000, v15  }
0x96: {  	v14 =	vxor.u32 v14, v15  }
0x97: {  	v14 =	vshrl.u32 v14, $0x12  }
0x98: {  	v14 =	vand.u32 $0x3FF0, v14  }
0x99: {  	v14 =	vor.u32 v4, v14  }
.Ltmp4:
0x9a: {  	(pc) =	sbr.rel @p1 .LBB2_11-.Ltmp4, $2  }
0x9b: {  	_ =	sdelay $0x2  }
0x9c: {  	s1 =	sshra.s32 s0, $0x2;
	s0 =	sadd.s32 $0x40, s0;
	[tilespmem:v14+s18+$0x0] =	vst.idx.add.s32.msk $0xffff, v5  }
0x9d: {  	v14 =	vshra.s32 v13, $0x1F  }
0x9e: {  	v14 =	vor.u32 $0x80000000, v14  }
0x9f: {  	v13 =	vxor.u32 v13, v14  }
0xa0: {  	v13 =	vshrl.u32 v13, $0x16  }
0xa1: {  	v13 =	vor.u32 $0x80000000, v13  }
0xa2: {  	(xrf0) =	vmax.scan.msk.u32 $0xffff, v13;
	_ =	sdelay $0x5  }
0xa3: {  	v13, _, _ =	vpop (xrf0)  }
0xa4: {  	(v2sf) =	vpush v13, $0xF;
	_ =	sdelay $0x5  }
0xa5: {  	v13 =	vld [tilespmem:s1+$0x3200];
	_ =	sdelay $0x4  }
0xa6: {  	v14 =	vshra.s32 v13, $0x1F  }
0xa7: {  	v14 =	vor.u32 $0x80000000, v14  }
0xa8: {  	v13 =	vxor.u32 v13, v14  }
0xa9: {  	v13 =	vshrl.u32 v13, $0x12  }
0xaa: {  	v13 =	vand.u32 $0x3FF0, v13;
	s1 =	spop (v2sf)  }
0xab: {  	v13 =	vor.u32 v4, v13;
	p1 =	sgt.s32 s1, $0xFFFFFFFF  }
.Ltmp5:
0xac: {  	_ = 	snop;
	(pc) =	sbr.rel @p1 .LBB2_16-.Ltmp5, $2  }
0xad: {  	_ =	sdelay $0x2  }
0xae: {  	[tilespmem:v13+s18+$0x0] =	vst.idx.add.s32.msk $0xffff, v5;
	s0 =	sxor.u32 $0x80000000, s1  }
0xaf: {  	s1 =	sshll.u32 s1, $0x6  }
0xb0: {  	s1 =	sshra.s32 s1, $0x2  }
0xb1: {  	s2 =	simm.s32 $0x0;
	s1 =	sadd.s32 $0x5180, s1  }
.LBB2_14:
0xb2: {  	v13 =	vld [tilespmem:s1+$0x0];
	_ =	sdelay $0x4  }
0xb3: {  	(xrf0) =	vadd.scan.msk.s32 $0xffff, v13;
	_ =	sdelay $0x5  }
0xb4: {  	v13, _, _ =	vpop (xrf0)  }
0xb5: {  	(v2sf) =	vpush v13, $0xF;
	_ =	sdelay $0xe  }
0xb6: {  	s3 =	spop (v2sf)  }
0xb7: {  	p1 =	slt.s32 s0, $0x1;
	s2 =	sadd.s32 s2, s3  }
0xb8: {  	p2 =	slt.s32 @!p1 s2, $0x32  }
0xb9: {  	p2 =	por p1, !p2  }
.Ltmp6:
0xba: {  	_ = 	snop;
	(pc) =	sbr.rel @!p2 .LBB2_14-.Ltmp6, $2  }
0xbb: {  	_ =	sdelay $0x2  }
0xbc: {  	s0 =	sadd.s32 $0xFFFFFFFF, s0;
	s1 =	sadd.s32 $0xFFFFFFF0, s1  }
0xbd: {  	s0 =	smov.u32 @p1 s0  }
.LBB2_16:
0xbe: {  	s1 =	sadd.s32 $0x1, s0  }
0xbf: {  	s24 =	sshll.u32 s0, $0x16;
	s3 =	simm.s32 $0x3200;
	s2 =	sshll.u32 s1, $0x16  }
0xc0: {  	p1 =	sgt.s32 s1, $0x1FF;
	s0 =	sadd.s32 $0x80400000, s24;
	v14 =	vld [tilespmem:s3+$0x0];
	s1 =	sxor.u32 $0xFFFFFFFF, s2  }
0xc1: {  	s1 =	smov.u32 @p1 s0  }
0xc2: {  	v13 =	vmov s1  }
0xc3: {  	v13 =	vbroadcast v13, $0x0;
	_ =	sdelay $0x1  }
0xc4: {  	vm1 =	vge.f32 v14, v13  }
0xc5: {  	v14 =	vmpcnt.ones.xlane vm1;
	_ =	sdelay $0x1  }
0xc6: {  	v14 =	vxor.u32 $0x80000000, v14  }
0xc7: {  	(xrf0) =	vmax.scan.msk.u32 $0xffff, v14;
	_ =	sdelay $0x3  }
0xc8: {  	s25 =	simm.s32 $0x3210  }
0xc9: {  	v15 =	vld [tilespmem:s25+$0x0]  }
0xca: {  	v14, _, _ =	vpop (xrf0)  }
0xcb: {  	s28 =	simm.s32 $0x3220;
	(v2sf) =	vpush v14, $0xF  }
0xcc: {  	s29 =	simm.s32 $0x3230;
	v14 =	vld [tilespmem:s28+$0x0]  }
0xcd: {  	v16 =	vld [tilespmem:s29+$0x0]  }
0xce: {  	vm1 =	vge.f32 v15, v13  }
0xcf: {  	v15 =	vmpcnt.ones.xlane vm1;
	_ =	sdelay $0x1  }
0xd0: {  	s30 =	simm.s32 $0x3240;
	v15 =	vxor.u32 $0x80000000, v15;
	vm1 =	vge.f32 v14, v13  }
0xd1: {  	(xrf0) =	vmax.scan.msk.u32 $0xffff, v15;
	v15 =	vld [tilespmem:s30+$0x0];
	v14 =	vmpcnt.ones.xlane vm1;
	vm1 =	vge.f32 v16, v13  }
0xd2: {  	v16 =	vmpcnt.ones.xlane vm1  }
0xd3: {  	v14 =	vxor.u32 $0x80000000, v14  }
0xd4: {  	(xrf0) =	vmax.scan.msk.u32 $0xffff, v14;
	v14 =	vxor.u32 $0x80000000, v16  }
0xd5: {  	(xrf0) =	vmax.scan.msk.u32 $0xffff, v14  }
0xd6: {  	vm1 =	vge.f32 v15, v13  }
0xd7: {  	v15 =	vmpcnt.ones.xlane vm1  }
0xd8: {  	v14, _, _ =	vpop (xrf0)  }
0xd9: {  	s31 =	spop (v2sf);
	(v2sf) =	vpush v14, $0xF  }
0xda: {  	v14, _, _ =	vpop (xrf0)  }
0xdb: {  	(v2sf) =	vpush v14, $0xF;
	v14 =	vxor.u32 $0x80000000, v15;
	v15, _, _ =	vpop (xrf0)  }
0xdc: {  	(v2sf) =	vpush v15, $0xF;
	_ =	sdelay $0x3  }
0xdd: {  	s23 =	simm.s32 $0x3250  }
0xde: {  	s9 =	smov.u32 s7;
	s6 =	simm.s32 $0x0;
	s14 =	simm.s32 $0x1;
	(xrf0) =	vmax.scan.msk.u32 $0xffff, v14;
	v14 =	vld [tilespmem:s23+$0x0]  }
0xdf: {  	s5 =	simm.s32 $0x5;
	s3 =	simm.s32 $0x3;
	s21 =	sxor.u32 $0x80000000, s31  }
0xe0: {  	s24 =	simm.s32 $0x6;
	[smem:s6] =	sst s6;
	p1 =	slt.s32 s21, $0x1  }
0xe1: {  	s2 =	simm.s32 $0x4;
	s0 =	simm.s32 $0x2;
	s21 =	simm.s32 @!p1 $0x1  }
.LBB2_17:
0xe2: {  	p1 =	sne.s32 s24, $0x1F3  }
0xe3: {  	vm1 =	vge.f32 v14, v13;
	s23 =	sadd.s32 $0x10, s23;
	s6 =	sadd.s32 s6, s21;
	s1 =	smov.u32 s24  }
.Ltmp7:
0xe4: {  	s24 =	sadd.s32 $0x1, s24;
	v14 =	vld [tilespmem:s23+$0x0];
	v17 =	vmpcnt.ones.xlane vm1;
	[smem:s6] =	sst s14;
	(pc) =	sbr.rel @p1 .LBB2_17-.Ltmp7, $4  }
0xe5: {  	s14 =	smov.u32 s0;
	s0 =	smov.u32 s3;
	s7 =	spop (v2sf)  }
0xe6: {  	s3 =	smov.u32 s2;
	s2 =	smov.u32 s5;
	v16 =	vxor.u32 $0x80000000, v17;
	s21 =	sxor.u32 $0x80000000, s7  }
0xe7: {  	s5 =	smov.u32 s1;
	(xrf0) =	vmax.scan.msk.u32 $0xffff, v16;
	v15, _, _ =	vpop (xrf0);
	p2 =	slt.s32 s21, $0x1  }
0xe8: {  	(v2sf) =	vpush v15, $0xF;
	s21 =	simm.s32 @!p2 $0x1  }
0xe9: {  	vm1 =	vge.f32 v14, v13  }
0xea: {  	v14 =	vmpcnt.ones.xlane vm1;
	_ =	sdelay $0x1  }
0xeb: {  	v14 =	vxor.u32 $0x80000000, v14  }
0xec: {  	(xrf0) =	vmax.scan.msk.u32 $0xffff, v14;
	_ =	sdelay $0x4  }
0xed: {  	v14, _, _ =	vpop (xrf0)  }
0xee: {  	(v2sf) =	vpush v14, $0xF;
	v14, _, _ =	vpop (xrf0)  }
0xef: {  	(v2sf) =	vpush v14, $0xF;
	_ =	sdelay $0x8  }
0xf0: {  	s1 =	spop (v2sf)  }
0xf1: {  	s7 =	spop (v2sf);
	s1 =	sxor.u32 $0x80000000, s1  }
0xf2: {  	s6 =	sadd.s32 s6, s21;
	p1 =	slt.s32 s1, $0x1;
	s7 =	sxor.u32 $0x80000000, s7  }
0xf3: {  	[smem:s6] =	sst s14;
	s1 =	simm.s32 @!p1 $0x1;
	p1 =	slt.s32 s7, $0x1  }
0xf4: {  	s1 =	sadd.s32 s6, s1;
	s7 =	simm.s32 @!p1 $0x1;
	s14 =	spop (v2sf)  }
0xf5: {  	s7 =	sadd.s32 s1, s7;
	s6 =	sxor.u32 $0x80000000, s14;
	s21 =	spop (v2sf)  }
0xf6: {  	p1 =	slt.s32 s6, $0x1;
	s14 =	sxor.u32 $0x80000000, s21;
	s23 =	spop (v2sf)  }
0xf7: {  	s6 =	simm.s32 @!p1 $0x1;
	p1 =	slt.s32 s14, $0x1;
	s21 =	sxor.u32 $0x80000000, s23  }
0xf8: {  	s6 =	sadd.s32 s7, s6;
	s14 =	simm.s32 @!p1 $0x1;
	p1 =	slt.s32 s21, $0x1  }
0xf9: {  	s24 =	sadd.s32 s6, s14;
	s21 =	simm.s32 @!p1 $0x1  }
0xfa: {  	[smem:s1] =	sst s0;
	s0 =	sadd.s32 s24, s21  }
0xfb: {  	s25 =	sadd.s32 $0x1F, s0  }
0xfc: {  	s29 =	sshrl.u32 s25, $0x5  }
0xfd: {  	p1 =	seq.s32 s29, $0x0  }
.Ltmp8:
0xfe: {  	_ = 	snop;
	(pc) =	sbr.rel @!p1 .LBB2_19-.Ltmp8, $4  }
0xff: {  	_ = 	snop  }
0x100: {  	s28 =	simm.s32 $0x0;
	[smem:s7] =	sst s3  }
0x101: {  	s30 =	simm.s32 $0x0;
	s31 =	simm.s32 $0x0;
	[smem:s6] =	sst s2  }
0x102: {  	s3 =	simm.s32 $0x0;
	s14 =	simm.s32 $0x0;
	[smem:s24] =	sst s5  }
.LBB2_30:
0x103: {  	[tilespmem:s14+$0x9180] =	vst v0  }
0x104: {  	[tilespmem:$0xA280] =	vst v0  }
0x105: {  	[tilespmem:$0xA300] =	vst v4  }
0x106: {  	s6 =	rddreg [dreg:$0x1];
	[tilespmem:$0xA290] =	vst v0  }
.Ltmp9:
0x107: {  	s8 =	rddreg [dreg:$0x5];
	[tilespmem:$0xA310] =	vst v6;
	(pc) =	sbr.rel .LBB2_31-.Ltmp9, $4  }
0x108: {  	s0 =	sadd.s32 $0xF, s14;
	s7 =	smov.u32 s9;
	s9 =	rddreg [dreg:$0x6];
	[tilespmem:$0xA2A0] =	vst v0  }
0x109: {  	s21 =	simm.s32 $0xA400;
	s23 =	simm.s32 $0x12400;
	s24 =	simm.s32 $0x12C00;
	[tilespmem:$0xA320] =	vst v7  }
0x10a: {  	s25 =	simm.s32 $0x13400;
	s29 =	simm.s32 $0x13C00;
	s0 =	sshrl.u32 s0, $0x4;
	[tilespmem:$0xA2B0] =	vst v0  }
0x10b: {  	s30 =	simm.s32 $0x14400;
	s31 =	simm.s32 $0x14C00;
	[tilespmem:$0xA330] =	vst v8;
	p1 =	seq.s32 s0, $0x0  }
.LBB2_29:
0x10c: {  	s3 =	sadd.s32 $0x1, s3  }
0x10d: {  	p1 =	sne.s32 s3, s29  }
.Ltmp10:
0x10e: {  	_ = 	snop;
	(pc) =	sbr.rel @!p1 .LBB2_30-.Ltmp10, $2  }
0x10f: {  	_ =	sdelay $0x2  }
0x110: {  	s31 =	sadd.s32 $0x20, s31;
	s30 =	sadd.s32 $0x20, s30  }
.LBB2_19:
0x111: {  	p1 =	sge.s32 s30, s0  }
0x112: {  	s1 =	sld @!p1 [smem:s31+$0x0]  }
0x113: {  	s2 =	sshll.u32 s3, $0x5  }
0x114: {  	s5 =	simm.s32 $0x100;
	s6 =	sadd.s32 $0x1, s31;
	p1 =	por p1, p1  }
0x115: {  	s21 =	sadd.s32 $0x1, s30;
	s7 =	sand.u32 @!p1 $0x380, s28;
	s23 =	sshll.u32 @!p1 s1, $0x8  }
0x116: {  	s1 =	sand.u32 @!p1 $0x1800, s28;
	s24 =	sadd.s32 @!p1 s26, s23;
	s23 =	simm.s32 $0x0  }
.LBB2_20:
0x117: {  	p2 =	sge.s32 s21, s0;
	s1 =	sor.u32 @!p1 s7, s1;
	s7 =	sshrl.u32 @!p1 s24, $0x3  }
0x118: {  	s24 =	simm.s32 @!p1 $0x0;
	s1 =	sadd.s32 @!p1 $0x1AC00, s1;
	s7 =	sadd.s32 @!p1 s4, s7  }
0x119: {  	[tilespmem:s1], [sflag:$0x5] =	stream.linear.gather @!p1 [hbm4b:s7+s24], $0x80, $0x38;
	[tilespmem:$0x1CC00] =	vst v63  }
0x11a: {  	s7 =	sadd.s32 @!p1 $0x10, s7;
	s1 =	sadd.s32 @!p1 $0x400, s1;
	s25 =	sld @!p2 [smem:s6+$0x0]  }
0x11b: {  	[tilespmem:s1], [sflag:$0x5] =	stream.linear.gather @!p1 [hbm4b:s7+s24], $0x80, $0x38;
	[tilespmem:$0x1CC00] =	vst v63  }
0x11c: {  	s1 =	smov.u32 s5;
	s5 =	sadd.s32 $0x100, s5  }
0x11d: {  	p1 =	por p2, p2;
	p2 =	sne.s32 s5, $0x2000  }
.Ltmp11:
0x11e: {  	_ = 	snop;
	(pc) =	sbr.rel @p2 .LBB2_20-.Ltmp11, $4  }
0x11f: {  	_ = 	snop  }
0x120: {  	s23 =	sadd.s32 $0x80, s23  }
0x121: {  	s21 =	sadd.s32 $0x1, s21;
	s6 =	sadd.s32 $0x1, s6;
	s24 =	sshll.u32 @!p1 s25, $0x8  }
0x122: {  	s1 =	sand.u32 @!p1 $0x1800, s1;
	s7 =	sand.u32 @!p1 $0x380, s23;
	s24 =	sadd.s32 @!p1 s26, s24  }
0x123: {  	s1 =	sor.u32 @!p1 s7, s1;
	s5 =	sshrl.u32 @!p1 s24, $0x3  }
0x124: {  	s6 =	simm.s32 @!p1 $0x0;
	s1 =	sadd.s32 @!p1 $0x1AC00, s1;
	s5 =	sadd.s32 @!p1 s4, s5  }
0x125: {  	[tilespmem:s1], [sflag:$0x5] =	stream.linear.gather @!p1 [hbm4b:s5+s6], $0x80, $0x38;
	[tilespmem:$0x1CC00] =	vst v63  }
0x126: {  	s25 =	sadd.s32 $0x0, s30;
	s5 =	sadd.s32 @!p1 $0x10, s5;
	s1 =	sadd.s32 @!p1 $0x400, s1  }
0x127: {  	[tilespmem:s1], [sflag:$0x5] =	stream.linear.gather @!p1 [hbm4b:s5+s6], $0x80, $0x38;
	[tilespmem:$0x1CC00] =	vst v63  }
0x128: {  	p1 =	sge.s32 s25, s0  }
0x129: {  	s6 =	simm.s32 @!p1 $0x5  }
0x12a: {  	_ =	swait.ge @!p1 [sflag:s6], $0x100  }
0x12b: {  	s5 =	simm.s32 $0x0;
	s1 =	simm.s32 $0x1;
	[sflag:s6] =	ssyncset.done @!p1 $0x0  }
.LBB2_22:
0x12c: {  	[sflag:s6] =	ssyncadd.s32 @!p1 $0xFFFFFF00;
	s6 =	smov.u32 s1;
	s1 =	sadd.s32 $0x1, s1  }
0x12d: {  	p2 =	sne.s32 s1, $0x20  }
.Ltmp12:
0x12e: {  	s6 =	sadd.s32 s6, s30;
	(pc) =	sbr.rel @p2 .LBB2_22-.Ltmp12, $4  }
0x12f: {  	p1 =	sge.s32 s6, s0  }
0x130: {  	s6 =	simm.s32 @!p1 $0x5  }
0x131: {  	_ =	swait.ge @!p1 [sflag:s6], $0x100  }
0x132: {  	[sflag:s6] =	ssyncset.done @!p1 $0x0  }
.Ltmp13:
0x133: {  	(pc) =	sbr.rel .LBB2_24-.Ltmp13, $2  }
0x134: {  	_ =	sdelay $0x2  }
0x135: {  	[sflag:s6] =	ssyncadd.s32 @!p1 $0xFFFFFF00  }
.LBB2_28:
0x136: {  	s5 =	sadd.s32 $0x1, s5  }
0x137: {  	p1 =	sne.s32 s5, $0x20  }
.Ltmp14:
0x138: {  	_ = 	snop;
	(pc) =	sbr.rel @!p1 .LBB2_29-.Ltmp14, $1  }
0x139: {  	_ =	sdelay $0x3  }
.LBB2_24:
0x13a: {  	s1 =	sor.u32 s2, s5  }
0x13b: {  	p1 =	sge.s32 s1, s0  }
.Ltmp15:
0x13c: {  	_ = 	snop;
	(pc) =	sbr.rel @p1 .LBB2_28-.Ltmp15, $1  }
0x13d: {  	_ =	sdelay $0x3  }
0x13e: {  	s6 =	sshll.u32 s5, $0x8;
	s7 =	sshll.u32 s5, $0x7  }
0x13f: {  	s6 =	sand.u32 $0x1800, s6;
	s7 =	sand.u32 $0x380, s7  }
0x140: {  	s24 =	simm.s32 $0x0;
	s6 =	sor.u32 s7, s6  }
0x141: {  	s25 =	sand.u32 $0x400, s24;
	s21 =	sadd.s32 $0x1AC00, s6  }
0x142: {  	s7 =	sand.u32 $0x70, s24;
	s6 =	sadd.s32 s25, s21  }
0x143: {  	s6 =	sadd.s32 s7, s6  }
0x144: {  	v14 =	vld [tilespmem:s6+$0x0];
	_ =	sdelay $0x4  }
0x145: {  	vm1 =	vge.f32 v14, v13  }
0x146: {  	v15 =	vmpcnt.ones.xlane vm1;
	_ =	sdelay $0x1  }
0x147: {  	v15 =	vxor.u32 $0x80000000, v15  }
0x148: {  	(xrf0) =	vmax.scan.msk.u32 $0xffff, v15;
	_ =	sdelay $0x2  }
0x149: {  	s1 =	sld [smem:s1+$0x0];
	_ =	sdelay $0x2  }
0x14a: {  	s23 =	simm.s32 $0x80;
	s24 =	simm.s32 $0x10;
	s6 =	sshll.u32 s1, $0x8;
	v15, _, _ =	vpop (xrf0)  }
0x14b: {  	s25 =	simm.s32 $0x20;
	s7 =	sand.u32 $0x400, s23;
	s1 =	sadd.s32 $0x0, s6;
	(v2sf) =	vpush v15, $0xF  }
.LBB2_26:
0x14c: {  	p1 =	sne.s32 s25, $0xF0;
	s8 =	sand.u32 $0x70, s24;
	s7 =	sadd.s32 s7, s21;
	v15 =	vor.u32 s1, v4;
	[tilespmem:s14+$0x9180] =	vst.msk vm1, v14  }
0x14d: {  	s1 =	sadd.s32 s8, s7;
	[tilespmem:s14+$0x9A00] =	vst.msk vm1, v15;
	s7 =	smov.u32 s24;
	s24 =	smov.u32 s25  }
0x14e: {  	v14 =	vld [tilespmem:s1+$0x0];
	_ =	sdelay $0x4  }
0x14f: {  	vm1 =	vge.f32 v14, v13  }
0x150: {  	v15 =	vmpcnt.ones.xlane vm1;
	_ =	sdelay $0x1  }
0x151: {  	v15 =	vxor.u32 $0x80000000, v15  }
0x152: {  	(xrf0) =	vmax.scan.msk.u32 $0xffff, v15;
	_ =	sdelay $0x2  }
.Ltmp16:
0x153: {  	s1 =	spop (v2sf);
	(pc) =	sbr.rel @p1 .LBB2_26-.Ltmp16, $4  }
0x154: {  	s1 =	sadd.s32 s1, s14  }
0x155: {  	s14 =	sadd.s32 $0x80000000, s1  }
0x156: {  	s23 =	sadd.s32 $0x80, s23;
	s1 =	sadd.s32 s7, s6;
	v15, _, _ =	vpop (xrf0);
	p2 =	slt.s32 s14, $0x800  }
0x157: {  	s25 =	sadd.s32 $0x10, s25;
	s7 =	sand.u32 $0x400, s23;
	(v2sf) =	vpush v15, $0xF;
	s14 =	simm.s32 @!p2 $0x800  }
0x158: {  	s8 =	sand.u32 $0x70, s24;
	s7 =	sadd.s32 s7, s21;
	v15 =	vor.u32 s1, v4;
	[tilespmem:s14+$0x9180] =	vst.msk vm1, v14  }
0x159: {  	s21 =	sadd.s32 s8, s7;
	[tilespmem:s14+$0x9A00] =	vst.msk vm1, v15  }
0x15a: {  	v14 =	vld [tilespmem:s21+$0x0];
	_ =	sdelay $0x4  }
0x15b: {  	vm1 =	vge.f32 v14, v13  }
0x15c: {  	v15 =	vmpcnt.ones.xlane vm1;
	_ =	sdelay $0x1  }
0x15d: {  	v15 =	vxor.u32 $0x80000000, v15  }
0x15e: {  	(xrf0) =	vmax.scan.msk.u32 $0xffff, v15;
	_ =	sdelay $0x5  }
0x15f: {  	v15, _, _ =	vpop (xrf0)  }
0x160: {  	(v2sf) =	vpush v15, $0xF;
	_ =	sdelay $0xa  }
0x161: {  	s23 =	spop (v2sf)  }
0x162: {  	s1 =	sadd.s32 s23, s14  }
0x163: {  	s1 =	sadd.s32 $0x80000000, s1  }
0x164: {  	p1 =	slt.s32 s1, $0x800  }
.Ltmp17:
0x165: {  	s1 =	simm.s32 @!p1 $0x800;
	s25 =	spop (v2sf);
	(pc) =	sbr.rel .LBB2_28-.Ltmp17, $4  }
0x166: {  	s7 =	sadd.s32 s25, s1  }
0x167: {  	s6 =	sadd.s32 s24, s6;
	s14 =	sadd.s32 $0x80000000, s7  }
0x168: {  	v15 =	vor.u32 s6, v4;
	[tilespmem:s1+$0x9180] =	vst.msk vm1, v14;
	p1 =	slt.s32 s14, $0x800  }
0x169: {  	[tilespmem:s1+$0x9A00] =	vst.msk vm1, v15;
	s14 =	simm.s32 @!p1 $0x800  }
.LBB2_38:
0x16a: {  	vm1 =	veq.f32 v15, v13;
	vm2 =	veq.s32 v16, v14  }
0x16b: {  	vm1 =	vmand vm1, vm2  }
0x16c: {  	v15 =	vsel vm1, $0xFF800000, v15  }
0x16d: {  	[tilespmem:s3+$0x0] =	vst v15  }
.LBB2_39:
0x16e: {  	v15 =	vmov s28;
	s28 =	sadd.s32 $0x1, s28  }
0x16f: {  	p2 =	sne.s32 s28, $0x32  }
.Ltmp18:
0x170: {  	_ = 	snop;
	(pc) =	sbr.rel @!p2 .LBB2_40-.Ltmp18, $3  }
0x171: {  	_ =	sdelay $0x1  }
0x172: {  	[tilespmem:v15+s19+$0x0] =	vst.idx.msk $0x1, v13  }
0x173: {  	[tilespmem:v15+s20+$0x0] =	vst.idx.msk $0x1, v14  }
.LBB2_31:
.Ltmp19:
0x174: {  	(pc) =	sbr.rel @p1 .LBB2_39-.Ltmp19, $2  }
0x175: {  	_ =	sdelay $0x2  }
0x176: {  	v14 =	vmov v1;
	v13 =	vmov v2  }
0x177: {  	p2 =	sne.s32 s0, $0x1  }
.Ltmp20:
0x178: {  	_ = 	snop;
	(pc) =	sbr.rel @!p2 .LBB2_34-.Ltmp20, $3  }
0x179: {  	_ =	sdelay $0x1  }
0x17a: {  	s1 =	simm.s32 $0x9180  }
0x17b: {  	v13 =	vimm.f32 $-Inf;
	s2 =	sadd.s32 $0xFFFFFFFF, s0;
	s3 =	simm.s32 $0x9180;
	v14 =	vld [tilespmem:s1+$0x0]  }
.LBB2_33:
0x17c: {  	p3 =	sne.s32 s2, $0x1  }
.Ltmp21:
0x17d: {  	_ = 	snop;
	(pc) =	sbr.rel @p3 .LBB2_33-.Ltmp21, $3  }
0x17e: {  	_ =	sdelay $0x1  }
0x17f: {  	s2 =	sadd.s32 $0xFFFFFFFF, s2;
	s3 =	sadd.s32 $0x10, s3;
	v13 =	vmax.f32 v13, v14  }
0x180: {  	v14 =	vld [tilespmem:s3+$0x0]  }
.LBB2_34:
0x181: {  	_ =	sdelay $0x3  }
0x182: {  	v13 =	vmax.f32 v13, v14  }
0x183: {  	(xrf0) =	vmax.scan.msk.f32 $0xffff, v13;
	_ =	sdelay $0x3  }
0x184: {  	v16 =	vld [tilespmem:s1+$0x0];
	s2 =	simm.s32 $0x9A00  }
.Ltmp22:
0x185: {  	v15 =	vld [tilespmem:s2+$0x0];
	(pc) =	sbr.rel @!p2 .LBB2_36-.Ltmp22, $3  }
0x186: {  	v13, _, _ =	vpop (xrf0)  }
0x187: {  	v13 =	vbroadcast v13, $0xF;
	_ =	sdelay $0x1  }
0x188: {  	s3 =	sadd.s32 $0xFFFFFFFF, s0;
	s1 =	simm.s32 $0x9190;
	s5 =	simm.s32 $0x9A00;
	v14 =	vimm.s32 $0x7FFFFFFF;
	vm1 =	veq.f32 v16, v13  }
.LBB2_35:
0x189: {  	v16 =	vld [tilespmem:s1+$0x0];
	p3 =	sne.s32 s3, $0x1;
	s3 =	sadd.s32 $0xFFFFFFFF, s3;
	v17 =	vnsel vm1, $0x7FFFFFFF, v15;
	s5 =	sadd.s32 $0x10, s5  }
.Ltmp23:
0x18a: {  	v15 =	vld [tilespmem:s5+$0x0];
	vm1 =	vlt.s32 v14, v17;
	(pc) =	sbr.rel @p3 .LBB2_35-.Ltmp23, $2  }
0x18b: {  	v14 =	vsel vm1, v14, v17;
	_ =	sdelay $0x2  }
0x18c: {  	s1 =	sadd.s32 $0x10, s1;
	vm1 =	veq.f32 v16, v13  }
.LBB2_36:
0x18d: {  	v15 =	vnsel vm1, $0x7FFFFFFF, v15  }
0x18e: {  	vm1 =	vlt.s32 v14, v15  }
0x18f: {  	v14 =	vsel vm1, v14, v15  }
0x190: {  	v14 =	vxor.u32 $0x80000000, v14  }
0x191: {  	(xrf0) =	vmin.scan.msk.u32 $0xffff, v14;
	_ =	sdelay $0x5  }
0x192: {  	v14, _, _ =	vpop (xrf0)  }
0x193: {  	(v2sf) =	vpush v14, $0xF;
	_ =	sdelay $0xb  }
0x194: {  	s3 =	simm.s32 $0x9180;
	v16 =	vld [tilespmem:s2+$0x0]  }
.Ltmp24:
0x195: {  	v15 =	vld [tilespmem:s3+$0x0];
	(pc) =	sbr.rel @!p2 .LBB2_38-.Ltmp24, $4  }
0x196: {  	_ = 	snop  }
0x197: {  	s1 =	spop (v2sf)  }
0x198: {  	s1 =	sxor.u32 $0x80000000, s1  }
0x199: {  	s5 =	sadd.s32 $0xFFFFFFFF, s0;
	v14 =	vmov s1  }
.LBB2_37:
0x19a: {  	p2 =	sne.s32 s5, $0x1;
	_ =	sdelay $0x3  }
0x19b: {  	vm1 =	veq.f32 v15, v13;
	vm2 =	veq.s32 v16, v14  }
.Ltmp25:
0x19c: {  	vm1 =	vmand vm1, vm2;
	(pc) =	sbr.rel @p2 .LBB2_37-.Ltmp25, $4  }
0x19d: {  	v15 =	vsel vm1, $0xFF800000, v15  }
0x19e: {  	[tilespmem:s3+$0x0] =	vst v15;
	s3 =	sadd.s32 $0x10, s3  }
0x19f: {  	s2 =	sadd.s32 $0x10, s2;
	v15 =	vld [tilespmem:s3+$0x0]  }
0x1a0: {  	s5 =	sadd.s32 $0xFFFFFFFF, s5;
	v16 =	vld [tilespmem:s2+$0x0]  }
.Ltmp26:
0x1a1: {  	_ = 	snop;
	(pc) =	sbr.rel .LBB2_38-.Ltmp26, $1  }
0x1a2: {  	_ =	sdelay $0x3  }
.LBB2_40:
0x1a3: {  	v13 =	vld [tilespmem:$0xA280]  }
0x1a4: {  	v14 =	vld [tilespmem:$0xA290]  }
0x1a5: {  	v15 =	vld [tilespmem:$0xA2A0]  }
0x1a6: {  	v16 =	vld [tilespmem:$0xA2B0];
	_ =	sdelay $0x4  }
0x1a7: {  	v17 =	vmax.f32 v13, v14;
	v18 =	vmax.f32 v15, v16  }
0x1a8: {  	v17 =	vmax.f32 v17, v18  }
0x1a9: {  	(xrf0) =	vmax.scan.msk.f32 $0xffff, v17;
	_ =	sdelay $0x5  }
0x1aa: {  	v17, _, _ =	vpop (xrf0)  }
0x1ab: {  	v17 =	vbroadcast v17, $0xF;
	_ =	sdelay $0x1  }
0x1ac: {  	v13 =	vsub.f32 v13, v17  }
0x1ad: {  	v14 =	vsub.f32 v14, v17  }
0x1ae: {  	v13 =	vmul.f32 $1.442695020e+00, v13  }
0x1af: {  	v15 =	vsub.f32 v15, v17;
	v14 =	vmul.f32 $1.442695020e+00, v14  }
0x1b0: {  	(erf) = vpow2.f32 v13  }
0x1b1: {  	v13 =	vmul.f32 $1.442695020e+00, v15;
	(erf) = vpow2.f32 v14;
	v14 =	vsub.f32 v16, v17;
	_ =	sdelay $0x1  }
0x1b2: {  	(erf) = vpow2.f32 v13;
	v13 =	vmul.f32 $1.442695020e+00, v14;
	_ =	sdelay $0x1  }
0x1b3: {  	(erf) = vpow2.f32 v13;
	_ =	sdelay $0x3  }
0x1b4: {  	v13 =	vpop (erf)  }
0x1b5: {  	v14 =	vpop (erf)  }
0x1b6: {  	v15 =	vadd.f32 v14, v13  }
0x1b7: {  	v62 =	vpop (erf)  }
0x1b8: {  	v15 =	vadd.f32 v15, v62  }
0x1b9: {  	v63 =	vpop (erf)  }
0x1ba: {  	v15 =	vadd.f32 v15, v63;
	_ =	sdelay $0x1  }
0x1bb: {  	(xrf2) =	vadd.scan.msk.f32 $0xffff, v15;
	_ =	sdelay $0x9  }
0x1bc: {  	v15, _, _ =	vpop (xrf2)  }
0x1bd: {  	v15 =	vbroadcast v15, $0xF;
	_ =	sdelay $0x1  }
0x1be: {  	(erf) = vrcp.f32 v15;
	_ =	sdelay $0x8  }
0x1bf: {  	v15 =	vpop (erf)  }
0x1c0: {  	v13 =	vmul.f32 v15, v13  }
0x1c1: {  	v14 =	vmul.f32 v15, v14  }
0x1c2: {  	[tilespmem:$0xA380] =	vst v13;
	v13 =	vmul.f32 v15, v62  }
0x1c3: {  	[tilespmem:$0xA390] =	vst v14;
	v14 =	vmul.f32 v15, v63  }
0x1c4: {  	[tilespmem:$0xA3A0] =	vst v13  }
0x1c5: {  	s0 =	simm.s32 $0x0;
	s1 =	simm.s32 $0x200;
	[tilespmem:$0xA3B0] =	vst v14  }
.LBB2_41:
0x1c6: {  	p1 =	sne.s32 s1, $0x1E00;
	[tilespmem:s0+$0x1A470] =	vst v9  }
0x1c7: {  	[tilespmem:s0+$0x1A400] =	vst v9  }
0x1c8: {  	[tilespmem:s0+$0x1A410] =	vst v9  }
.Ltmp27:
0x1c9: {  	[tilespmem:s0+$0x1A420] =	vst v9;
	(pc) =	sbr.rel @p1 .LBB2_41-.Ltmp27, $4  }
0x1ca: {  	[tilespmem:s0+$0x1A430] =	vst v9  }
0x1cb: {  	[tilespmem:s0+$0x1A440] =	vst v9  }
0x1cc: {  	[tilespmem:s0+$0x1A450] =	vst v9  }
0x1cd: {  	[tilespmem:s0+$0x1A460] =	vst v9;
	s0 =	sshra.s32 s1, $0x2;
	s1 =	sadd.s32 $0x200, s1  }
0x1ce: {  	[tilespmem:s0+$0x1A470] =	vst v9  }
0x1cf: {  	[tilespmem:s0+$0x1A400] =	vst v9  }
0x1d0: {  	[tilespmem:s0+$0x1A410] =	vst v9  }
0x1d1: {  	[tilespmem:s0+$0x1A420] =	vst v9  }
0x1d2: {  	[tilespmem:s0+$0x1A430] =	vst v9  }
0x1d3: {  	[tilespmem:s0+$0x1A440] =	vst v9  }
0x1d4: {  	[tilespmem:s0+$0x1A450] =	vst v9  }
0x1d5: {  	[tilespmem:s0+$0x1A460] =	vst v9  }
0x1d6: {  	v13 =	vld [tilespmem:$0xA300];
	_ =	sdelay $0x4  }
0x1d7: {  	v14 =	vshll.u32 v13, $0x4  }
0x1d8: {  	v13 =	vand.u32 $0x7, v13;
	v14 =	vand.u32 $0xFFFFFF80, v14  }
0x1d9: {  	v13 =	vor.u32 v13, v14  }
0x1da: {  	v14 =	vperm.xlane v13, v10;
	_ =	sdelay $0x1  }
0x1db: {  	v14 =	vadd.s32 v11, v14;
	_ =	sdelay $0x3  }
0x1dc: {  	s0 =	simm.s32 $0x0  }
0x1dd: {  	[tilespmem:s21], [sflag:$0x3] =	stream.indirect_vreg.gather [hbm4b:s6+s0], $0x80, v14, vm0, $0xb8;
	[tilespmem:$0x1CC00] =	vst v63  }
0x1de: {  	s1 =	simm.s32 $0xAC00  }
0x1df: {  	[tilespmem:s1], [sflag:$0x3] =	stream.indirect_vreg.gather [hbm4b:s7+s0], $0x80, v14, vm0, $0xb8;
	[tilespmem:$0x1CC00] =	vst v63  }
0x1e0: {  	s28 =	simm.s32 $0xB400  }
0x1e1: {  	[tilespmem:s28], [sflag:$0x3] =	stream.indirect_vreg.gather [hbm4b:s8+s0], $0x80, v14, vm0, $0xb8;
	[tilespmem:$0x1CC00] =	vst v63  }
0x1e2: {  	s2 =	simm.s32 $0xBC00  }
0x1e3: {  	[tilespmem:s2], [sflag:$0x3] =	stream.indirect_vreg.gather [hbm4b:s9+s0], $0x80, v14, vm0, $0xb8;
	[tilespmem:$0x1CC00] =	vst v63  }
0x1e4: {  	s3 =	simm.s32 $0xC400  }
0x1e5: {  	[tilespmem:s3], [sflag:$0x3] =	stream.indirect_vreg.gather [hbm4b:s10+s0], $0x80, v14, vm0, $0xb8;
	[tilespmem:$0x1CC00] =	vst v63  }
0x1e6: {  	s5 =	simm.s32 $0xCC00;
	v13 =	vperm.xlane v13, v12  }
0x1e7: {  	[tilespmem:s5], [sflag:$0x3] =	stream.indirect_vreg.gather [hbm4b:s11+s0], $0x80, v14, vm0, $0xb8;
	[tilespmem:$0x1CC00] =	vst v63  }
0x1e8: {  	s14 =	simm.s32 $0xD400;
	v13 =	vadd.s32 v11, v13  }
0x1e9: {  	[tilespmem:s14], [sflag:$0x3] =	stream.indirect_vreg.gather [hbm4b:s12+s0], $0x80, v14, vm0, $0xb8;
	[tilespmem:$0x1CC00] =	vst v63  }
0x1ea: {  	s26 =	simm.s32 $0xDC00  }
0x1eb: {  	[tilespmem:s26], [sflag:$0x3] =	stream.indirect_vreg.gather [hbm4b:s13+s0], $0x80, v14, vm0, $0xb8;
	[tilespmem:$0x1CC00] =	vst v63  }
0x1ec: {  	s28 =	simm.s32 $0xE400  }
0x1ed: {  	[tilespmem:s28], [sflag:$0x3] =	stream.indirect_vreg.gather [hbm4b:s6+s0], $0x80, v13, vm0, $0xb8;
	[tilespmem:$0x1CC00] =	vst v63  }
0x1ee: {  	s2 =	simm.s32 $0xEC00  }
0x1ef: {  	[tilespmem:s2], [sflag:$0x3] =	stream.indirect_vreg.gather [hbm4b:s7+s0], $0x80, v13, vm0, $0xb8;
	[tilespmem:$0x1CC00] =	vst v63  }
0x1f0: {  	s3 =	simm.s32 $0xF400  }
0x1f1: {  	[tilespmem:s3], [sflag:$0x3] =	stream.indirect_vreg.gather [hbm4b:s8+s0], $0x80, v13, vm0, $0xb8;
	[tilespmem:$0x1CC00] =	vst v63  }
0x1f2: {  	s5 =	simm.s32 $0xFC00  }
0x1f3: {  	[tilespmem:s5], [sflag:$0x3] =	stream.indirect_vreg.gather [hbm4b:s9+s0], $0x80, v13, vm0, $0xb8;
	[tilespmem:$0x1CC00] =	vst v63  }
0x1f4: {  	s14 =	simm.s32 $0x10400  }
0x1f5: {  	[tilespmem:s14], [sflag:$0x3] =	stream.indirect_vreg.gather [hbm4b:s10+s0], $0x80, v13, vm0, $0xb8;
	[tilespmem:$0x1CC00] =	vst v63  }
0x1f6: {  	s26 =	simm.s32 $0x10C00  }
0x1f7: {  	[tilespmem:s26], [sflag:$0x3] =	stream.indirect_vreg.gather [hbm4b:s11+s0], $0x80, v13, vm0, $0xb8;
	[tilespmem:$0x1CC00] =	vst v63  }
0x1f8: {  	s28 =	simm.s32 $0x11400  }
0x1f9: {  	[tilespmem:s28], [sflag:$0x3] =	stream.indirect_vreg.gather [hbm4b:s12+s0], $0x80, v13, vm0, $0xb8;
	[tilespmem:$0x1CC00] =	vst v63  }
0x1fa: {  	s2 =	simm.s32 $0x11C00  }
0x1fb: {  	[tilespmem:s2], [sflag:$0x3] =	stream.indirect_vreg.gather [hbm4b:s13+s0], $0x80, v13, vm0, $0xb8;
	[tilespmem:$0x1CC00] =	vst v63  }
0x1fc: {  	v13 =	vld [tilespmem:$0xA310];
	_ =	sdelay $0x4  }
0x1fd: {  	v14 =	vshll.u32 v13, $0x4  }
0x1fe: {  	v13 =	vand.u32 $0x7, v13;
	v14 =	vand.u32 $0xFFFFFF80, v14  }
0x1ff: {  	v13 =	vor.u32 v13, v14  }
0x200: {  	v14 =	vperm.xlane v13, v10;
	_ =	sdelay $0x1  }
0x201: {  	v14 =	vadd.s32 v11, v14;
	_ =	sdelay $0x4  }
0x202: {  	[tilespmem:s23], [sflag:$0x4] =	stream.indirect_vreg.gather [hbm4b:s6+s0], $0x80, v14, vm0, $0xb8;
	[tilespmem:$0x1CC00] =	vst v63  }
0x203: {  	_ = 	snop  }
0x204: {  	[tilespmem:s24], [sflag:$0x4] =	stream.indirect_vreg.gather [hbm4b:s7+s0], $0x80, v14, vm0, $0xb8;
	[tilespmem:$0x1CC00] =	vst v63  }
0x205: {  	_ = 	snop  }
0x206: {  	[tilespmem:s25], [sflag:$0x4] =	stream.indirect_vreg.gather [hbm4b:s8+s0], $0x80, v14, vm0, $0xb8;
	[tilespmem:$0x1CC00] =	vst v63  }
0x207: {  	_ = 	snop  }
0x208: {  	[tilespmem:s29], [sflag:$0x4] =	stream.indirect_vreg.gather [hbm4b:s9+s0], $0x80, v14, vm0, $0xb8;
	[tilespmem:$0x1CC00] =	vst v63  }
0x209: {  	_ = 	snop  }
0x20a: {  	[tilespmem:s30], [sflag:$0x4] =	stream.indirect_vreg.gather [hbm4b:s10+s0], $0x80, v14, vm0, $0xb8;
	[tilespmem:$0x1CC00] =	vst v63  }
0x20b: {  	v13 =	vperm.xlane v13, v12  }
0x20c: {  	[tilespmem:s31], [sflag:$0x4] =	stream.indirect_vreg.gather [hbm4b:s11+s0], $0x80, v14, vm0, $0xb8;
	[tilespmem:$0x1CC00] =	vst v63  }
0x20d: {  	s3 =	simm.s32 $0x15400;
	v13 =	vadd.s32 v11, v13  }
0x20e: {  	[tilespmem:s3], [sflag:$0x4] =	stream.indirect_vreg.gather [hbm4b:s12+s0], $0x80, v14, vm0, $0xb8;
	[tilespmem:$0x1CC00] =	vst v63  }
0x20f: {  	s5 =	simm.s32 $0x15C00  }
0x210: {  	[tilespmem:s5], [sflag:$0x4] =	stream.indirect_vreg.gather [hbm4b:s13+s0], $0x80, v14, vm0, $0xb8;
	[tilespmem:$0x1CC00] =	vst v63  }
0x211: {  	s14 =	simm.s32 $0x16400  }
0x212: {  	[tilespmem:s14], [sflag:$0x4] =	stream.indirect_vreg.gather [hbm4b:s6+s0], $0x80, v13, vm0, $0xb8;
	[tilespmem:$0x1CC00] =	vst v63  }
0x213: {  	s26 =	simm.s32 $0x16C00  }
0x214: {  	[tilespmem:s26], [sflag:$0x4] =	stream.indirect_vreg.gather [hbm4b:s7+s0], $0x80, v13, vm0, $0xb8;
	[tilespmem:$0x1CC00] =	vst v63  }
0x215: {  	s28 =	simm.s32 $0x17400  }
0x216: {  	[tilespmem:s28], [sflag:$0x4] =	stream.indirect_vreg.gather [hbm4b:s8+s0], $0x80, v13, vm0, $0xb8;
	[tilespmem:$0x1CC00] =	vst v63  }
0x217: {  	s2 =	simm.s32 $0x17C00  }
0x218: {  	[tilespmem:s2], [sflag:$0x4] =	stream.indirect_vreg.gather [hbm4b:s9+s0], $0x80, v13, vm0, $0xb8;
	[tilespmem:$0x1CC00] =	vst v63  }
0x219: {  	s3 =	simm.s32 $0x18400  }
0x21a: {  	[tilespmem:s3], [sflag:$0x4] =	stream.indirect_vreg.gather [hbm4b:s10+s0], $0x80, v13, vm0, $0xb8;
	[tilespmem:$0x1CC00] =	vst v63  }
0x21b: {  	s5 =	simm.s32 $0x18C00  }
0x21c: {  	[tilespmem:s5], [sflag:$0x4] =	stream.indirect_vreg.gather [hbm4b:s11+s0], $0x80, v13, vm0, $0xb8;
	[tilespmem:$0x1CC00] =	vst v63  }
0x21d: {  	s14 =	simm.s32 $0x19400  }
0x21e: {  	[tilespmem:s14], [sflag:$0x4] =	stream.indirect_vreg.gather [hbm4b:s12+s0], $0x80, v13, vm0, $0xb8;
	[tilespmem:$0x1CC00] =	vst v63  }
0x21f: {  	s26 =	simm.s32 $0x19C00;
	s28 =	simm.s32 $0x3  }
0x220: {  	[tilespmem:s26], [sflag:$0x4] =	stream.indirect_vreg.gather [hbm4b:s13+s0], $0x80, v13, vm0, $0xb8;
	[tilespmem:$0x1CC00] =	vst v63  }
0x221: {  	_ =	swait.ge [sflag:s28], $0x8000  }
0x222: {  	[sflag:s28] =	ssyncset.done $0x0  }
0x223: {  	s2 =	simm.s32 $0x0;
	s3 =	simm.s32 $0x0;
	[sflag:s28] =	ssyncadd.s32 $0xFFFF8000  }
.LBB2_43:
0x224: {  	v13 =	vmov s3  }
0x225: {  	s1 =	sshll.u32 s2, $0x2;
	s5 =	sand.u32 $0x7, s0  }
0x226: {  	s1 =	sand.u32 $0xFFFF0000, s1;
	s5 =	sshll.u32 s5, $0x9  }
0x227: {  	s1 =	sor.u32 s5, s1  }
0x228: {  	s1 =	sshrl.u32 s1, $0x2  }
0x229: {  	s5 =	sadd.s32 $0xA440, s1;
	v13 =	vld.idx.msk [tilespmem:v13+s22+$0x0], $0xffff  }
0x22a: {  	s26 =	simm.s32 $0x200;
	s14 =	simm.s32 $0x0;
	v14 =	vld [tilespmem:s5+$0xFFFFFFC0]  }
.LBB2_44:
0x22b: {  	p1 =	sne.s32 s26, $0x1E00;
	_ =	sdelay $0x3  }
0x22c: {  	v14 =	vmul.f32 v14, v13  }
0x22d: {  	s28 =	sshra.s32 s14, $0x2;
	s14 =	smov.u32 s26  }
0x22e: {  	[tilespmem:s28+$0x1A400] =	vst.add.f32.msk $0xffff, v14  }
0x22f: {  	v14 =	vld [tilespmem:s5+$0xFFFFFFD0];
	_ =	sdelay $0x4  }
0x230: {  	v14 =	vmul.f32 v14, v13;
	_ =	sdelay $0x1  }
0x231: {  	[tilespmem:s28+$0x1A410] =	vst.add.f32.msk $0xffff, v14  }
0x232: {  	v14 =	vld [tilespmem:s5+$0xFFFFFFE0];
	_ =	sdelay $0x4  }
0x233: {  	v14 =	vmul.f32 v14, v13;
	_ =	sdelay $0x1  }
0x234: {  	[tilespmem:s28+$0x1A420] =	vst.add.f32.msk $0xffff, v14  }
0x235: {  	v14 =	vld [tilespmem:s5+$0xFFFFFFF0];
	_ =	sdelay $0x4  }
0x236: {  	v14 =	vmul.f32 v14, v13;
	_ =	sdelay $0x1  }
0x237: {  	[tilespmem:s28+$0x1A430] =	vst.add.f32.msk $0xffff, v14  }
0x238: {  	v14 =	vld [tilespmem:s5+$0x0];
	_ =	sdelay $0x4  }
0x239: {  	v14 =	vmul.f32 v14, v13;
	_ =	sdelay $0x1  }
0x23a: {  	[tilespmem:s28+$0x1A440] =	vst.add.f32.msk $0xffff, v14  }
0x23b: {  	v14 =	vld [tilespmem:s5+$0x10];
	_ =	sdelay $0x4  }
0x23c: {  	v14 =	vmul.f32 v14, v13;
	_ =	sdelay $0x1  }
0x23d: {  	[tilespmem:s28+$0x1A450] =	vst.add.f32.msk $0xffff, v14  }
0x23e: {  	v14 =	vld [tilespmem:s5+$0x20];
	_ =	sdelay $0x4  }
0x23f: {  	v14 =	vmul.f32 v14, v13;
	_ =	sdelay $0x1  }
0x240: {  	[tilespmem:s28+$0x1A460] =	vst.add.f32.msk $0xffff, v14  }
0x241: {  	v14 =	vld [tilespmem:s5+$0x30];
	_ =	sdelay $0x3  }
.Ltmp28:
0x242: {  	(pc) =	sbr.rel @p1 .LBB2_44-.Ltmp28, $3  }
0x243: {  	v14 =	vmul.f32 v14, v13;
	_ =	sdelay $0x1  }
0x244: {  	s5 =	sadd.s32 $0x400, s5;
	[tilespmem:s28+$0x1A470] =	vst.add.f32.msk $0xffff, v14  }
0x245: {  	s26 =	sadd.s32 $0x200, s26;
	v14 =	vld [tilespmem:s5+$0xFFFFFFC0]  }
0x246: {  	_ =	sdelay $0x3  }
0x247: {  	v14 =	vmul.f32 v14, v13  }
0x248: {  	s1 =	sshra.s32 s14, $0x2  }
0x249: {  	[tilespmem:s1+$0x1A400] =	vst.add.f32.msk $0xffff, v14  }
0x24a: {  	v14 =	vld [tilespmem:s5+$0xFFFFFFD0];
	_ =	sdelay $0x4  }
0x24b: {  	v14 =	vmul.f32 v14, v13;
	_ =	sdelay $0x1  }
0x24c: {  	[tilespmem:s1+$0x1A410] =	vst.add.f32.msk $0xffff, v14  }
0x24d: {  	v14 =	vld [tilespmem:s5+$0xFFFFFFE0];
	_ =	sdelay $0x4  }
0x24e: {  	v14 =	vmul.f32 v14, v13;
	_ =	sdelay $0x1  }
0x24f: {  	[tilespmem:s1+$0x1A420] =	vst.add.f32.msk $0xffff, v14  }
0x250: {  	v14 =	vld [tilespmem:s5+$0xFFFFFFF0];
	_ =	sdelay $0x4  }
0x251: {  	v14 =	vmul.f32 v14, v13;
	_ =	sdelay $0x1  }
0x252: {  	[tilespmem:s1+$0x1A430] =	vst.add.f32.msk $0xffff, v14  }
0x253: {  	v14 =	vld [tilespmem:s5+$0x0];
	_ =	sdelay $0x4  }
0x254: {  	v14 =	vmul.f32 v14, v13;
	_ =	sdelay $0x1  }
0x255: {  	[tilespmem:s1+$0x1A440] =	vst.add.f32.msk $0xffff, v14  }
0x256: {  	v14 =	vld [tilespmem:s5+$0x10];
	_ =	sdelay $0x4  }
0x257: {  	v14 =	vmul.f32 v14, v13;
	_ =	sdelay $0x1  }
0x258: {  	[tilespmem:s1+$0x1A450] =	vst.add.f32.msk $0xffff, v14  }
0x259: {  	v14 =	vld [tilespmem:s5+$0x20];
	_ =	sdelay $0x4  }
0x25a: {  	v14 =	vmul.f32 v14, v13;
	_ =	sdelay $0x1  }
0x25b: {  	[tilespmem:s1+$0x1A460] =	vst.add.f32.msk $0xffff, v14  }
0x25c: {  	v14 =	vld [tilespmem:s5+$0x30]  }
0x25d: {  	s3 =	sadd.s32 $0x1, s3  }
0x25e: {  	p1 =	sne.s32 s3, $0x10  }
.Ltmp29:
0x25f: {  	_ = 	snop;
	(pc) =	sbr.rel @p1 .LBB2_43-.Ltmp29, $3  }
0x260: {  	_ = 	snop  }
0x261: {  	v13 =	vmul.f32 v14, v13;
	_ =	sdelay $0x1  }
0x262: {  	s2 =	sadd.s32 $0x800, s2;
	s0 =	sadd.s32 $0x1, s0;
	[tilespmem:s1+$0x1A470] =	vst.add.f32.msk $0xffff, v13  }
0x263: {  	v13 =	vld [tilespmem:$0xA320];
	_ =	sdelay $0x4  }
0x264: {  	v14 =	vshll.u32 v13, $0x4  }
0x265: {  	v13 =	vand.u32 $0x7, v13;
	v14 =	vand.u32 $0xFFFFFF80, v14  }
0x266: {  	v13 =	vor.u32 v13, v14  }
0x267: {  	v14 =	vperm.xlane v13, v10;
	_ =	sdelay $0x1  }
0x268: {  	v14 =	vadd.s32 v11, v14;
	_ =	sdelay $0x3  }
0x269: {  	s0 =	simm.s32 $0x0  }
0x26a: {  	[tilespmem:s21], [sflag:$0x3] =	stream.indirect_vreg.gather [hbm4b:s6+s0], $0x80, v14, vm0, $0xb8;
	[tilespmem:$0x1CC00] =	vst v63  }
0x26b: {  	s1 =	simm.s32 $0xAC00  }
0x26c: {  	[tilespmem:s1], [sflag:$0x3] =	stream.indirect_vreg.gather [hbm4b:s7+s0], $0x80, v14, vm0, $0xb8;
	[tilespmem:$0x1CC00] =	vst v63  }
0x26d: {  	s2 =	simm.s32 $0xB400  }
0x26e: {  	[tilespmem:s2], [sflag:$0x3] =	stream.indirect_vreg.gather [hbm4b:s8+s0], $0x80, v14, vm0, $0xb8;
	[tilespmem:$0x1CC00] =	vst v63  }
0x26f: {  	s3 =	simm.s32 $0xBC00  }
0x270: {  	[tilespmem:s3], [sflag:$0x3] =	stream.indirect_vreg.gather [hbm4b:s9+s0], $0x80, v14, vm0, $0xb8;
	[tilespmem:$0x1CC00] =	vst v63  }
0x271: {  	s5 =	simm.s32 $0xC400  }
0x272: {  	[tilespmem:s5], [sflag:$0x3] =	stream.indirect_vreg.gather [hbm4b:s10+s0], $0x80, v14, vm0, $0xb8;
	[tilespmem:$0x1CC00] =	vst v63  }
0x273: {  	s14 =	simm.s32 $0xCC00;
	v13 =	vperm.xlane v13, v12  }
0x274: {  	[tilespmem:s14], [sflag:$0x3] =	stream.indirect_vreg.gather [hbm4b:s11+s0], $0x80, v14, vm0, $0xb8;
	[tilespmem:$0x1CC00] =	vst v63  }
0x275: {  	v13 =	vadd.s32 v11, v13;
	s21 =	simm.s32 $0xD400  }
0x276: {  	[tilespmem:s21], [sflag:$0x3] =	stream.indirect_vreg.gather [hbm4b:s12+s0], $0x80, v14, vm0, $0xb8;
	[tilespmem:$0x1CC00] =	vst v63  }
0x277: {  	s26 =	simm.s32 $0xDC00  }
0x278: {  	[tilespmem:s26], [sflag:$0x3] =	stream.indirect_vreg.gather [hbm4b:s13+s0], $0x80, v14, vm0, $0xb8;
	[tilespmem:$0x1CC00] =	vst v63  }
0x279: {  	s28 =	simm.s32 $0xE400  }
0x27a: {  	[tilespmem:s28], [sflag:$0x3] =	stream.indirect_vreg.gather [hbm4b:s6+s0], $0x80, v13, vm0, $0xb8;
	[tilespmem:$0x1CC00] =	vst v63  }
0x27b: {  	s2 =	simm.s32 $0xEC00  }
0x27c: {  	[tilespmem:s2], [sflag:$0x3] =	stream.indirect_vreg.gather [hbm4b:s7+s0], $0x80, v13, vm0, $0xb8;
	[tilespmem:$0x1CC00] =	vst v63  }
0x27d: {  	s3 =	simm.s32 $0xF400  }
0x27e: {  	[tilespmem:s3], [sflag:$0x3] =	stream.indirect_vreg.gather [hbm4b:s8+s0], $0x80, v13, vm0, $0xb8;
	[tilespmem:$0x1CC00] =	vst v63  }
0x27f: {  	s5 =	simm.s32 $0xFC00  }
0x280: {  	[tilespmem:s5], [sflag:$0x3] =	stream.indirect_vreg.gather [hbm4b:s9+s0], $0x80, v13, vm0, $0xb8;
	[tilespmem:$0x1CC00] =	vst v63  }
0x281: {  	s14 =	simm.s32 $0x10400  }
0x282: {  	[tilespmem:s14], [sflag:$0x3] =	stream.indirect_vreg.gather [hbm4b:s10+s0], $0x80, v13, vm0, $0xb8;
	[tilespmem:$0x1CC00] =	vst v63  }
0x283: {  	s21 =	simm.s32 $0x10C00  }
0x284: {  	[tilespmem:s21], [sflag:$0x3] =	stream.indirect_vreg.gather [hbm4b:s11+s0], $0x80, v13, vm0, $0xb8;
	[tilespmem:$0x1CC00] =	vst v63  }
0x285: {  	s26 =	simm.s32 $0x11400  }
0x286: {  	[tilespmem:s26], [sflag:$0x3] =	stream.indirect_vreg.gather [hbm4b:s12+s0], $0x80, v13, vm0, $0xb8;
	[tilespmem:$0x1CC00] =	vst v63  }
0x287: {  	s28 =	simm.s32 $0x11C00;
	s21 =	simm.s32 $0x4  }
0x288: {  	[tilespmem:s28], [sflag:$0x3] =	stream.indirect_vreg.gather [hbm4b:s13+s0], $0x80, v13, vm0, $0xb8;
	[tilespmem:$0x1CC00] =	vst v63  }
0x289: {  	_ =	swait.ge [sflag:s21], $0x8000  }
0x28a: {  	[sflag:s21] =	ssyncset.done $0x0  }
0x28b: {  	s2 =	simm.s32 $0x0;
	s3 =	simm.s32 $0x0;
	[sflag:s21] =	ssyncadd.s32 $0xFFFF8000  }
.LBB2_47:
0x28c: {  	s1 =	sor.u32 $0x10, s3;
	s28 =	sshll.u32 s2, $0x2;
	s5 =	sand.u32 $0x7, s0  }
0x28d: {  	v13 =	vmov s1;
	s1 =	sand.u32 $0xFFFF0000, s28;
	s5 =	sshll.u32 s5, $0x9  }
0x28e: {  	s1 =	sor.u32 s5, s1  }
0x28f: {  	s1 =	sshrl.u32 s1, $0x2  }
0x290: {  	s5 =	sadd.s32 $0x12440, s1  }
0x291: {  	v14 =	vld [tilespmem:s5+$0xFFFFFFC0]  }
0x292: {  	s26 =	simm.s32 $0x200;
	s14 =	simm.s32 $0x0;
	v13 =	vld.idx.msk [tilespmem:v13+s22+$0x0], $0xffff  }
.LBB2_48:
0x293: {  	p1 =	sne.s32 s26, $0x1E00;
	_ =	sdelay $0x3  }
0x294: {  	v14 =	vmul.f32 v14, v13  }
0x295: {  	s28 =	sshra.s32 s14, $0x2;
	s14 =	smov.u32 s26  }
0x296: {  	[tilespmem:s28+$0x1A400] =	vst.add.f32.msk $0xffff, v14  }
0x297: {  	v14 =	vld [tilespmem:s5+$0xFFFFFFD0];
	_ =	sdelay $0x4  }
0x298: {  	v14 =	vmul.f32 v14, v13;
	_ =	sdelay $0x1  }
0x299: {  	[tilespmem:s28+$0x1A410] =	vst.add.f32.msk $0xffff, v14  }
0x29a: {  	v14 =	vld [tilespmem:s5+$0xFFFFFFE0];
	_ =	sdelay $0x4  }
0x29b: {  	v14 =	vmul.f32 v14, v13;
	_ =	sdelay $0x1  }
0x29c: {  	[tilespmem:s28+$0x1A420] =	vst.add.f32.msk $0xffff, v14  }
0x29d: {  	v14 =	vld [tilespmem:s5+$0xFFFFFFF0];
	_ =	sdelay $0x4  }
0x29e: {  	v14 =	vmul.f32 v14, v13;
	_ =	sdelay $0x1  }
0x29f: {  	[tilespmem:s28+$0x1A430] =	vst.add.f32.msk $0xffff, v14  }
0x2a0: {  	v14 =	vld [tilespmem:s5+$0x0];
	_ =	sdelay $0x4  }
0x2a1: {  	v14 =	vmul.f32 v14, v13;
	_ =	sdelay $0x1  }
0x2a2: {  	[tilespmem:s28+$0x1A440] =	vst.add.f32.msk $0xffff, v14  }
0x2a3: {  	v14 =	vld [tilespmem:s5+$0x10];
	_ =	sdelay $0x4  }
0x2a4: {  	v14 =	vmul.f32 v14, v13;
	_ =	sdelay $0x1  }
0x2a5: {  	[tilespmem:s28+$0x1A450] =	vst.add.f32.msk $0xffff, v14  }
0x2a6: {  	v14 =	vld [tilespmem:s5+$0x20];
	_ =	sdelay $0x4  }
0x2a7: {  	v14 =	vmul.f32 v14, v13;
	_ =	sdelay $0x1  }
0x2a8: {  	[tilespmem:s28+$0x1A460] =	vst.add.f32.msk $0xffff, v14  }
0x2a9: {  	v14 =	vld [tilespmem:s5+$0x30];
	_ =	sdelay $0x3  }
.Ltmp30:
0x2aa: {  	(pc) =	sbr.rel @p1 .LBB2_48-.Ltmp30, $3  }
0x2ab: {  	v14 =	vmul.f32 v14, v13;
	_ =	sdelay $0x1  }
0x2ac: {  	s5 =	sadd.s32 $0x400, s5;
	[tilespmem:s28+$0x1A470] =	vst.add.f32.msk $0xffff, v14  }
0x2ad: {  	s26 =	sadd.s32 $0x200, s26;
	v14 =	vld [tilespmem:s5+$0xFFFFFFC0]  }
0x2ae: {  	_ =	sdelay $0x3  }
0x2af: {  	v14 =	vmul.f32 v14, v13  }
0x2b0: {  	s1 =	sshra.s32 s14, $0x2  }
0x2b1: {  	[tilespmem:s1+$0x1A400] =	vst.add.f32.msk $0xffff, v14  }
0x2b2: {  	v14 =	vld [tilespmem:s5+$0xFFFFFFD0];
	_ =	sdelay $0x4  }
0x2b3: {  	v14 =	vmul.f32 v14, v13;
	_ =	sdelay $0x1  }
0x2b4: {  	[tilespmem:s1+$0x1A410] =	vst.add.f32.msk $0xffff, v14  }
0x2b5: {  	v14 =	vld [tilespmem:s5+$0xFFFFFFE0];
	_ =	sdelay $0x4  }
0x2b6: {  	v14 =	vmul.f32 v14, v13;
	_ =	sdelay $0x1  }
0x2b7: {  	[tilespmem:s1+$0x1A420] =	vst.add.f32.msk $0xffff, v14  }
0x2b8: {  	v14 =	vld [tilespmem:s5+$0xFFFFFFF0];
	_ =	sdelay $0x4  }
0x2b9: {  	v14 =	vmul.f32 v14, v13;
	_ =	sdelay $0x1  }
0x2ba: {  	[tilespmem:s1+$0x1A430] =	vst.add.f32.msk $0xffff, v14  }
0x2bb: {  	v14 =	vld [tilespmem:s5+$0x0];
	_ =	sdelay $0x4  }
0x2bc: {  	v14 =	vmul.f32 v14, v13;
	_ =	sdelay $0x1  }
0x2bd: {  	[tilespmem:s1+$0x1A440] =	vst.add.f32.msk $0xffff, v14  }
0x2be: {  	v14 =	vld [tilespmem:s5+$0x10];
	_ =	sdelay $0x4  }
0x2bf: {  	v14 =	vmul.f32 v14, v13;
	_ =	sdelay $0x1  }
0x2c0: {  	[tilespmem:s1+$0x1A450] =	vst.add.f32.msk $0xffff, v14  }
0x2c1: {  	v14 =	vld [tilespmem:s5+$0x20];
	_ =	sdelay $0x4  }
0x2c2: {  	v14 =	vmul.f32 v14, v13;
	_ =	sdelay $0x1  }
0x2c3: {  	[tilespmem:s1+$0x1A460] =	vst.add.f32.msk $0xffff, v14  }
0x2c4: {  	v14 =	vld [tilespmem:s5+$0x30]  }
0x2c5: {  	s3 =	sadd.s32 $0x1, s3  }
0x2c6: {  	p1 =	sne.s32 s3, $0x10  }
.Ltmp31:
0x2c7: {  	_ = 	snop;
	(pc) =	sbr.rel @p1 .LBB2_47-.Ltmp31, $3  }
0x2c8: {  	_ = 	snop  }
0x2c9: {  	v13 =	vmul.f32 v14, v13;
	_ =	sdelay $0x1  }
0x2ca: {  	s2 =	sadd.s32 $0x800, s2;
	s0 =	sadd.s32 $0x1, s0;
	[tilespmem:s1+$0x1A470] =	vst.add.f32.msk $0xffff, v13  }
0x2cb: {  	v13 =	vld [tilespmem:$0xA330];
	_ =	sdelay $0x4  }
0x2cc: {  	v14 =	vshll.u32 v13, $0x4  }
0x2cd: {  	v13 =	vand.u32 $0x7, v13;
	v14 =	vand.u32 $0xFFFFFF80, v14  }
0x2ce: {  	v13 =	vor.u32 v13, v14  }
0x2cf: {  	v14 =	vperm.xlane v13, v10;
	_ =	sdelay $0x1  }
0x2d0: {  	v14 =	vadd.s32 v11, v14;
	_ =	sdelay $0x3  }
0x2d1: {  	s0 =	simm.s32 $0x0  }
0x2d2: {  	[tilespmem:s23], [sflag:$0x4] =	stream.indirect_vreg.gather [hbm4b:s6+s0], $0x80, v14, vm0, $0xb8;
	[tilespmem:$0x1CC00] =	vst v63  }
0x2d3: {  	_ = 	snop  }
0x2d4: {  	[tilespmem:s24], [sflag:$0x4] =	stream.indirect_vreg.gather [hbm4b:s7+s0], $0x80, v14, vm0, $0xb8;
	[tilespmem:$0x1CC00] =	vst v63  }
0x2d5: {  	_ = 	snop  }
0x2d6: {  	[tilespmem:s25], [sflag:$0x4] =	stream.indirect_vreg.gather [hbm4b:s8+s0], $0x80, v14, vm0, $0xb8;
	[tilespmem:$0x1CC00] =	vst v63  }
0x2d7: {  	_ = 	snop  }
0x2d8: {  	[tilespmem:s29], [sflag:$0x4] =	stream.indirect_vreg.gather [hbm4b:s9+s0], $0x80, v14, vm0, $0xb8;
	[tilespmem:$0x1CC00] =	vst v63  }
0x2d9: {  	_ = 	snop  }
0x2da: {  	[tilespmem:s30], [sflag:$0x4] =	stream.indirect_vreg.gather [hbm4b:s10+s0], $0x80, v14, vm0, $0xb8;
	[tilespmem:$0x1CC00] =	vst v63  }
0x2db: {  	v13 =	vperm.xlane v13, v12  }
0x2dc: {  	[tilespmem:s31], [sflag:$0x4] =	stream.indirect_vreg.gather [hbm4b:s11+s0], $0x80, v14, vm0, $0xb8;
	[tilespmem:$0x1CC00] =	vst v63  }
0x2dd: {  	s1 =	simm.s32 $0x15400;
	v13 =	vadd.s32 v11, v13  }
0x2de: {  	[tilespmem:s1], [sflag:$0x4] =	stream.indirect_vreg.gather [hbm4b:s12+s0], $0x80, v14, vm0, $0xb8;
	[tilespmem:$0x1CC00] =	vst v63  }
0x2df: {  	s5 =	simm.s32 $0x15C00  }
0x2e0: {  	[tilespmem:s5], [sflag:$0x4] =	stream.indirect_vreg.gather [hbm4b:s13+s0], $0x80, v14, vm0, $0xb8;
	[tilespmem:$0x1CC00] =	vst v63  }
0x2e1: {  	s14 =	simm.s32 $0x16400  }
0x2e2: {  	[tilespmem:s14], [sflag:$0x4] =	stream.indirect_vreg.gather [hbm4b:s6+s0], $0x80, v13, vm0, $0xb8;
	[tilespmem:$0x1CC00] =	vst v63  }
0x2e3: {  	s23 =	simm.s32 $0x16C00  }
0x2e4: {  	[tilespmem:s23], [sflag:$0x4] =	stream.indirect_vreg.gather [hbm4b:s7+s0], $0x80, v13, vm0, $0xb8;
	[tilespmem:$0x1CC00] =	vst v63  }
0x2e5: {  	s24 =	simm.s32 $0x17400  }
0x2e6: {  	[tilespmem:s24], [sflag:$0x4] =	stream.indirect_vreg.gather [hbm4b:s8+s0], $0x80, v13, vm0, $0xb8;
	[tilespmem:$0x1CC00] =	vst v63  }
0x2e7: {  	s25 =	simm.s32 $0x17C00  }
0x2e8: {  	[tilespmem:s25], [sflag:$0x4] =	stream.indirect_vreg.gather [hbm4b:s9+s0], $0x80, v13, vm0, $0xb8;
	[tilespmem:$0x1CC00] =	vst v63  }
0x2e9: {  	s26 =	simm.s32 $0x18400  }
0x2ea: {  	[tilespmem:s26], [sflag:$0x4] =	stream.indirect_vreg.gather [hbm4b:s10+s0], $0x80, v13, vm0, $0xb8;
	[tilespmem:$0x1CC00] =	vst v63  }
0x2eb: {  	s28 =	simm.s32 $0x18C00  }
0x2ec: {  	[tilespmem:s28], [sflag:$0x4] =	stream.indirect_vreg.gather [hbm4b:s11+s0], $0x80, v13, vm0, $0xb8;
	[tilespmem:$0x1CC00] =	vst v63  }
0x2ed: {  	s29 =	simm.s32 $0x19400  }
0x2ee: {  	[tilespmem:s29], [sflag:$0x4] =	stream.indirect_vreg.gather [hbm4b:s12+s0], $0x80, v13, vm0, $0xb8;
	[tilespmem:$0x1CC00] =	vst v63  }
0x2ef: {  	s30 =	simm.s32 $0x19C00;
	s31 =	simm.s32 $0x3  }
0x2f0: {  	[tilespmem:s30], [sflag:$0x4] =	stream.indirect_vreg.gather [hbm4b:s13+s0], $0x80, v13, vm0, $0xb8;
	[tilespmem:$0x1CC00] =	vst v63  }
0x2f1: {  	_ =	swait.ge [sflag:s31], $0x8000  }
0x2f2: {  	[sflag:s31] =	ssyncset.done $0x0  }
0x2f3: {  	s2 =	simm.s32 $0x0;
	s3 =	simm.s32 $0x0;
	[sflag:s31] =	ssyncadd.s32 $0xFFFF8000  }
.LBB2_51:
0x2f4: {  	s1 =	sor.u32 $0x20, s3;
	s31 =	sshll.u32 s2, $0x2;
	s5 =	sand.u32 $0x7, s0  }
0x2f5: {  	v13 =	vmov s1;
	s1 =	sand.u32 $0xFFFF0000, s31;
	s5 =	sshll.u32 s5, $0x9  }
0x2f6: {  	s1 =	sor.u32 s5, s1  }
0x2f7: {  	s1 =	sshrl.u32 s1, $0x2  }
0x2f8: {  	s5 =	sadd.s32 $0xA440, s1  }
0x2f9: {  	v14 =	vld [tilespmem:s5+$0xFFFFFFC0]  }
0x2fa: {  	s26 =	simm.s32 $0x200;
	s14 =	simm.s32 $0x0;
	v13 =	vld.idx.msk [tilespmem:v13+s22+$0x0], $0xffff  }
.LBB2_52:
0x2fb: {  	p1 =	sne.s32 s26, $0x1E00;
	_ =	sdelay $0x3  }
0x2fc: {  	v14 =	vmul.f32 v14, v13  }
0x2fd: {  	s28 =	sshra.s32 s14, $0x2;
	s14 =	smov.u32 s26  }
0x2fe: {  	[tilespmem:s28+$0x1A400] =	vst.add.f32.msk $0xffff, v14  }
0x2ff: {  	v14 =	vld [tilespmem:s5+$0xFFFFFFD0];
	_ =	sdelay $0x4  }
0x300: {  	v14 =	vmul.f32 v14, v13;
	_ =	sdelay $0x1  }
0x301: {  	[tilespmem:s28+$0x1A410] =	vst.add.f32.msk $0xffff, v14  }
0x302: {  	v14 =	vld [tilespmem:s5+$0xFFFFFFE0];
	_ =	sdelay $0x4  }
0x303: {  	v14 =	vmul.f32 v14, v13;
	_ =	sdelay $0x1  }
0x304: {  	[tilespmem:s28+$0x1A420] =	vst.add.f32.msk $0xffff, v14  }
0x305: {  	v14 =	vld [tilespmem:s5+$0xFFFFFFF0];
	_ =	sdelay $0x4  }
0x306: {  	v14 =	vmul.f32 v14, v13;
	_ =	sdelay $0x1  }
0x307: {  	[tilespmem:s28+$0x1A430] =	vst.add.f32.msk $0xffff, v14  }
0x308: {  	v14 =	vld [tilespmem:s5+$0x0];
	_ =	sdelay $0x4  }
0x309: {  	v14 =	vmul.f32 v14, v13;
	_ =	sdelay $0x1  }
0x30a: {  	[tilespmem:s28+$0x1A440] =	vst.add.f32.msk $0xffff, v14  }
0x30b: {  	v14 =	vld [tilespmem:s5+$0x10];
	_ =	sdelay $0x4  }
0x30c: {  	v14 =	vmul.f32 v14, v13;
	_ =	sdelay $0x1  }
0x30d: {  	[tilespmem:s28+$0x1A450] =	vst.add.f32.msk $0xffff, v14  }
0x30e: {  	v14 =	vld [tilespmem:s5+$0x20];
	_ =	sdelay $0x4  }
0x30f: {  	v14 =	vmul.f32 v14, v13;
	_ =	sdelay $0x1  }
0x310: {  	[tilespmem:s28+$0x1A460] =	vst.add.f32.msk $0xffff, v14  }
0x311: {  	v14 =	vld [tilespmem:s5+$0x30];
	_ =	sdelay $0x3  }
.Ltmp32:
0x312: {  	(pc) =	sbr.rel @p1 .LBB2_52-.Ltmp32, $3  }
0x313: {  	v14 =	vmul.f32 v14, v13;
	_ =	sdelay $0x1  }
0x314: {  	s5 =	sadd.s32 $0x400, s5;
	[tilespmem:s28+$0x1A470] =	vst.add.f32.msk $0xffff, v14  }
0x315: {  	s26 =	sadd.s32 $0x200, s26;
	v14 =	vld [tilespmem:s5+$0xFFFFFFC0]  }
0x316: {  	_ =	sdelay $0x3  }
0x317: {  	v14 =	vmul.f32 v14, v13  }
0x318: {  	s1 =	sshra.s32 s14, $0x2  }
0x319: {  	[tilespmem:s1+$0x1A400] =	vst.add.f32.msk $0xffff, v14  }
0x31a: {  	v14 =	vld [tilespmem:s5+$0xFFFFFFD0];
	_ =	sdelay $0x4  }
0x31b: {  	v14 =	vmul.f32 v14, v13;
	_ =	sdelay $0x1  }
0x31c: {  	[tilespmem:s1+$0x1A410] =	vst.add.f32.msk $0xffff, v14  }
0x31d: {  	v14 =	vld [tilespmem:s5+$0xFFFFFFE0];
	_ =	sdelay $0x4  }
0x31e: {  	v14 =	vmul.f32 v14, v13;
	_ =	sdelay $0x1  }
0x31f: {  	[tilespmem:s1+$0x1A420] =	vst.add.f32.msk $0xffff, v14  }
0x320: {  	v14 =	vld [tilespmem:s5+$0xFFFFFFF0];
	_ =	sdelay $0x4  }
0x321: {  	v14 =	vmul.f32 v14, v13;
	_ =	sdelay $0x1  }
0x322: {  	[tilespmem:s1+$0x1A430] =	vst.add.f32.msk $0xffff, v14  }
0x323: {  	v14 =	vld [tilespmem:s5+$0x0];
	_ =	sdelay $0x4  }
0x324: {  	v14 =	vmul.f32 v14, v13;
	_ =	sdelay $0x1  }
0x325: {  	[tilespmem:s1+$0x1A440] =	vst.add.f32.msk $0xffff, v14  }
0x326: {  	v14 =	vld [tilespmem:s5+$0x10];
	_ =	sdelay $0x4  }
0x327: {  	v14 =	vmul.f32 v14, v13;
	_ =	sdelay $0x1  }
0x328: {  	[tilespmem:s1+$0x1A450] =	vst.add.f32.msk $0xffff, v14  }
0x329: {  	v14 =	vld [tilespmem:s5+$0x20];
	_ =	sdelay $0x4  }
0x32a: {  	v14 =	vmul.f32 v14, v13;
	_ =	sdelay $0x1  }
0x32b: {  	[tilespmem:s1+$0x1A460] =	vst.add.f32.msk $0xffff, v14  }
0x32c: {  	v14 =	vld [tilespmem:s5+$0x30]  }
0x32d: {  	s3 =	sadd.s32 $0x1, s3  }
0x32e: {  	p1 =	sne.s32 s3, $0x10  }
.Ltmp33:
0x32f: {  	_ = 	snop;
	(pc) =	sbr.rel @p1 .LBB2_51-.Ltmp33, $3  }
0x330: {  	_ = 	snop  }
0x331: {  	v13 =	vmul.f32 v14, v13;
	_ =	sdelay $0x1  }
0x332: {  	s2 =	sadd.s32 $0x800, s2;
	s0 =	sadd.s32 $0x1, s0;
	[tilespmem:s1+$0x1A470] =	vst.add.f32.msk $0xffff, v13  }
0x333: {  	_ =	swait.ge [sflag:s21], $0x8000  }
0x334: {  	s0 =	simm.s32 $0x0;
	[sflag:s21] =	ssyncset.done $0x0  }
0x335: {  	s2 =	simm.s32 $0x0;
	s3 =	simm.s32 $0x0;
	[sflag:s21] =	ssyncadd.s32 $0xFFFF8000  }
.LBB2_55:
0x336: {  	s1 =	sor.u32 $0x30, s3;
	s31 =	sshll.u32 s2, $0x2;
	s5 =	sand.u32 $0x7, s0  }
0x337: {  	v13 =	vmov s1;
	s1 =	sand.u32 $0xFFFF0000, s31;
	s5 =	sshll.u32 s5, $0x9  }
0x338: {  	s1 =	sor.u32 s5, s1  }
0x339: {  	s1 =	sshrl.u32 s1, $0x2  }
0x33a: {  	s5 =	sadd.s32 $0x12440, s1  }
0x33b: {  	v14 =	vld [tilespmem:s5+$0xFFFFFFC0]  }
0x33c: {  	s26 =	simm.s32 $0x200;
	s14 =	simm.s32 $0x0;
	v13 =	vld.idx.msk [tilespmem:v13+s22+$0x0], $0xffff  }
.LBB2_56:
0x33d: {  	p1 =	sne.s32 s26, $0x1E00;
	_ =	sdelay $0x3  }
0x33e: {  	v14 =	vmul.f32 v14, v13  }
0x33f: {  	s28 =	sshra.s32 s14, $0x2;
	s14 =	smov.u32 s26  }
0x340: {  	[tilespmem:s28+$0x1A400] =	vst.add.f32.msk $0xffff, v14  }
0x341: {  	v14 =	vld [tilespmem:s5+$0xFFFFFFD0];
	_ =	sdelay $0x4  }
0x342: {  	v14 =	vmul.f32 v14, v13;
	_ =	sdelay $0x1  }
0x343: {  	[tilespmem:s28+$0x1A410] =	vst.add.f32.msk $0xffff, v14  }
0x344: {  	v14 =	vld [tilespmem:s5+$0xFFFFFFE0];
	_ =	sdelay $0x4  }
0x345: {  	v14 =	vmul.f32 v14, v13;
	_ =	sdelay $0x1  }
0x346: {  	[tilespmem:s28+$0x1A420] =	vst.add.f32.msk $0xffff, v14  }
0x347: {  	v14 =	vld [tilespmem:s5+$0xFFFFFFF0];
	_ =	sdelay $0x4  }
0x348: {  	v14 =	vmul.f32 v14, v13;
	_ =	sdelay $0x1  }
0x349: {  	[tilespmem:s28+$0x1A430] =	vst.add.f32.msk $0xffff, v14  }
0x34a: {  	v14 =	vld [tilespmem:s5+$0x0];
	_ =	sdelay $0x4  }
0x34b: {  	v14 =	vmul.f32 v14, v13;
	_ =	sdelay $0x1  }
0x34c: {  	[tilespmem:s28+$0x1A440] =	vst.add.f32.msk $0xffff, v14  }
0x34d: {  	v14 =	vld [tilespmem:s5+$0x10];
	_ =	sdelay $0x4  }
0x34e: {  	v14 =	vmul.f32 v14, v13;
	_ =	sdelay $0x1  }
0x34f: {  	[tilespmem:s28+$0x1A450] =	vst.add.f32.msk $0xffff, v14  }
0x350: {  	v14 =	vld [tilespmem:s5+$0x20];
	_ =	sdelay $0x4  }
0x351: {  	v14 =	vmul.f32 v14, v13;
	_ =	sdelay $0x1  }
0x352: {  	[tilespmem:s28+$0x1A460] =	vst.add.f32.msk $0xffff, v14  }
0x353: {  	v14 =	vld [tilespmem:s5+$0x30];
	_ =	sdelay $0x3  }
.Ltmp34:
0x354: {  	(pc) =	sbr.rel @p1 .LBB2_56-.Ltmp34, $3  }
0x355: {  	v14 =	vmul.f32 v14, v13;
	_ =	sdelay $0x1  }
0x356: {  	s5 =	sadd.s32 $0x400, s5;
	[tilespmem:s28+$0x1A470] =	vst.add.f32.msk $0xffff, v14  }
0x357: {  	s26 =	sadd.s32 $0x200, s26;
	v14 =	vld [tilespmem:s5+$0xFFFFFFC0]  }
0x358: {  	_ =	sdelay $0x3  }
0x359: {  	v14 =	vmul.f32 v14, v13  }
0x35a: {  	s1 =	sshra.s32 s14, $0x2  }
0x35b: {  	[tilespmem:s1+$0x1A400] =	vst.add.f32.msk $0xffff, v14  }
0x35c: {  	v14 =	vld [tilespmem:s5+$0xFFFFFFD0];
	_ =	sdelay $0x4  }
0x35d: {  	v14 =	vmul.f32 v14, v13;
	_ =	sdelay $0x1  }
0x35e: {  	[tilespmem:s1+$0x1A410] =	vst.add.f32.msk $0xffff, v14  }
0x35f: {  	v14 =	vld [tilespmem:s5+$0xFFFFFFE0];
	_ =	sdelay $0x4  }
0x360: {  	v14 =	vmul.f32 v14, v13;
	_ =	sdelay $0x1  }
0x361: {  	[tilespmem:s1+$0x1A420] =	vst.add.f32.msk $0xffff, v14  }
0x362: {  	v14 =	vld [tilespmem:s5+$0xFFFFFFF0];
	_ =	sdelay $0x4  }
0x363: {  	v14 =	vmul.f32 v14, v13;
	_ =	sdelay $0x1  }
0x364: {  	[tilespmem:s1+$0x1A430] =	vst.add.f32.msk $0xffff, v14  }
0x365: {  	v14 =	vld [tilespmem:s5+$0x0];
	_ =	sdelay $0x4  }
0x366: {  	v14 =	vmul.f32 v14, v13;
	_ =	sdelay $0x1  }
0x367: {  	[tilespmem:s1+$0x1A440] =	vst.add.f32.msk $0xffff, v14  }
0x368: {  	v14 =	vld [tilespmem:s5+$0x10];
	_ =	sdelay $0x4  }
0x369: {  	v14 =	vmul.f32 v14, v13;
	_ =	sdelay $0x1  }
0x36a: {  	[tilespmem:s1+$0x1A450] =	vst.add.f32.msk $0xffff, v14  }
0x36b: {  	v14 =	vld [tilespmem:s5+$0x20];
	_ =	sdelay $0x4  }
0x36c: {  	v14 =	vmul.f32 v14, v13;
	_ =	sdelay $0x1  }
0x36d: {  	[tilespmem:s1+$0x1A460] =	vst.add.f32.msk $0xffff, v14  }
0x36e: {  	v14 =	vld [tilespmem:s5+$0x30]  }
0x36f: {  	s3 =	sadd.s32 $0x1, s3  }
0x370: {  	p1 =	sne.s32 s3, $0x10  }
.Ltmp35:
0x371: {  	_ = 	snop;
	(pc) =	sbr.rel @p1 .LBB2_55-.Ltmp35, $3  }
0x372: {  	_ = 	snop  }
0x373: {  	v13 =	vmul.f32 v14, v13;
	_ =	sdelay $0x1  }
0x374: {  	s2 =	sadd.s32 $0x800, s2;
	s0 =	sadd.s32 $0x1, s0;
	[tilespmem:s1+$0x1A470] =	vst.add.f32.msk $0xffff, v13  }
0x375: {  	s0 =	rddreg [dreg:$0x9]  }
0x376: {  	s1 =	rddreg [dreg:$0x3]  }
0x377: {  	s30 =	simm.s32 $0x0;
	s2 =	simm.s32 $0x1A400;
	s0 =	sshll.u32 s0, $0x8  }
.Ltmp36:
0x378: {  	s31 =	simm.s32 $0x6;
	s0 =	sadd.s32 s1, s0;
	(pc) =	sbr.rel @p0 .LBB2_2-.Ltmp36, $4  }
0x379: {  	[hbm4b:s0+s30] =	stream.linear.scatter [tilespmem:s2], [sflag:$0x6], $0x800, $0x38;
	[tilespmem:$0x1CC00] =	vst v63  }
0x37a: {  	_ =	swait.ge [sflag:s31], $0x800  }
0x37b: {  	[sflag:s31] =	ssyncset.done $0x0  }
0x37c: {  	p1 =	por $0x0, $0x0;
	s0 =	simm.s32 $0x1;
	[sflag:s31] =	ssyncadd.s32 $0xFFFFF800  }
0x37d: {  	s1 =	rddreg [dreg:$0x8]  }
0x37e: {  	s0 =	rddreg [dreg:$0x7];
	s1 =	sadd.s32 $0x1, s1  }
0x37f: {  	p0 =	sne.s32 s1, s0  }
.Ltmp37:
0x380: {  	_ = 	snop;
	(pc) =	sbr.rel @p0 .LBB2_1-.Ltmp37, $1  }
0x381: {  	_ =	sdelay $0x3  }
0x382: {  	_ =	sfence.sel $0x180000  }
0x383: {  	[bflag:$0x0] =	sbarrier.arrive $0xFFFF  }
0x384: {  	_ =	strace $0x90000047  }
0x385: {  	s0 =	stileid.u32;
	[bflag:$0x2] =	sbarrier.arrive $0xFFFF  }
0x386: {  	p0 =	sne.s32 s0, $0x0;
	s0 =	rddreg [dreg:$0x2]  }
0x387: {  	s0 =	sadd.s32 @!p0 $0x100000, s0  }
0x388: {  	[sflag:s0] =	ssyncadd.tile.s32 @!p0 $0x1;
	_ =	shalt  }
.Lfunc_end2:
_tile_overlayer_lowered:
.L_overlay_start_2:
0x389: {  	(tag) =	ssettag $0x2  }
0x38a: {  	s0 =	rddreg [dreg:$0x0];
	s2 =	stileid.u32  }
0x38b: {  	s1 =	rddreg [dreg:$0x1];
	p0 =	sne.s32 s2, $0x0  }
0x38c: {  	s3 =	rddreg [dreg:$0x2];
	[bflag:$0x3] =	sbarrier.arrive $0xFFFF;
	s2 =	simm.s32 @!p0 $0x1C06  }
0x38d: {  	[timem:s3], [sflag:s2] =	dma.local @!p0 [hbm:s0], s1  }
0x38e: {  	s0 =	simm.s32 @!p0 $0x6  }
0x38f: {  	_ =	swait.ge @!p0 [sflag:s0], s1  }
0x390: {  	s1 =	ssub.s32 @!p0 $0x0, s1;
	[sflag:s0] =	ssyncset.done @!p0 $0x0  }
0x391: {  	[sflag:s0] =	ssyncadd.s32 @!p0 s1  }
0x392: {  	[bflag:$0x3] =	sbarrier.arrive $0xFFFF  }
0x393: {  	_ =	shalt  }

</sc_bundles>
